<compile_context>
chip_gen: v7x
topology: tpu7x:2x2x1
jax: 0.10.2.dev20260603
libtpu: 0.0.44.dev20260713+nightly
codegen_flags: <defaults>
</compile_context>

<pallas_src>
import functools

import jax
import jax.numpy as jnp
from jax import lax
from jax.experimental import pallas as pl
from jax.experimental.pallas import tpu as pltpu
from jax.experimental.pallas import tpu_sc as plsc

EPS = 1e-5
NUM_TILES = 32
TILES_PER_SC = 16
CHUNK = 128
FAST_FRAC = 0.6
FAST_CID = 0

_MESH = dict(core_axis_name="c", subcore_axis_name="s")
_CPARAMS = pltpu.CompilerParams(needs_layout_passes=False,
                                use_tc_tiling_on_sc=False)


def _chunk_split(total_per_pair):
    ncf = int(round(total_per_pair * FAST_FRAC))
    return ncf, total_per_pair - ncf



@functools.lru_cache(maxsize=None)
def _make_deg_kernel(n_pad, ept):
    rpt = n_pad // TILES_PER_SC

    @functools.partial(
        pl.kernel,
        out_type=jax.ShapeDtypeStruct((2, n_pad), jnp.float32),
        mesh=plsc.VectorSubcoreMesh(**_MESH),
        compiler_params=_CPARAMS,
        scratch_types=[
            pltpu.VMEM((ept,), jnp.int32),
            pltpu.VMEM((n_pad,), jnp.float32),
            pltpu.VMEM((TILES_PER_SC, rpt), jnp.float32),
            pltpu.VMEM((rpt,), jnp.float32),
            pltpu.VMEM_SHARED((TILES_PER_SC, n_pad), jnp.float32),
        ],
    )
    def deg_kernel(dst_hbm, out_hbm, dst_v, hist_v, buf_v, red_v, stage_sh):
        cid = lax.axis_index("c")
        sid = lax.axis_index("s")
        w = cid * TILES_PER_SC + sid
        zeros = jnp.zeros((16,), jnp.float32)
        ones = jnp.ones((16,), jnp.float32)

        def zb(i, _):
            hist_v[pl.ds(i * 16, 16)] = zeros
            return 0
        lax.fori_loop(0, n_pad // 16, zb, 0)

        pltpu.sync_copy(dst_hbm.at[w], dst_v)

        def hb(i, _):
            idx = dst_v[pl.ds(i * 16, 16)]
            plsc.addupdate_scatter(hist_v, [idx], ones)
            return 0
        lax.fori_loop(0, ept // 16, hb, 0)

        pltpu.sync_copy(hist_v, stage_sh.at[sid])
        plsc.subcore_barrier()

        for r in range(TILES_PER_SC):
            pltpu.sync_copy(stage_sh.at[r, pl.ds(sid * rpt, rpt)], buf_v.at[r])

        def zr(i, _):
            red_v[pl.ds(i * 16, 16)] = zeros
            return 0
        lax.fori_loop(0, rpt // 16, zr, 0)
        for r in range(TILES_PER_SC):
            def rb(i, _, r=r):
                s = pl.ds(i * 16, 16)
                red_v[s] = red_v[s] + buf_v[r, s]
                return 0
            lax.fori_loop(0, rpt // 16, rb, 0)

        pltpu.sync_copy(red_v, out_hbm.at[cid, pl.ds(sid * rpt, rpt)])

    return deg_kernel


@functools.lru_cache(maxsize=None)
def _make_prop_kernel(n_pad, d, ncf, ncs, nparts):
    rpt = n_pad // TILES_PER_SC
    ncmax = max(ncf, ncs)

    @functools.partial(
        pl.kernel,
        out_type=[jax.ShapeDtypeStruct((2, n_pad, d), jnp.float32)
                  for _ in range(nparts)],
        mesh=plsc.VectorSubcoreMesh(**_MESH),
        compiler_params=_CPARAMS,
        scratch_types=[
            pltpu.VMEM((ncmax, CHUNK), jnp.int32),
            pltpu.VMEM((ncmax, CHUNK), jnp.int32),
            pltpu.VMEM((CHUNK, d), jnp.float32),
            pltpu.VMEM_SHARED((n_pad, d), jnp.float32),
            pltpu.SemaphoreType.DMA,
            pltpu.SemaphoreType.DMA,
        ],
    )
    def prop_kernel(*refs):
        y_hbms = refs[:nparts]
        src_hbm, dst_hbm = refs[nparts:nparts + 2]
        out_hbms = refs[nparts + 2:2 * nparts + 2]
        src_v, dst_v, rows_v, acc_sh, gsem, ssem = refs[2 * nparts + 2:]
        cid = lax.axis_index("c")
        sid = lax.axis_index("s")
        w = cid * TILES_PER_SC + sid
        nchunk = jnp.where(cid == FAST_CID, ncf, ncs)
        zeros = jnp.zeros((16,), jnp.float32)

        pltpu.sync_copy(src_hbm.at[w], src_v)
        pltpu.sync_copy(dst_hbm.at[w], dst_v)

        def zero_stripe():
            def zb(i, _):
                r = i // (d // 16)
                c = i % (d // 16)
                rows_v[r, pl.ds(c * 16, 16)] = zeros
                return 0
            lax.fori_loop(0, CHUNK * (d // 16), zb, 0)
            for j in range(rpt // CHUNK):
                pltpu.sync_copy(rows_v,
                                acc_sh.at[pl.ds(sid * rpt + j * CHUNK,
                                                CHUNK)])

        for p in range(nparts):
            zero_stripe()
            plsc.subcore_barrier()

            def body(k, _, y_hbm=y_hbms[p]):
                pltpu.async_copy(y_hbm.at[src_v.at[k]], rows_v, gsem).wait()
                pltpu.async_copy(rows_v, acc_sh.at[dst_v.at[k]],
                                 ssem, add=True).wait()
                return 0
            lax.fori_loop(0, nchunk, body, 0)

            plsc.subcore_barrier()
            pltpu.sync_copy(acc_sh.at[pl.ds(sid * rpt, rpt)],
                            out_hbms[p].at[cid, pl.ds(sid * rpt, rpt)])

    return prop_kernel



def _tc1_body(n, x_ref, w1_ref, degt_ref, y1a_ref, y1b_ref, dinv_ref):
    deg = degt_ref[:, 0:1] + degt_ref[:, 1:2] + 1.0
    dinv = lax.rsqrt(deg)[:n, :]
    xw = jnp.dot(x_ref[...], w1_ref[...], preferred_element_type=jnp.float32)
    y = xw * dinv
    half = y.shape[1] // 2
    y1a_ref[...] = y[:, :half]
    y1b_ref[...] = y[:, half:]
    dinv_ref[...] = dinv


def _tc2_body(n, acca_ref, accb_ref, y1a_ref, y1b_ref, dinv_ref, b1_ref,
              g_ref, be_ref, mu_ref, var_ref, w2_ref, y2_ref):
    dinv = dinv_ref[...]
    s1 = jnp.concatenate(
        [acca_ref[0, :n, :] + acca_ref[1, :n, :] + y1a_ref[...],
         accb_ref[0, :n, :] + accb_ref[1, :n, :] + y1b_ref[...]], axis=1)
    out1 = dinv * s1 + b1_ref[...]
    scale = lax.rsqrt(var_ref[...] + EPS) * g_ref[...]
    h = jnp.maximum(out1 * scale + (be_ref[...] - mu_ref[...] * scale), 0.0)
    y2_ref[...] = jnp.dot(h, w2_ref[...],
                          preferred_element_type=jnp.float32) * dinv


def _tc3_body(n, acc_ref, y2_ref, dinv_ref, b2_ref, cc_ref, t_ref,
              emb_ref, soft_ref):
    emb = dinv_ref[...] * (acc_ref[0, :n, :] + acc_ref[1, :n, :]
                           + y2_ref[...]) + b2_ref[...]
    emb_ref[...] = emb
    sims = lax.dot_general(emb, cc_ref[...], (((1,), (1,)), ((), ())),
                           preferred_element_type=jnp.float32)
    logits = sims / t_ref[...]
    m = jnp.max(logits, axis=1, keepdims=True)
    e = jnp.exp(logits - m)
    soft_ref[...] = e / jnp.sum(e, axis=1, keepdims=True)



def kernel(x, edge_index, W1, b1, bn_gamma, bn_beta, bn_mean, bn_var,
           W2, b2, cluster_centers, temperature):
    n, d_in = x.shape
    d_h = W1.shape[1]
    d_emb = W2.shape[1]
    e = edge_index.shape[1]
    k = cluster_centers.shape[0]

    n_pad = -(-n // (16 * TILES_PER_SC)) * (16 * TILES_PER_SC)
    nchunk_pair = 2 * (-(-e // (NUM_TILES * CHUNK)))
    ncf, ncs = _chunk_split(nchunk_pair)
    e_pad = TILES_PER_SC * nchunk_pair * CHUNK

    src = edge_index[0]
    dst = edge_index[1]
    src_flat = jnp.concatenate([src, jnp.zeros((e_pad - e,), jnp.int32)])
    dst_flat = jnp.concatenate([dst, jnp.full((e_pad - e,), n, jnp.int32)])

    def to_tiles(flat, fill):
        ncmax = max(ncf, ncs)
        chunks = flat.reshape(-1, CHUNK)
        nf = TILES_PER_SC * ncf
        fast = chunks[:nf].reshape(TILES_PER_SC, ncf, CHUNK)
        slow = chunks[nf:].reshape(TILES_PER_SC, ncs, CHUNK)
        if ncs < ncmax:
            pad = jnp.full((TILES_PER_SC, ncmax - ncs, CHUNK), fill,
                           jnp.int32)
            slow = jnp.concatenate([slow, pad], axis=1)
        if ncf < ncmax:
            pad = jnp.full((TILES_PER_SC, ncmax - ncf, CHUNK), fill,
                           jnp.int32)
            fast = jnp.concatenate([fast, pad], axis=1)
        both = (fast, slow) if FAST_CID == 0 else (slow, fast)
        return jnp.concatenate(both, axis=0)

    src_p = to_tiles(src_flat, 0)
    dst_p = to_tiles(dst_flat, n)

    ept_deg = e_pad // NUM_TILES
    deg_parts = _make_deg_kernel(n_pad, ept_deg)(
        dst_flat.reshape(NUM_TILES, ept_deg))
    degt = deg_parts.T

    half = d_h // 2
    y1a, y1b, dinv = pl.pallas_call(
        functools.partial(_tc1_body, n),
        out_shape=[jax.ShapeDtypeStruct((n, half), jnp.float32),
                   jax.ShapeDtypeStruct((n, half), jnp.float32),
                   jax.ShapeDtypeStruct((n, 1), jnp.float32)],
    )(x, W1, degt)

    prop = _make_prop_kernel(n_pad, half, ncf, ncs, 1)
    acc1a, = prop(y1a, src_p, dst_p)
    acc1b, = prop(y1b, src_p, dst_p)

    y2 = pl.pallas_call(
        functools.partial(_tc2_body, n),
        out_shape=jax.ShapeDtypeStruct((n, d_emb), jnp.float32),
    )(acc1a, acc1b, y1a, y1b, dinv, b1.reshape(1, d_h),
      bn_gamma.reshape(1, d_h), bn_beta.reshape(1, d_h),
      bn_mean.reshape(1, d_h), bn_var.reshape(1, d_h), W2)

    acc2, = _make_prop_kernel(n_pad, d_emb, ncf, ncs, 1)(y2, src_p, dst_p)

    emb, soft = pl.pallas_call(
        functools.partial(_tc3_body, n),
        out_shape=[jax.ShapeDtypeStruct((n, d_emb), jnp.float32),
                   jax.ShapeDtypeStruct((n, k), jnp.float32)],
    )(acc2, y2, dinv, b2.reshape(1, d_emb), cluster_centers,
      temperature.reshape(1, 1))

    return emb, soft

# --- scband reference (transcript-rebuilt; emitter-appended) ---
"""Pipeline reference for scband-deep-clustering-model-893353197862 (READ-ONLY COPY).

The authoritative reference and input builder live on the scoring server;
editing this copy changes nothing except your own understanding.
"""

import jax, jax.numpy as jnp
import numpy as np

N = 10000
E = 320000
D_IN = 128
D_H = 128
D_EMB = 64
K = 16
EPS = 1e-5


def gcn_conv(x, edge_index, W, b):
    # PyG GCNConv (eval): add self loops, symmetric normalization, x @ W then propagate
    src = edge_index[0]
    dst = edge_index[1]
    n = x.shape[0]
    loop = jnp.arange(n, dtype=src.dtype)
    src = jnp.concatenate([src, loop])
    dst = jnp.concatenate([dst, loop])
    xw = x @ W
    deg = jnp.zeros((n,), jnp.float32).at[dst].add(1.0)
    dinv = jax.lax.rsqrt(deg)
    norm = dinv[src] * dinv[dst]
    msg = jnp.take(xw, src, axis=0) * norm[:, None]
    out = jnp.zeros((n, W.shape[1]), jnp.float32).at[dst].add(msg)
    return out + b


def setup_inputs(seed: int = 0) -> dict:
    key = jax.random.key(seed)
    ks = jax.random.split(key, 10)
    x = jax.random.normal(ks[0], (N, D_IN), dtype=jnp.float32)
    edge_index = jax.random.randint(ks[1], (2, E), 0, N, dtype=jnp.int32)
    W1 = jax.random.normal(ks[2], (D_IN, D_H), dtype=jnp.float32) * (1.0 / np.sqrt(D_IN))
    b1 = jnp.zeros((D_H,), jnp.float32)
    bn_gamma = jnp.ones((D_H,), jnp.float32)
    bn_beta = jnp.zeros((D_H,), jnp.float32)
    bn_mean = jnp.zeros((D_H,), jnp.float32)
    bn_var = jnp.ones((D_H,), jnp.float32)
    W2 = jax.random.normal(ks[3], (D_H, D_EMB), dtype=jnp.float32) * (1.0 / np.sqrt(D_H))
    b2 = jnp.zeros((D_EMB,), jnp.float32)
    cluster_centers = jax.random.normal(ks[4], (K, D_EMB), dtype=jnp.float32)
    temperature = jnp.ones((1,), jnp.float32)
    return {
        "x": x,
        "edge_index": edge_index,
        "W1": W1,
        "b1": b1,
        "bn_gamma": bn_gamma,
        "bn_beta": bn_beta,
        "bn_mean": bn_mean,
        "bn_var": bn_var,
        "W2": W2,
        "b2": b2,
        "cluster_centers": cluster_centers,
        "temperature": temperature,
    }


def reference(x, edge_index, W1, b1, bn_gamma, bn_beta, bn_mean, bn_var, W2, b2, cluster_centers, temperature):
    # GCNEncoder with num_layers=2 (eval mode: dropout is identity, BN uses running stats)
    h = gcn_conv(x, edge_index, W1, b1)
    h = (h - bn_mean) * jax.lax.rsqrt(bn_var + EPS) * bn_gamma + bn_beta
    h = jax.nn.relu(h)
    emb = gcn_conv(h, edge_index, W2, b2)
    sims = emb @ cluster_centers.T
    logits = sims / temperature
    soft = jax.nn.softmax(logits, axis=1)
    return emb, soft

if __name__ == "__main__":
    import jax
    _d = setup_inputs()
    print(jax.jit(kernel)(*tuple(_d.values())))

</pallas_src>

<mosaic_0001>
#map = affine_map<(d0, d1) -> (0, 0)>
#map1 = affine_map<(d0, d1) -> (0, 0, 0)>
module attributes {stable_mosaic.version = 14 : i64} {
  func.func @prop_kernel(%arg0: i32, %arg1: i32, %arg2: memref<10000x64xf32, #tpu.memory_space<hbm>>, %arg3: memref<32x95x128xi32, #tpu.memory_space<hbm>>, %arg4: memref<32x95x128xi32, #tpu.memory_space<hbm>>, %arg5: memref<2x10240x64xf32, #tpu.memory_space<hbm>>, %arg6: memref<95x128xi32, #tpu.memory_space<vmem>>, %arg7: memref<95x128xi32, #tpu.memory_space<vmem>>, %arg8: memref<128x64xf32, #tpu.memory_space<vmem>>, %arg9: memref<10240x64xf32, #tpu.memory_space<vmem_shared>>, %arg10: memref<!tpu.dma_semaphore, #tpu.memory_space<semaphore_mem>>, %arg11: memref<!tpu.dma_semaphore, #tpu.memory_space<semaphore_mem>>) attributes {dimension_semantics = [#tpu.dimension_semantics<core_parallel>, #tpu.dimension_semantics<subcore_parallel>], iteration_bounds = array<i64: 2, 16>, scalar_prefetch = 0 : i64, scratch_operands = 6 : i64, tpu.core_type = #tpu.core_type<sc_vector_subcore>, window_params = [{transform_indices = #map}, {transform_indices = #map1}, {transform_indices = #map1}, {transform_indices = #map1}]} {
    %mul3A = arith.constant 16 : i32
    %mul3A_0 = arith.muli %arg0, %mul3A : i32
    %add3A = arith.addi %mul3A_0, %arg1 : i32
    %eq3A = arith.constant 0 : i32
    %eq3A_1 = arith.cmpi eq, %arg0, %eq3A : i32
    %jit3A = arith.constant 95 : i32
    %jit3A_2 = arith.constant 63 : i32
    %select_n3A = arith.select %eq3A_1, %jit3A, %jit3A_2 : i32
    %broadcast_in_dim3A = arith.constant 0.000000e+00 : f32
    %broadcast_in_dim3A_3 = vector.broadcast %broadcast_in_dim3A : f32 to vector<16xf32>
    "tpu.region"() ({
      %run_scoped3A = tpu.sem_alloc : memref<!tpu.dma_semaphore, #tpu.memory_space<semaphore_mem>>
      %dma_start3A = arith.constant 0 : i32
      %dma_start3A_46 = arith.constant 0 : i32
      %dma_start3A_47 = tpu.memref_slice %arg3[%add3A, %dma_start3A, %dma_start3A_46] : memref<32x95x128xi32, #tpu.memory_space<hbm>> -> memref<1x95x128xi32, #tpu.memory_space<hbm>>
      %dma_start3A_48 = tpu.memref_squeeze %dma_start3A_47 : memref<1x95x128xi32, #tpu.memory_space<hbm>> -> memref<95x128xi32, #tpu.memory_space<hbm>>
      %dma_start3A_49 = arith.constant 0 : i32
      %dma_start3A_50 = arith.constant 0 : i32
      %dma_start3A_51 = tpu.memref_slice %arg3[%add3A, %dma_start3A_49, %dma_start3A_50] : memref<32x95x128xi32, #tpu.memory_space<hbm>> -> memref<1x95x128xi32, #tpu.memory_space<hbm>>
      %dma_start3A_52 = tpu.memref_squeeze %dma_start3A_51 : memref<1x95x128xi32, #tpu.memory_space<hbm>> -> memref<95x128xi32, #tpu.memory_space<hbm>>
      tpu.enqueue_dma source(%dma_start3A_52 : memref<95x128xi32, #tpu.memory_space<hbm>>) target(%arg6 : memref<95x128xi32, #tpu.memory_space<vmem>>) target_semaphore(%run_scoped3A : memref<!tpu.dma_semaphore, #tpu.memory_space<semaphore_mem>>)
      %dma_wait3A = arith.constant 0 : i32
      %dma_wait3A_53 = arith.constant 0 : i32
      %dma_wait3A_54 = tpu.memref_slice %arg3[%add3A, %dma_wait3A, %dma_wait3A_53] : memref<32x95x128xi32, #tpu.memory_space<hbm>> -> memref<1x95x128xi32, #tpu.memory_space<hbm>>
      %dma_wait3A_55 = tpu.memref_squeeze %dma_wait3A_54 : memref<1x95x128xi32, #tpu.memory_space<hbm>> -> memref<95x128xi32, #tpu.memory_space<hbm>>
      %dma_wait3A_56 = arith.constant 0 : i32
      %dma_wait3A_57 = arith.constant 0 : i32
      %dma_wait3A_58 = tpu.memref_slice %arg3[%add3A, %dma_wait3A_56, %dma_wait3A_57] : memref<32x95x128xi32, #tpu.memory_space<hbm>> -> memref<1x95x128xi32, #tpu.memory_space<hbm>>
      %dma_wait3A_59 = tpu.memref_squeeze %dma_wait3A_58 : memref<1x95x128xi32, #tpu.memory_space<hbm>> -> memref<95x128xi32, #tpu.memory_space<hbm>>
      tpu.wait_dma2 semaphore(%run_scoped3A : memref<!tpu.dma_semaphore, #tpu.memory_space<semaphore_mem>>) src(%dma_wait3A_59 : memref<95x128xi32, #tpu.memory_space<hbm>>) dst(%arg6 : memref<95x128xi32, #tpu.memory_space<vmem>>)
      tpu.yield
    }) : () -> ()
    "tpu.region"() ({
      %run_scoped3A = tpu.sem_alloc : memref<!tpu.dma_semaphore, #tpu.memory_space<semaphore_mem>>
      %dma_start3A = arith.constant 0 : i32
      %dma_start3A_46 = arith.constant 0 : i32
      %dma_start3A_47 = tpu.memref_slice %arg4[%add3A, %dma_start3A, %dma_start3A_46] : memref<32x95x128xi32, #tpu.memory_space<hbm>> -> memref<1x95x128xi32, #tpu.memory_space<hbm>>
      %dma_start3A_48 = tpu.memref_squeeze %dma_start3A_47 : memref<1x95x128xi32, #tpu.memory_space<hbm>> -> memref<95x128xi32, #tpu.memory_space<hbm>>
      %dma_start3A_49 = arith.constant 0 : i32
      %dma_start3A_50 = arith.constant 0 : i32
      %dma_start3A_51 = tpu.memref_slice %arg4[%add3A, %dma_start3A_49, %dma_start3A_50] : memref<32x95x128xi32, #tpu.memory_space<hbm>> -> memref<1x95x128xi32, #tpu.memory_space<hbm>>
      %dma_start3A_52 = tpu.memref_squeeze %dma_start3A_51 : memref<1x95x128xi32, #tpu.memory_space<hbm>> -> memref<95x128xi32, #tpu.memory_space<hbm>>
      tpu.enqueue_dma source(%dma_start3A_52 : memref<95x128xi32, #tpu.memory_space<hbm>>) target(%arg7 : memref<95x128xi32, #tpu.memory_space<vmem>>) target_semaphore(%run_scoped3A : memref<!tpu.dma_semaphore, #tpu.memory_space<semaphore_mem>>)
      %dma_wait3A = arith.constant 0 : i32
      %dma_wait3A_53 = arith.constant 0 : i32
      %dma_wait3A_54 = tpu.memref_slice %arg4[%add3A, %dma_wait3A, %dma_wait3A_53] : memref<32x95x128xi32, #tpu.memory_space<hbm>> -> memref<1x95x128xi32, #tpu.memory_space<hbm>>
      %dma_wait3A_55 = tpu.memref_squeeze %dma_wait3A_54 : memref<1x95x128xi32, #tpu.memory_space<hbm>> -> memref<95x128xi32, #tpu.memory_space<hbm>>
      %dma_wait3A_56 = arith.constant 0 : i32
      %dma_wait3A_57 = arith.constant 0 : i32
      %dma_wait3A_58 = tpu.memref_slice %arg4[%add3A, %dma_wait3A_56, %dma_wait3A_57] : memref<32x95x128xi32, #tpu.memory_space<hbm>> -> memref<1x95x128xi32, #tpu.memory_space<hbm>>
      %dma_wait3A_59 = tpu.memref_squeeze %dma_wait3A_58 : memref<1x95x128xi32, #tpu.memory_space<hbm>> -> memref<95x128xi32, #tpu.memory_space<hbm>>
      tpu.wait_dma2 semaphore(%run_scoped3A : memref<!tpu.dma_semaphore, #tpu.memory_space<semaphore_mem>>) src(%dma_wait3A_59 : memref<95x128xi32, #tpu.memory_space<hbm>>) dst(%arg7 : memref<95x128xi32, #tpu.memory_space<vmem>>)
      tpu.yield
    }) : () -> ()
    %scan3A = arith.constant 0 : i32
    %scan3A_4 = arith.constant 0 : i32
    %scan3A_5 = arith.constant 512 : i32
    %scan3A_6 = arith.addi %scan3A_4, %scan3A_5 : i32
    %scan3A_7 = arith.constant 1 : i32
    %scan3A_8 = scf.for %scan3A_46 = %scan3A_4 to %scan3A_6 step %scan3A_7 iter_args(%scan3A_47 = %scan3A) -> (i32)  : i32 {
      %jit3A_48 = arith.constant 4 : i32
      %div3A = arith.divsi %scan3A_46, %jit3A_48 : i32
      %sign3A = arith.constant 0 : i32
      %sign3A_49 = arith.cmpi sgt, %scan3A_46, %sign3A : i32
      %sign3A_50 = arith.extui %sign3A_49 : i1 to i32
      %sign3A_51 = arith.constant 0 : i32
      %sign3A_52 = arith.cmpi slt, %scan3A_46, %sign3A_51 : i32
      %sign3A_53 = arith.extui %sign3A_52 : i1 to i32
      %sign3A_54 = arith.subi %sign3A_50, %sign3A_53 : i32
      %sign3A_55 = arith.constant 0 : i32
      %sign3A_56 = arith.cmpi sgt, %jit3A_48, %sign3A_55 : i32
      %sign3A_57 = arith.extui %sign3A_56 : i1 to i32
      %sign3A_58 = arith.constant 0 : i32
      %sign3A_59 = arith.cmpi slt, %jit3A_48, %sign3A_58 : i32
      %sign3A_60 = arith.extui %sign3A_59 : i1 to i32
      %sign3A_61 = arith.subi %sign3A_57, %sign3A_60 : i32
      %ne3A = arith.cmpi ne, %sign3A_54, %sign3A_61 : i32
      %rem3A = arith.remsi %scan3A_46, %jit3A_48 : i32
      %ne3A_62 = arith.constant 0 : i32
      %ne3A_63 = arith.cmpi ne, %rem3A, %ne3A_62 : i32
      %and3A = arith.andi %ne3A, %ne3A_63 : i1
      %sub3A = arith.constant 1 : i32
      %sub3A_64 = arith.subi %div3A, %sub3A : i32
      %select_n3A_65 = arith.select %and3A, %sub3A_64, %div3A : i32
      %jit3A_66 = arith.constant 4 : i32
      %eq3A_67 = arith.constant 0 : i32
      %eq3A_68 = arith.cmpi eq, %jit3A_66, %eq3A_67 : i32
      %jit3A_69 = arith.constant 1 : i32
      %select_n3A_70 = arith.select %eq3A_68, %jit3A_69, %jit3A_66 : i32
      %rem3A_71 = arith.remsi %scan3A_46, %select_n3A_70 : i32
      %ne3A_72 = arith.constant 0 : i32
      %ne3A_73 = arith.cmpi ne, %rem3A_71, %ne3A_72 : i32
      %lt3A = arith.constant 0 : i32
      %lt3A_74 = arith.cmpi slt, %rem3A_71, %lt3A : i32
      %lt3A_75 = arith.constant 0 : i32
      %lt3A_76 = arith.cmpi slt, %select_n3A_70, %lt3A_75 : i32
      %ne3A_77 = arith.xori %lt3A_74, %lt3A_76 : i1
      %and3A_78 = arith.andi %ne3A_77, %ne3A_73 : i1
      %add3A_79 = arith.addi %rem3A_71, %select_n3A_70 : i32
      %select_n3A_80 = arith.select %and3A_78, %add3A_79, %rem3A_71 : i32
      %mul3A_81 = arith.constant 16 : i32
      %mul3A_82 = arith.muli %select_n3A_80, %mul3A_81 : i32
      %swap3A = arith.index_cast %select_n3A_65 : i32 to index
      %swap3A_83 = arith.index_cast %mul3A_82 : i32 to index
      %swap3A_84 = tpu.vector_load %arg8[%swap3A, %swap3A_83] {strides = array<i32>} : memref<128x64xf32, #tpu.memory_space<vmem>>, vector<16xf32>,
      tpu.vector_store %arg8[%swap3A, %swap3A_83], %broadcast_in_dim3A_3 {strides = array<i32>} : memref<128x64xf32, #tpu.memory_space<vmem>>, vector<16xf32>,
      %scan3A_85 = arith.constant 0 : i32
      scf.yield %scan3A_85 : i32
    }
    %scan3A_9 = arith.constant 512 : i32
    %mul3A_10 = arith.constant 640 : i32
    %mul3A_11 = arith.muli %arg1, %mul3A_10 : i32
    %add3A_12 = arith.constant 0 : i32
    %add3A_13 = arith.addi %mul3A_11, %add3A_12 : i32
    "tpu.region"() ({
      %run_scoped3A = tpu.sem_alloc : memref<!tpu.dma_semaphore, #tpu.memory_space<semaphore_mem>>
      %dma_start3A = arith.constant 0 : i32
      %dma_start3A_46 = tpu.memref_slice %arg9[%add3A_13, %dma_start3A] : memref<10240x64xf32, #tpu.memory_space<vmem_shared>> -> memref<128x64xf32, #tpu.memory_space<vmem_shared>>
      %dma_start3A_47 = arith.constant 0 : i32
      %dma_start3A_48 = tpu.memref_slice %arg9[%add3A_13, %dma_start3A_47] : memref<10240x64xf32, #tpu.memory_space<vmem_shared>> -> memref<128x64xf32, #tpu.memory_space<vmem_shared>>
      tpu.enqueue_dma source(%arg8 : memref<128x64xf32, #tpu.memory_space<vmem>>) target(%dma_start3A_48 : memref<128x64xf32, #tpu.memory_space<vmem_shared>>) target_semaphore(%run_scoped3A : memref<!tpu.dma_semaphore, #tpu.memory_space<semaphore_mem>>)
      %dma_wait3A = arith.constant 0 : i32
      %dma_wait3A_49 = tpu.memref_slice %arg9[%add3A_13, %dma_wait3A] : memref<10240x64xf32, #tpu.memory_space<vmem_shared>> -> memref<128x64xf32, #tpu.memory_space<vmem_shared>>
      %dma_wait3A_50 = arith.constant 0 : i32
      %dma_wait3A_51 = tpu.memref_slice %arg9[%add3A_13, %dma_wait3A_50] : memref<10240x64xf32, #tpu.memory_space<vmem_shared>> -> memref<128x64xf32, #tpu.memory_space<vmem_shared>>
      tpu.wait_dma2 semaphore(%run_scoped3A : memref<!tpu.dma_semaphore, #tpu.memory_space<semaphore_mem>>) src(%arg8 : memref<128x64xf32, #tpu.memory_space<vmem>>) dst(%dma_wait3A_51 : memref<128x64xf32, #tpu.memory_space<vmem_shared>>)
      tpu.yield
    }) : () -> ()
    %mul3A_14 = arith.constant 640 : i32
    %mul3A_15 = arith.muli %arg1, %mul3A_14 : i32
    %add3A_16 = arith.constant 128 : i32
    %add3A_17 = arith.addi %mul3A_15, %add3A_16 : i32
    "tpu.region"() ({
      %run_scoped3A = tpu.sem_alloc : memref<!tpu.dma_semaphore, #tpu.memory_space<semaphore_mem>>
      %dma_start3A = arith.constant 0 : i32
      %dma_start3A_46 = tpu.memref_slice %arg9[%add3A_17, %dma_start3A] : memref<10240x64xf32, #tpu.memory_space<vmem_shared>> -> memref<128x64xf32, #tpu.memory_space<vmem_shared>>
      %dma_start3A_47 = arith.constant 0 : i32
      %dma_start3A_48 = tpu.memref_slice %arg9[%add3A_17, %dma_start3A_47] : memref<10240x64xf32, #tpu.memory_space<vmem_shared>> -> memref<128x64xf32, #tpu.memory_space<vmem_shared>>
      tpu.enqueue_dma source(%arg8 : memref<128x64xf32, #tpu.memory_space<vmem>>) target(%dma_start3A_48 : memref<128x64xf32, #tpu.memory_space<vmem_shared>>) target_semaphore(%run_scoped3A : memref<!tpu.dma_semaphore, #tpu.memory_space<semaphore_mem>>)
      %dma_wait3A = arith.constant 0 : i32
      %dma_wait3A_49 = tpu.memref_slice %arg9[%add3A_17, %dma_wait3A] : memref<10240x64xf32, #tpu.memory_space<vmem_shared>> -> memref<128x64xf32, #tpu.memory_space<vmem_shared>>
      %dma_wait3A_50 = arith.constant 0 : i32
      %dma_wait3A_51 = tpu.memref_slice %arg9[%add3A_17, %dma_wait3A_50] : memref<10240x64xf32, #tpu.memory_space<vmem_shared>> -> memref<128x64xf32, #tpu.memory_space<vmem_shared>>
      tpu.wait_dma2 semaphore(%run_scoped3A : memref<!tpu.dma_semaphore, #tpu.memory_space<semaphore_mem>>) src(%arg8 : memref<128x64xf32, #tpu.memory_space<vmem>>) dst(%dma_wait3A_51 : memref<128x64xf32, #tpu.memory_space<vmem_shared>>)
      tpu.yield
    }) : () -> ()
    %mul3A_18 = arith.constant 640 : i32
    %mul3A_19 = arith.muli %arg1, %mul3A_18 : i32
    %add3A_20 = arith.constant 256 : i32
    %add3A_21 = arith.addi %mul3A_19, %add3A_20 : i32
    "tpu.region"() ({
      %run_scoped3A = tpu.sem_alloc : memref<!tpu.dma_semaphore, #tpu.memory_space<semaphore_mem>>
      %dma_start3A = arith.constant 0 : i32
      %dma_start3A_46 = tpu.memref_slice %arg9[%add3A_21, %dma_start3A] : memref<10240x64xf32, #tpu.memory_space<vmem_shared>> -> memref<128x64xf32, #tpu.memory_space<vmem_shared>>
      %dma_start3A_47 = arith.constant 0 : i32
      %dma_start3A_48 = tpu.memref_slice %arg9[%add3A_21, %dma_start3A_47] : memref<10240x64xf32, #tpu.memory_space<vmem_shared>> -> memref<128x64xf32, #tpu.memory_space<vmem_shared>>
      tpu.enqueue_dma source(%arg8 : memref<128x64xf32, #tpu.memory_space<vmem>>) target(%dma_start3A_48 : memref<128x64xf32, #tpu.memory_space<vmem_shared>>) target_semaphore(%run_scoped3A : memref<!tpu.dma_semaphore, #tpu.memory_space<semaphore_mem>>)
      %dma_wait3A = arith.constant 0 : i32
      %dma_wait3A_49 = tpu.memref_slice %arg9[%add3A_21, %dma_wait3A] : memref<10240x64xf32, #tpu.memory_space<vmem_shared>> -> memref<128x64xf32, #tpu.memory_space<vmem_shared>>
      %dma_wait3A_50 = arith.constant 0 : i32
      %dma_wait3A_51 = tpu.memref_slice %arg9[%add3A_21, %dma_wait3A_50] : memref<10240x64xf32, #tpu.memory_space<vmem_shared>> -> memref<128x64xf32, #tpu.memory_space<vmem_shared>>
      tpu.wait_dma2 semaphore(%run_scoped3A : memref<!tpu.dma_semaphore, #tpu.memory_space<semaphore_mem>>) src(%arg8 : memref<128x64xf32, #tpu.memory_space<vmem>>) dst(%dma_wait3A_51 : memref<128x64xf32, #tpu.memory_space<vmem_shared>>)
      tpu.yield
    }) : () -> ()
    %mul3A_22 = arith.constant 640 : i32
    %mul3A_23 = arith.muli %arg1, %mul3A_22 : i32
    %add3A_24 = arith.constant 384 : i32
    %add3A_25 = arith.addi %mul3A_23, %add3A_24 : i32
    "tpu.region"() ({
      %run_scoped3A = tpu.sem_alloc : memref<!tpu.dma_semaphore, #tpu.memory_space<semaphore_mem>>
      %dma_start3A = arith.constant 0 : i32
      %dma_start3A_46 = tpu.memref_slice %arg9[%add3A_25, %dma_start3A] : memref<10240x64xf32, #tpu.memory_space<vmem_shared>> -> memref<128x64xf32, #tpu.memory_space<vmem_shared>>
      %dma_start3A_47 = arith.constant 0 : i32
      %dma_start3A_48 = tpu.memref_slice %arg9[%add3A_25, %dma_start3A_47] : memref<10240x64xf32, #tpu.memory_space<vmem_shared>> -> memref<128x64xf32, #tpu.memory_space<vmem_shared>>
      tpu.enqueue_dma source(%arg8 : memref<128x64xf32, #tpu.memory_space<vmem>>) target(%dma_start3A_48 : memref<128x64xf32, #tpu.memory_space<vmem_shared>>) target_semaphore(%run_scoped3A : memref<!tpu.dma_semaphore, #tpu.memory_space<semaphore_mem>>)
      %dma_wait3A = arith.constant 0 : i32
      %dma_wait3A_49 = tpu.memref_slice %arg9[%add3A_25, %dma_wait3A] : memref<10240x64xf32, #tpu.memory_space<vmem_shared>> -> memref<128x64xf32, #tpu.memory_space<vmem_shared>>
      %dma_wait3A_50 = arith.constant 0 : i32
      %dma_wait3A_51 = tpu.memref_slice %arg9[%add3A_25, %dma_wait3A_50] : memref<10240x64xf32, #tpu.memory_space<vmem_shared>> -> memref<128x64xf32, #tpu.memory_space<vmem_shared>>
      tpu.wait_dma2 semaphore(%run_scoped3A : memref<!tpu.dma_semaphore, #tpu.memory_space<semaphore_mem>>) src(%arg8 : memref<128x64xf32, #tpu.memory_space<vmem>>) dst(%dma_wait3A_51 : memref<128x64xf32, #tpu.memory_space<vmem_shared>>)
      tpu.yield
    }) : () -> ()
    %mul3A_26 = arith.constant 640 : i32
    %mul3A_27 = arith.muli %arg1, %mul3A_26 : i32
    %add3A_28 = arith.constant 512 : i32
    %add3A_29 = arith.addi %mul3A_27, %add3A_28 : i32
    "tpu.region"() ({
      %run_scoped3A = tpu.sem_alloc : memref<!tpu.dma_semaphore, #tpu.memory_space<semaphore_mem>>
      %dma_start3A = arith.constant 0 : i32
      %dma_start3A_46 = tpu.memref_slice %arg9[%add3A_29, %dma_start3A] : memref<10240x64xf32, #tpu.memory_space<vmem_shared>> -> memref<128x64xf32, #tpu.memory_space<vmem_shared>>
      %dma_start3A_47 = arith.constant 0 : i32
      %dma_start3A_48 = tpu.memref_slice %arg9[%add3A_29, %dma_start3A_47] : memref<10240x64xf32, #tpu.memory_space<vmem_shared>> -> memref<128x64xf32, #tpu.memory_space<vmem_shared>>
      tpu.enqueue_dma source(%arg8 : memref<128x64xf32, #tpu.memory_space<vmem>>) target(%dma_start3A_48 : memref<128x64xf32, #tpu.memory_space<vmem_shared>>) target_semaphore(%run_scoped3A : memref<!tpu.dma_semaphore, #tpu.memory_space<semaphore_mem>>)
      %dma_wait3A = arith.constant 0 : i32
      %dma_wait3A_49 = tpu.memref_slice %arg9[%add3A_29, %dma_wait3A] : memref<10240x64xf32, #tpu.memory_space<vmem_shared>> -> memref<128x64xf32, #tpu.memory_space<vmem_shared>>
      %dma_wait3A_50 = arith.constant 0 : i32
      %dma_wait3A_51 = tpu.memref_slice %arg9[%add3A_29, %dma_wait3A_50] : memref<10240x64xf32, #tpu.memory_space<vmem_shared>> -> memref<128x64xf32, #tpu.memory_space<vmem_shared>>
      tpu.wait_dma2 semaphore(%run_scoped3A : memref<!tpu.dma_semaphore, #tpu.memory_space<semaphore_mem>>) src(%arg8 : memref<128x64xf32, #tpu.memory_space<vmem>>) dst(%dma_wait3A_51 : memref<128x64xf32, #tpu.memory_space<vmem_shared>>)
      tpu.yield
    }) : () -> ()
    %barrier3A = arith.constant 0 : index
    tpu.barrier barrier_id(%barrier3A)
    %while3A = arith.constant 0 : i32
    %while3A_30 = arith.constant 0 : i32
    %while3A_31 = arith.subi %select_n3A, %while3A : i32
    %while3A_32 = arith.addi %while3A, %while3A_31 : i32
    %while3A_33 = arith.constant 1 : i32
    %while3A_34 = arith.divsi %while3A_31, %while3A_33 : i32
    %while3A_35 = arith.muli %while3A_34, %while3A_33 : i32
    %while3A_36 = arith.addi %while3A, %while3A_35 : i32
    %while3A_37 = arith.constant 1 : i32
    %while3A_38 = scf.for %while3A_46 = %while3A to %while3A_36 step %while3A_37 iter_args(%while3A_47 = %while3A_30) -> (i32)  : i32 {
      %dma_start3A = arith.constant 0 : i32
      %dma_start3A_48 = tpu.memref_slice %arg6[%while3A_46, %dma_start3A] : memref<95x128xi32, #tpu.memory_space<vmem>> -> memref<1x128xi32, #tpu.memory_space<vmem>>
      %dma_start3A_49 = tpu.memref_squeeze %dma_start3A_48 : memref<1x128xi32, #tpu.memory_space<vmem>> -> memref<128xi32, #tpu.memory_space<vmem>>
      %dma_start3A_50 = arith.constant 0 : i32
      %dma_start3A_51 = arith.constant 0 : i32
      %dma_start3A_52 = tpu.memref_slice %arg2[%dma_start3A_50, %dma_start3A_51] : memref<10000x64xf32, #tpu.memory_space<hbm>> -> memref<10000x64xf32, #tpu.memory_space<hbm>>
      tpu.enqueue_indirect_dma source(%dma_start3A_52 : memref<10000x64xf32, #tpu.memory_space<hbm>>) target(%arg8 : memref<128x64xf32, #tpu.memory_space<vmem>>) offsets(%dma_start3A_49 : memref<128xi32, #tpu.memory_space<vmem>>) semaphore(%arg10 : memref<!tpu.dma_semaphore, #tpu.memory_space<semaphore_mem>>)
      %dma_wait3A = arith.constant 0 : i32
      %dma_wait3A_53 = tpu.memref_slice %arg6[%while3A_46, %dma_wait3A] : memref<95x128xi32, #tpu.memory_space<vmem>> -> memref<1x128xi32, #tpu.memory_space<vmem>>
      %dma_wait3A_54 = tpu.memref_squeeze %dma_wait3A_53 : memref<1x128xi32, #tpu.memory_space<vmem>> -> memref<128xi32, #tpu.memory_space<vmem>>
      %dma_wait3A_55 = arith.constant 0 : i32
      %dma_wait3A_56 = arith.constant 0 : i32
      %dma_wait3A_57 = tpu.memref_slice %arg2[%dma_wait3A_55, %dma_wait3A_56] : memref<10000x64xf32, #tpu.memory_space<hbm>> -> memref<10000x64xf32, #tpu.memory_space<hbm>>
      tpu.wait_indirect_dma semaphore(%arg10 : memref<!tpu.dma_semaphore, #tpu.memory_space<semaphore_mem>>) src(%dma_wait3A_57 : memref<10000x64xf32, #tpu.memory_space<hbm>>) dst(%arg8 : memref<128x64xf32, #tpu.memory_space<vmem>>)
      %dma_start3A_58 = arith.constant 0 : i32
      %dma_start3A_59 = tpu.memref_slice %arg7[%while3A_46, %dma_start3A_58] : memref<95x128xi32, #tpu.memory_space<vmem>> -> memref<1x128xi32, #tpu.memory_space<vmem>>
      %dma_start3A_60 = tpu.memref_squeeze %dma_start3A_59 : memref<1x128xi32, #tpu.memory_space<vmem>> -> memref<128xi32, #tpu.memory_space<vmem>>
      %dma_start3A_61 = arith.constant 0 : i32
      %dma_start3A_62 = arith.constant 0 : i32
      %dma_start3A_63 = tpu.memref_slice %arg9[%dma_start3A_61, %dma_start3A_62] : memref<10240x64xf32, #tpu.memory_space<vmem_shared>> -> memref<10240x64xf32, #tpu.memory_space<vmem_shared>>
      tpu.enqueue_indirect_dma source(%arg8 : memref<128x64xf32, #tpu.memory_space<vmem>>) target(%dma_start3A_63 : memref<10240x64xf32, #tpu.memory_space<vmem_shared>>) offsets(%dma_start3A_60 : memref<128xi32, #tpu.memory_space<vmem>>) semaphore(%arg11 : memref<!tpu.dma_semaphore, #tpu.memory_space<semaphore_mem>>) {add = true}
      %dma_wait3A_64 = arith.constant 0 : i32
      %dma_wait3A_65 = tpu.memref_slice %arg7[%while3A_46, %dma_wait3A_64] : memref<95x128xi32, #tpu.memory_space<vmem>> -> memref<1x128xi32, #tpu.memory_space<vmem>>
      %dma_wait3A_66 = tpu.memref_squeeze %dma_wait3A_65 : memref<1x128xi32, #tpu.memory_space<vmem>> -> memref<128xi32, #tpu.memory_space<vmem>>
      %dma_wait3A_67 = arith.constant 0 : i32
      %dma_wait3A_68 = arith.constant 0 : i32
      %dma_wait3A_69 = tpu.memref_slice %arg9[%dma_wait3A_67, %dma_wait3A_68] : memref<10240x64xf32, #tpu.memory_space<vmem_shared>> -> memref<10240x64xf32, #tpu.memory_space<vmem_shared>>
      tpu.wait_indirect_dma semaphore(%arg11 : memref<!tpu.dma_semaphore, #tpu.memory_space<semaphore_mem>>) src(%arg8 : memref<128x64xf32, #tpu.memory_space<vmem>>) dst(%dma_wait3A_69 : memref<10240x64xf32, #tpu.memory_space<vmem_shared>>)
      %while3A_70 = arith.constant 0 : i32
      scf.yield %while3A_70 : i32
    }
    %while3A_39 = arith.constant 1 : i32
    %while3A_40 = scf.for %while3A_46 = %while3A_36 to %while3A_32 step %while3A_39 iter_args(%while3A_47 = %while3A_38) -> (i32)  : i32 {
      %dma_start3A = arith.constant 0 : i32
      %dma_start3A_48 = tpu.memref_slice %arg6[%while3A_46, %dma_start3A] : memref<95x128xi32, #tpu.memory_space<vmem>> -> memref<1x128xi32, #tpu.memory_space<vmem>>
      %dma_start3A_49 = tpu.memref_squeeze %dma_start3A_48 : memref<1x128xi32, #tpu.memory_space<vmem>> -> memref<128xi32, #tpu.memory_space<vmem>>
      %dma_start3A_50 = arith.constant 0 : i32
      %dma_start3A_51 = arith.constant 0 : i32
      %dma_start3A_52 = tpu.memref_slice %arg2[%dma_start3A_50, %dma_start3A_51] : memref<10000x64xf32, #tpu.memory_space<hbm>> -> memref<10000x64xf32, #tpu.memory_space<hbm>>
      tpu.enqueue_indirect_dma source(%dma_start3A_52 : memref<10000x64xf32, #tpu.memory_space<hbm>>) target(%arg8 : memref<128x64xf32, #tpu.memory_space<vmem>>) offsets(%dma_start3A_49 : memref<128xi32, #tpu.memory_space<vmem>>) semaphore(%arg10 : memref<!tpu.dma_semaphore, #tpu.memory_space<semaphore_mem>>)
      %dma_wait3A = arith.constant 0 : i32
      %dma_wait3A_53 = tpu.memref_slice %arg6[%while3A_46, %dma_wait3A] : memref<95x128xi32, #tpu.memory_space<vmem>> -> memref<1x128xi32, #tpu.memory_space<vmem>>
      %dma_wait3A_54 = tpu.memref_squeeze %dma_wait3A_53 : memref<1x128xi32, #tpu.memory_space<vmem>> -> memref<128xi32, #tpu.memory_space<vmem>>
      %dma_wait3A_55 = arith.constant 0 : i32
      %dma_wait3A_56 = arith.constant 0 : i32
      %dma_wait3A_57 = tpu.memref_slice %arg2[%dma_wait3A_55, %dma_wait3A_56] : memref<10000x64xf32, #tpu.memory_space<hbm>> -> memref<10000x64xf32, #tpu.memory_space<hbm>>
      tpu.wait_indirect_dma semaphore(%arg10 : memref<!tpu.dma_semaphore, #tpu.memory_space<semaphore_mem>>) src(%dma_wait3A_57 : memref<10000x64xf32, #tpu.memory_space<hbm>>) dst(%arg8 : memref<128x64xf32, #tpu.memory_space<vmem>>)
      %dma_start3A_58 = arith.constant 0 : i32
      %dma_start3A_59 = tpu.memref_slice %arg7[%while3A_46, %dma_start3A_58] : memref<95x128xi32, #tpu.memory_space<vmem>> -> memref<1x128xi32, #tpu.memory_space<vmem>>
      %dma_start3A_60 = tpu.memref_squeeze %dma_start3A_59 : memref<1x128xi32, #tpu.memory_space<vmem>> -> memref<128xi32, #tpu.memory_space<vmem>>
      %dma_start3A_61 = arith.constant 0 : i32
      %dma_start3A_62 = arith.constant 0 : i32
      %dma_start3A_63 = tpu.memref_slice %arg9[%dma_start3A_61, %dma_start3A_62] : memref<10240x64xf32, #tpu.memory_space<vmem_shared>> -> memref<10240x64xf32, #tpu.memory_space<vmem_shared>>
      tpu.enqueue_indirect_dma source(%arg8 : memref<128x64xf32, #tpu.memory_space<vmem>>) target(%dma_start3A_63 : memref<10240x64xf32, #tpu.memory_space<vmem_shared>>) offsets(%dma_start3A_60 : memref<128xi32, #tpu.memory_space<vmem>>) semaphore(%arg11 : memref<!tpu.dma_semaphore, #tpu.memory_space<semaphore_mem>>) {add = true}
      %dma_wait3A_64 = arith.constant 0 : i32
      %dma_wait3A_65 = tpu.memref_slice %arg7[%while3A_46, %dma_wait3A_64] : memref<95x128xi32, #tpu.memory_space<vmem>> -> memref<1x128xi32, #tpu.memory_space<vmem>>
      %dma_wait3A_66 = tpu.memref_squeeze %dma_wait3A_65 : memref<1x128xi32, #tpu.memory_space<vmem>> -> memref<128xi32, #tpu.memory_space<vmem>>
      %dma_wait3A_67 = arith.constant 0 : i32
      %dma_wait3A_68 = arith.constant 0 : i32
      %dma_wait3A_69 = tpu.memref_slice %arg9[%dma_wait3A_67, %dma_wait3A_68] : memref<10240x64xf32, #tpu.memory_space<vmem_shared>> -> memref<10240x64xf32, #tpu.memory_space<vmem_shared>>
      tpu.wait_indirect_dma semaphore(%arg11 : memref<!tpu.dma_semaphore, #tpu.memory_space<semaphore_mem>>) src(%arg8 : memref<128x64xf32, #tpu.memory_space<vmem>>) dst(%dma_wait3A_69 : memref<10240x64xf32, #tpu.memory_space<vmem_shared>>)
      %while3A_70 = arith.constant 0 : i32
      scf.yield %while3A_70 : i32
    }
    %barrier3A_41 = arith.constant 0 : index
    tpu.barrier barrier_id(%barrier3A_41)
    %mul3A_42 = arith.constant 640 : i32
    %mul3A_43 = arith.muli %arg1, %mul3A_42 : i32
    %mul3A_44 = arith.constant 640 : i32
    %mul3A_45 = arith.muli %arg1, %mul3A_44 : i32
    "tpu.region"() ({
      %run_scoped3A = tpu.sem_alloc : memref<!tpu.dma_semaphore, #tpu.memory_space<semaphore_mem>>
      %dma_start3A = arith.constant 0 : i32
      %dma_start3A_46 = tpu.memref_slice %arg5[%arg0, %mul3A_45, %dma_start3A] : memref<2x10240x64xf32, #tpu.memory_space<hbm>> -> memref<1x640x64xf32, #tpu.memory_space<hbm>>
      %dma_start3A_47 = tpu.memref_squeeze %dma_start3A_46 : memref<1x640x64xf32, #tpu.memory_space<hbm>> -> memref<640x64xf32, #tpu.memory_space<hbm>>
      %dma_start3A_48 = arith.constant 0 : i32
      %dma_start3A_49 = tpu.memref_slice %arg9[%mul3A_43, %dma_start3A_48] : memref<10240x64xf32, #tpu.memory_space<vmem_shared>> -> memref<640x64xf32, #tpu.memory_space<vmem_shared>>
      tpu.enqueue_dma source(%dma_start3A_49 : memref<640x64xf32, #tpu.memory_space<vmem_shared>>) target(%dma_start3A_47 : memref<640x64xf32, #tpu.memory_space<hbm>>) target_semaphore(%run_scoped3A : memref<!tpu.dma_semaphore, #tpu.memory_space<semaphore_mem>>)
      %dma_wait3A = arith.constant 0 : i32
      %dma_wait3A_50 = tpu.memref_slice %arg5[%arg0, %mul3A_45, %dma_wait3A] : memref<2x10240x64xf32, #tpu.memory_space<hbm>> -> memref<1x640x64xf32, #tpu.memory_space<hbm>>
      %dma_wait3A_51 = tpu.memref_squeeze %dma_wait3A_50 : memref<1x640x64xf32, #tpu.memory_space<hbm>> -> memref<640x64xf32, #tpu.memory_space<hbm>>
      %dma_wait3A_52 = arith.constant 0 : i32
      %dma_wait3A_53 = tpu.memref_slice %arg9[%mul3A_43, %dma_wait3A_52] : memref<10240x64xf32, #tpu.memory_space<vmem_shared>> -> memref<640x64xf32, #tpu.memory_space<vmem_shared>>
      tpu.wait_dma2 semaphore(%run_scoped3A : memref<!tpu.dma_semaphore, #tpu.memory_space<semaphore_mem>>) src(%dma_wait3A_53 : memref<640x64xf32, #tpu.memory_space<vmem_shared>>) dst(%dma_wait3A_51 : memref<640x64xf32, #tpu.memory_space<hbm>>)
      tpu.yield
    }) : () -> ()
    return
  }
}

#map = affine_map<(d0, d1) -> (0, 0)>
module attributes {stable_mosaic.version = 14 : i64} {
  func.func @deg_kernel(%arg0: i32, %arg1: i32, %arg2: memref<32x10112xi32, #tpu.memory_space<hbm>>, %arg3: memref<2x10240xf32, #tpu.memory_space<hbm>>, %arg4: memref<10112xi32, #tpu.memory_space<vmem>>, %arg5: memref<10240xf32, #tpu.memory_space<vmem>>, %arg6: memref<16x640xf32, #tpu.memory_space<vmem>>, %arg7: memref<640xf32, #tpu.memory_space<vmem>>, %arg8: memref<16x10240xf32, #tpu.memory_space<vmem_shared>>) attributes {dimension_semantics = [#tpu.dimension_semantics<core_parallel>, #tpu.dimension_semantics<subcore_parallel>], iteration_bounds = array<i64: 2, 16>, scalar_prefetch = 0 : i64, scratch_operands = 5 : i64, tpu.core_type = #tpu.core_type<sc_vector_subcore>, window_params = [{transform_indices = #map}, {transform_indices = #map}]} {
    %mul3A = arith.constant 16 : i32
    %mul3A_0 = arith.muli %arg0, %mul3A : i32
    %add3A = arith.addi %mul3A_0, %arg1 : i32
    %broadcast_in_dim3A = arith.constant 0.000000e+00 : f32
    %broadcast_in_dim3A_1 = vector.broadcast %broadcast_in_dim3A : f32 to vector<16xf32>
    %broadcast_in_dim3A_2 = arith.constant 1.000000e+00 : f32
    %broadcast_in_dim3A_3 = vector.broadcast %broadcast_in_dim3A_2 : f32 to vector<16xf32>
    %scan3A = arith.constant 0 : i32
    %scan3A_4 = arith.constant 0 : i32
    %scan3A_5 = arith.constant 640 : i32
    %scan3A_6 = arith.addi %scan3A_4, %scan3A_5 : i32
    %scan3A_7 = arith.constant 1 : i32
    %scan3A_8 = scf.for %scan3A_201 = %scan3A_4 to %scan3A_6 step %scan3A_7 iter_args(%scan3A_202 = %scan3A) -> (i32)  : i32 {
      %mul3A_203 = arith.constant 16 : i32
      %mul3A_204 = arith.muli %scan3A_201, %mul3A_203 : i32
      %swap3A = arith.index_cast %mul3A_204 : i32 to index
      %swap3A_205 = tpu.vector_load %arg5[%swap3A] {strides = array<i32>} : memref<10240xf32, #tpu.memory_space<vmem>>, vector<16xf32>,
      tpu.vector_store %arg5[%swap3A], %broadcast_in_dim3A_1 {strides = array<i32>} : memref<10240xf32, #tpu.memory_space<vmem>>, vector<16xf32>,
      %scan3A_206 = arith.constant 0 : i32
      scf.yield %scan3A_206 : i32
    }
    %scan3A_9 = arith.constant 640 : i32
    "tpu.region"() ({
      %run_scoped3A_201 = tpu.sem_alloc : memref<!tpu.dma_semaphore, #tpu.memory_space<semaphore_mem>>
      %dma_start3A = arith.constant 0 : i32
      %dma_start3A_202 = tpu.memref_slice %arg2[%add3A, %dma_start3A] : memref<32x10112xi32, #tpu.memory_space<hbm>> -> memref<1x10112xi32, #tpu.memory_space<hbm>>
      %dma_start3A_203 = tpu.memref_squeeze %dma_start3A_202 : memref<1x10112xi32, #tpu.memory_space<hbm>> -> memref<10112xi32, #tpu.memory_space<hbm>>
      %dma_start3A_204 = arith.constant 0 : i32
      %dma_start3A_205 = tpu.memref_slice %arg2[%add3A, %dma_start3A_204] : memref<32x10112xi32, #tpu.memory_space<hbm>> -> memref<1x10112xi32, #tpu.memory_space<hbm>>
      %dma_start3A_206 = tpu.memref_squeeze %dma_start3A_205 : memref<1x10112xi32, #tpu.memory_space<hbm>> -> memref<10112xi32, #tpu.memory_space<hbm>>
      tpu.enqueue_dma source(%dma_start3A_206 : memref<10112xi32, #tpu.memory_space<hbm>>) target(%arg4 : memref<10112xi32, #tpu.memory_space<vmem>>) target_semaphore(%run_scoped3A_201 : memref<!tpu.dma_semaphore, #tpu.memory_space<semaphore_mem>>)
      %dma_wait3A = arith.constant 0 : i32
      %dma_wait3A_207 = tpu.memref_slice %arg2[%add3A, %dma_wait3A] : memref<32x10112xi32, #tpu.memory_space<hbm>> -> memref<1x10112xi32, #tpu.memory_space<hbm>>
      %dma_wait3A_208 = tpu.memref_squeeze %dma_wait3A_207 : memref<1x10112xi32, #tpu.memory_space<hbm>> -> memref<10112xi32, #tpu.memory_space<hbm>>
      %dma_wait3A_209 = arith.constant 0 : i32
      %dma_wait3A_210 = tpu.memref_slice %arg2[%add3A, %dma_wait3A_209] : memref<32x10112xi32, #tpu.memory_space<hbm>> -> memref<1x10112xi32, #tpu.memory_space<hbm>>
      %dma_wait3A_211 = tpu.memref_squeeze %dma_wait3A_210 : memref<1x10112xi32, #tpu.memory_space<hbm>> -> memref<10112xi32, #tpu.memory_space<hbm>>
      tpu.wait_dma2 semaphore(%run_scoped3A_201 : memref<!tpu.dma_semaphore, #tpu.memory_space<semaphore_mem>>) src(%dma_wait3A_211 : memref<10112xi32, #tpu.memory_space<hbm>>) dst(%arg4 : memref<10112xi32, #tpu.memory_space<vmem>>)
      tpu.yield
    }) : () -> ()
    %scan3A_10 = arith.constant 0 : i32
    %scan3A_11 = arith.constant 0 : i32
    %scan3A_12 = arith.constant 632 : i32
    %scan3A_13 = arith.addi %scan3A_11, %scan3A_12 : i32
    %scan3A_14 = arith.constant 1 : i32
    %scan3A_15 = scf.for %scan3A_201 = %scan3A_11 to %scan3A_13 step %scan3A_14 iter_args(%scan3A_202 = %scan3A_10) -> (i32)  : i32 {
      %mul3A_203 = arith.constant 16 : i32
      %mul3A_204 = arith.muli %scan3A_201, %mul3A_203 : i32
      %get3A = arith.index_cast %mul3A_204 : i32 to index
      %get3A_205 = tpu.vector_load %arg4[%get3A] {strides = array<i32>} : memref<10112xi32, #tpu.memory_space<vmem>>, vector<16xi32>,
      tpu.vector_store_idx %arg5[%get3A_205], %broadcast_in_dim3A_3 {add = true} : memref<10240xf32, #tpu.memory_space<vmem>>[vector<16xi32>], vector<16xf32>,
      %scan3A_206 = arith.constant 0 : i32
      scf.yield %scan3A_206 : i32
    }
    %scan3A_16 = arith.constant 632 : i32
    "tpu.region"() ({
      %run_scoped3A_201 = tpu.sem_alloc : memref<!tpu.dma_semaphore, #tpu.memory_space<semaphore_mem>>
      %dma_start3A = arith.constant 0 : i32
      %dma_start3A_202 = tpu.memref_slice %arg8[%arg1, %dma_start3A] : memref<16x10240xf32, #tpu.memory_space<vmem_shared>> -> memref<1x10240xf32, #tpu.memory_space<vmem_shared>>
      %dma_start3A_203 = tpu.memref_squeeze %dma_start3A_202 : memref<1x10240xf32, #tpu.memory_space<vmem_shared>> -> memref<10240xf32, #tpu.memory_space<vmem_shared>>
      %dma_start3A_204 = arith.constant 0 : i32
      %dma_start3A_205 = tpu.memref_slice %arg8[%arg1, %dma_start3A_204] : memref<16x10240xf32, #tpu.memory_space<vmem_shared>> -> memref<1x10240xf32, #tpu.memory_space<vmem_shared>>
      %dma_start3A_206 = tpu.memref_squeeze %dma_start3A_205 : memref<1x10240xf32, #tpu.memory_space<vmem_shared>> -> memref<10240xf32, #tpu.memory_space<vmem_shared>>
      tpu.enqueue_dma source(%arg5 : memref<10240xf32, #tpu.memory_space<vmem>>) target(%dma_start3A_206 : memref<10240xf32, #tpu.memory_space<vmem_shared>>) target_semaphore(%run_scoped3A_201 : memref<!tpu.dma_semaphore, #tpu.memory_space<semaphore_mem>>)
      %dma_wait3A = arith.constant 0 : i32
      %dma_wait3A_207 = tpu.memref_slice %arg8[%arg1, %dma_wait3A] : memref<16x10240xf32, #tpu.memory_space<vmem_shared>> -> memref<1x10240xf32, #tpu.memory_space<vmem_shared>>
      %dma_wait3A_208 = tpu.memref_squeeze %dma_wait3A_207 : memref<1x10240xf32, #tpu.memory_space<vmem_shared>> -> memref<10240xf32, #tpu.memory_space<vmem_shared>>
      %dma_wait3A_209 = arith.constant 0 : i32
      %dma_wait3A_210 = tpu.memref_slice %arg8[%arg1, %dma_wait3A_209] : memref<16x10240xf32, #tpu.memory_space<vmem_shared>> -> memref<1x10240xf32, #tpu.memory_space<vmem_shared>>
      %dma_wait3A_211 = tpu.memref_squeeze %dma_wait3A_210 : memref<1x10240xf32, #tpu.memory_space<vmem_shared>> -> memref<10240xf32, #tpu.memory_space<vmem_shared>>
      tpu.wait_dma2 semaphore(%run_scoped3A_201 : memref<!tpu.dma_semaphore, #tpu.memory_space<semaphore_mem>>) src(%arg5 : memref<10240xf32, #tpu.memory_space<vmem>>) dst(%dma_wait3A_211 : memref<10240xf32, #tpu.memory_space<vmem_shared>>)
      tpu.yield
    }) : () -> ()
    %barrier3A = arith.constant 0 : index
    tpu.barrier barrier_id(%barrier3A)
    %mul3A_17 = arith.constant 640 : i32
    %mul3A_18 = arith.muli %arg1, %mul3A_17 : i32
    %run_scoped3A = arith.constant 0 : i32
    %run_scoped3A_19 = arith.constant 0 : i32
    "tpu.region"() ({
      %run_scoped3A_201 = tpu.sem_alloc : memref<!tpu.dma_semaphore, #tpu.memory_space<semaphore_mem>>
      %dma_start3A = arith.constant 0 : i32
      %dma_start3A_202 = tpu.memref_slice %arg6[%run_scoped3A_19, %dma_start3A] : memref<16x640xf32, #tpu.memory_space<vmem>> -> memref<1x640xf32, #tpu.memory_space<vmem>>
      %dma_start3A_203 = tpu.memref_squeeze %dma_start3A_202 : memref<1x640xf32, #tpu.memory_space<vmem>> -> memref<640xf32, #tpu.memory_space<vmem>>
      %dma_start3A_204 = tpu.memref_slice %arg8[%run_scoped3A, %mul3A_18] : memref<16x10240xf32, #tpu.memory_space<vmem_shared>> -> memref<1x640xf32, #tpu.memory_space<vmem_shared>>
      %dma_start3A_205 = tpu.memref_squeeze %dma_start3A_204 : memref<1x640xf32, #tpu.memory_space<vmem_shared>> -> memref<640xf32, #tpu.memory_space<vmem_shared>>
      %dma_start3A_206 = arith.constant 0 : i32
      %dma_start3A_207 = tpu.memref_slice %arg6[%run_scoped3A_19, %dma_start3A_206] : memref<16x640xf32, #tpu.memory_space<vmem>> -> memref<1x640xf32, #tpu.memory_space<vmem>>
      %dma_start3A_208 = tpu.memref_squeeze %dma_start3A_207 : memref<1x640xf32, #tpu.memory_space<vmem>> -> memref<640xf32, #tpu.memory_space<vmem>>
      %dma_start3A_209 = tpu.memref_slice %arg8[%run_scoped3A, %mul3A_18] : memref<16x10240xf32, #tpu.memory_space<vmem_shared>> -> memref<1x640xf32, #tpu.memory_space<vmem_shared>>
      %dma_start3A_210 = tpu.memref_squeeze %dma_start3A_209 : memref<1x640xf32, #tpu.memory_space<vmem_shared>> -> memref<640xf32, #tpu.memory_space<vmem_shared>>
      tpu.enqueue_dma source(%dma_start3A_210 : memref<640xf32, #tpu.memory_space<vmem_shared>>) target(%dma_start3A_208 : memref<640xf32, #tpu.memory_space<vmem>>) target_semaphore(%run_scoped3A_201 : memref<!tpu.dma_semaphore, #tpu.memory_space<semaphore_mem>>)
      %dma_wait3A = arith.constant 0 : i32
      %dma_wait3A_211 = tpu.memref_slice %arg6[%run_scoped3A_19, %dma_wait3A] : memref<16x640xf32, #tpu.memory_space<vmem>> -> memref<1x640xf32, #tpu.memory_space<vmem>>
      %dma_wait3A_212 = tpu.memref_squeeze %dma_wait3A_211 : memref<1x640xf32, #tpu.memory_space<vmem>> -> memref<640xf32, #tpu.memory_space<vmem>>
      %dma_wait3A_213 = tpu.memref_slice %arg8[%run_scoped3A, %mul3A_18] : memref<16x10240xf32, #tpu.memory_space<vmem_shared>> -> memref<1x640xf32, #tpu.memory_space<vmem_shared>>
      %dma_wait3A_214 = tpu.memref_squeeze %dma_wait3A_213 : memref<1x640xf32, #tpu.memory_space<vmem_shared>> -> memref<640xf32, #tpu.memory_space<vmem_shared>>
      %dma_wait3A_215 = arith.constant 0 : i32
      %dma_wait3A_216 = tpu.memref_slice %arg6[%run_scoped3A_19, %dma_wait3A_215] : memref<16x640xf32, #tpu.memory_space<vmem>> -> memref<1x640xf32, #tpu.memory_space<vmem>>
      %dma_wait3A_217 = tpu.memref_squeeze %dma_wait3A_216 : memref<1x640xf32, #tpu.memory_space<vmem>> -> memref<640xf32, #tpu.memory_space<vmem>>
      %dma_wait3A_218 = tpu.memref_slice %arg8[%run_scoped3A, %mul3A_18] : memref<16x10240xf32, #tpu.memory_space<vmem_shared>> -> memref<1x640xf32, #tpu.memory_space<vmem_shared>>
      %dma_wait3A_219 = tpu.memref_squeeze %dma_wait3A_218 : memref<1x640xf32, #tpu.memory_space<vmem_shared>> -> memref<640xf32, #tpu.memory_space<vmem_shared>>
      tpu.wait_dma2 semaphore(%run_scoped3A_201 : memref<!tpu.dma_semaphore, #tpu.memory_space<semaphore_mem>>) src(%dma_wait3A_219 : memref<640xf32, #tpu.memory_space<vmem_shared>>) dst(%dma_wait3A_217 : memref<640xf32, #tpu.memory_space<vmem>>)
      tpu.yield
    }) : () -> ()
    %mul3A_20 = arith.constant 640 : i32
    %mul3A_21 = arith.muli %arg1, %mul3A_20 : i32
    %run_scoped3A_22 = arith.constant 1 : i32
    %run_scoped3A_23 = arith.constant 1 : i32
    "tpu.region"() ({
      %run_scoped3A_201 = tpu.sem_alloc : memref<!tpu.dma_semaphore, #tpu.memory_space<semaphore_mem>>
      %dma_start3A = arith.constant 0 : i32
      %dma_start3A_202 = tpu.memref_slice %arg6[%run_scoped3A_23, %dma_start3A] : memref<16x640xf32, #tpu.memory_space<vmem>> -> memref<1x640xf32, #tpu.memory_space<vmem>>
      %dma_start3A_203 = tpu.memref_squeeze %dma_start3A_202 : memref<1x640xf32, #tpu.memory_space<vmem>> -> memref<640xf32, #tpu.memory_space<vmem>>
      %dma_start3A_204 = tpu.memref_slice %arg8[%run_scoped3A_22, %mul3A_21] : memref<16x10240xf32, #tpu.memory_space<vmem_shared>> -> memref<1x640xf32, #tpu.memory_space<vmem_shared>>
      %dma_start3A_205 = tpu.memref_squeeze %dma_start3A_204 : memref<1x640xf32, #tpu.memory_space<vmem_shared>> -> memref<640xf32, #tpu.memory_space<vmem_shared>>
      %dma_start3A_206 = arith.constant 0 : i32
      %dma_start3A_207 = tpu.memref_slice %arg6[%run_scoped3A_23, %dma_start3A_206] : memref<16x640xf32, #tpu.memory_space<vmem>> -> memref<1x640xf32, #tpu.memory_space<vmem>>
      %dma_start3A_208 = tpu.memref_squeeze %dma_start3A_207 : memref<1x640xf32, #tpu.memory_space<vmem>> -> memref<640xf32, #tpu.memory_space<vmem>>
      %dma_start3A_209 = tpu.memref_slice %arg8[%run_scoped3A_22, %mul3A_21] : memref<16x10240xf32, #tpu.memory_space<vmem_shared>> -> memref<1x640xf32, #tpu.memory_space<vmem_shared>>
      %dma_start3A_210 = tpu.memref_squeeze %dma_start3A_209 : memref<1x640xf32, #tpu.memory_space<vmem_shared>> -> memref<640xf32, #tpu.memory_space<vmem_shared>>
      tpu.enqueue_dma source(%dma_start3A_210 : memref<640xf32, #tpu.memory_space<vmem_shared>>) target(%dma_start3A_208 : memref<640xf32, #tpu.memory_space<vmem>>) target_semaphore(%run_scoped3A_201 : memref<!tpu.dma_semaphore, #tpu.memory_space<semaphore_mem>>)
      %dma_wait3A = arith.constant 0 : i32
      %dma_wait3A_211 = tpu.memref_slice %arg6[%run_scoped3A_23, %dma_wait3A] : memref<16x640xf32, #tpu.memory_space<vmem>> -> memref<1x640xf32, #tpu.memory_space<vmem>>
      %dma_wait3A_212 = tpu.memref_squeeze %dma_wait3A_211 : memref<1x640xf32, #tpu.memory_space<vmem>> -> memref<640xf32, #tpu.memory_space<vmem>>
      %dma_wait3A_213 = tpu.memref_slice %arg8[%run_scoped3A_22, %mul3A_21] : memref<16x10240xf32, #tpu.memory_space<vmem_shared>> -> memref<1x640xf32, #tpu.memory_space<vmem_shared>>
      %dma_wait3A_214 = tpu.memref_squeeze %dma_wait3A_213 : memref<1x640xf32, #tpu.memory_space<vmem_shared>> -> memref<640xf32, #tpu.memory_space<vmem_shared>>
      %dma_wait3A_215 = arith.constant 0 : i32
      %dma_wait3A_216 = tpu.memref_slice %arg6[%run_scoped3A_23, %dma_wait3A_215] : memref<16x640xf32, #tpu.memory_space<vmem>> -> memref<1x640xf32, #tpu.memory_space<vmem>>
      %dma_wait3A_217 = tpu.memref_squeeze %dma_wait3A_216 : memref<1x640xf32, #tpu.memory_space<vmem>> -> memref<640xf32, #tpu.memory_space<vmem>>
      %dma_wait3A_218 = tpu.memref_slice %arg8[%run_scoped3A_22, %mul3A_21] : memref<16x10240xf32, #tpu.memory_space<vmem_shared>> -> memref<1x640xf32, #tpu.memory_space<vmem_shared>>
      %dma_wait3A_219 = tpu.memref_squeeze %dma_wait3A_218 : memref<1x640xf32, #tpu.memory_space<vmem_shared>> -> memref<640xf32, #tpu.memory_space<vmem_shared>>
      tpu.wait_dma2 semaphore(%run_scoped3A_201 : memref<!tpu.dma_semaphore, #tpu.memory_space<semaphore_mem>>) src(%dma_wait3A_219 : memref<640xf32, #tpu.memory_space<vmem_shared>>) dst(%dma_wait3A_217 : memref<640xf32, #tpu.memory_space<vmem>>)
      tpu.yield
    }) : () -> ()
    %mul3A_24 = arith.constant 640 : i32
    %mul3A_25 = arith.muli %arg1, %mul3A_24 : i32
    %run_scoped3A_26 = arith.constant 2 : i32
    %run_scoped3A_27 = arith.constant 2 : i32
    "tpu.region"() ({
      %run_scoped3A_201 = tpu.sem_alloc : memref<!tpu.dma_semaphore, #tpu.memory_space<semaphore_mem>>
      %dma_start3A = arith.constant 0 : i32
      %dma_start3A_202 = tpu.memref_slice %arg6[%run_scoped3A_27, %dma_start3A] : memref<16x640xf32, #tpu.memory_space<vmem>> -> memref<1x640xf32, #tpu.memory_space<vmem>>
      %dma_start3A_203 = tpu.memref_squeeze %dma_start3A_202 : memref<1x640xf32, #tpu.memory_space<vmem>> -> memref<640xf32, #tpu.memory_space<vmem>>
      %dma_start3A_204 = tpu.memref_slice %arg8[%run_scoped3A_26, %mul3A_25] : memref<16x10240xf32, #tpu.memory_space<vmem_shared>> -> memref<1x640xf32, #tpu.memory_space<vmem_shared>>
      %dma_start3A_205 = tpu.memref_squeeze %dma_start3A_204 : memref<1x640xf32, #tpu.memory_space<vmem_shared>> -> memref<640xf32, #tpu.memory_space<vmem_shared>>
      %dma_start3A_206 = arith.constant 0 : i32
      %dma_start3A_207 = tpu.memref_slice %arg6[%run_scoped3A_27, %dma_start3A_206] : memref<16x640xf32, #tpu.memory_space<vmem>> -> memref<1x640xf32, #tpu.memory_space<vmem>>
      %dma_start3A_208 = tpu.memref_squeeze %dma_start3A_207 : memref<1x640xf32, #tpu.memory_space<vmem>> -> memref<640xf32, #tpu.memory_space<vmem>>
      %dma_start3A_209 = tpu.memref_slice %arg8[%run_scoped3A_26, %mul3A_25] : memref<16x10240xf32, #tpu.memory_space<vmem_shared>> -> memref<1x640xf32, #tpu.memory_space<vmem_shared>>
      %dma_start3A_210 = tpu.memref_squeeze %dma_start3A_209 : memref<1x640xf32, #tpu.memory_space<vmem_shared>> -> memref<640xf32, #tpu.memory_space<vmem_shared>>
      tpu.enqueue_dma source(%dma_start3A_210 : memref<640xf32, #tpu.memory_space<vmem_shared>>) target(%dma_start3A_208 : memref<640xf32, #tpu.memory_space<vmem>>) target_semaphore(%run_scoped3A_201 : memref<!tpu.dma_semaphore, #tpu.memory_space<semaphore_mem>>)
      %dma_wait3A = arith.constant 0 : i32
      %dma_wait3A_211 = tpu.memref_slice %arg6[%run_scoped3A_27, %dma_wait3A] : memref<16x640xf32, #tpu.memory_space<vmem>> -> memref<1x640xf32, #tpu.memory_space<vmem>>
      %dma_wait3A_212 = tpu.memref_squeeze %dma_wait3A_211 : memref<1x640xf32, #tpu.memory_space<vmem>> -> memref<640xf32, #tpu.memory_space<vmem>>
      %dma_wait3A_213 = tpu.memref_slice %arg8[%run_scoped3A_26, %mul3A_25] : memref<16x10240xf32, #tpu.memory_space<vmem_shared>> -> memref<1x640xf32, #tpu.memory_space<vmem_shared>>
      %dma_wait3A_214 = tpu.memref_squeeze %dma_wait3A_213 : memref<1x640xf32, #tpu.memory_space<vmem_shared>> -> memref<640xf32, #tpu.memory_space<vmem_shared>>
      %dma_wait3A_215 = arith.constant 0 : i32
      %dma_wait3A_216 = tpu.memref_slice %arg6[%run_scoped3A_27, %dma_wait3A_215] : memref<16x640xf32, #tpu.memory_space<vmem>> -> memref<1x640xf32, #tpu.memory_space<vmem>>
      %dma_wait3A_217 = tpu.memref_squeeze %dma_wait3A_216 : memref<1x640xf32, #tpu.memory_space<vmem>> -> memref<640xf32, #tpu.memory_space<vmem>>
      %dma_wait3A_218 = tpu.memref_slice %arg8[%run_scoped3A_26, %mul3A_25] : memref<16x10240xf32, #tpu.memory_space<vmem_shared>> -> memref<1x640xf32, #tpu.memory_space<vmem_shared>>
      %dma_wait3A_219 = tpu.memref_squeeze %dma_wait3A_218 : memref<1x640xf32, #tpu.memory_space<vmem_shared>> -> memref<640xf32, #tpu.memory_space<vmem_shared>>
      tpu.wait_dma2 semaphore(%run_scoped3A_201 : memref<!tpu.dma_semaphore, #tpu.memory_space<semaphore_mem>>) src(%dma_wait3A_219 : memref<640xf32, #tpu.memory_space<vmem_shared>>) dst(%dma_wait3A_217 : memref<640xf32, #tpu.memory_space<vmem>>)
      tpu.yield
    }) : () -> ()
    %mul3A_28 = arith.constant 640 : i32
    %mul3A_29 = arith.muli %arg1, %mul3A_28 : i32
    %run_scoped3A_30 = arith.constant 3 : i32
    %run_scoped3A_31 = arith.constant 3 : i32
    "tpu.region"() ({
      %run_scoped3A_201 = tpu.sem_alloc : memref<!tpu.dma_semaphore, #tpu.memory_space<semaphore_mem>>
      %dma_start3A = arith.constant 0 : i32
      %dma_start3A_202 = tpu.memref_slice %arg6[%run_scoped3A_31, %dma_start3A] : memref<16x640xf32, #tpu.memory_space<vmem>> -> memref<1x640xf32, #tpu.memory_space<vmem>>
      %dma_start3A_203 = tpu.memref_squeeze %dma_start3A_202 : memref<1x640xf32, #tpu.memory_space<vmem>> -> memref<640xf32, #tpu.memory_space<vmem>>
      %dma_start3A_204 = tpu.memref_slice %arg8[%run_scoped3A_30, %mul3A_29] : memref<16x10240xf32, #tpu.memory_space<vmem_shared>> -> memref<1x640xf32, #tpu.memory_space<vmem_shared>>
      %dma_start3A_205 = tpu.memref_squeeze %dma_start3A_204 : memref<1x640xf32, #tpu.memory_space<vmem_shared>> -> memref<640xf32, #tpu.memory_space<vmem_shared>>
      %dma_start3A_206 = arith.constant 0 : i32
      %dma_start3A_207 = tpu.memref_slice %arg6[%run_scoped3A_31, %dma_start3A_206] : memref<16x640xf32, #tpu.memory_space<vmem>> -> memref<1x640xf32, #tpu.memory_space<vmem>>
      %dma_start3A_208 = tpu.memref_squeeze %dma_start3A_207 : memref<1x640xf32, #tpu.memory_space<vmem>> -> memref<640xf32, #tpu.memory_space<vmem>>
      %dma_start3A_209 = tpu.memref_slice %arg8[%run_scoped3A_30, %mul3A_29] : memref<16x10240xf32, #tpu.memory_space<vmem_shared>> -> memref<1x640xf32, #tpu.memory_space<vmem_shared>>
      %dma_start3A_210 = tpu.memref_squeeze %dma_start3A_209 : memref<1x640xf32, #tpu.memory_space<vmem_shared>> -> memref<640xf32, #tpu.memory_space<vmem_shared>>
      tpu.enqueue_dma source(%dma_start3A_210 : memref<640xf32, #tpu.memory_space<vmem_shared>>) target(%dma_start3A_208 : memref<640xf32, #tpu.memory_space<vmem>>) target_semaphore(%run_scoped3A_201 : memref<!tpu.dma_semaphore, #tpu.memory_space<semaphore_mem>>)
      %dma_wait3A = arith.constant 0 : i32
      %dma_wait3A_211 = tpu.memref_slice %arg6[%run_scoped3A_31, %dma_wait3A] : memref<16x640xf32, #tpu.memory_space<vmem>> -> memref<1x640xf32, #tpu.memory_space<vmem>>
      %dma_wait3A_212 = tpu.memref_squeeze %dma_wait3A_211 : memref<1x640xf32, #tpu.memory_space<vmem>> -> memref<640xf32, #tpu.memory_space<vmem>>
      %dma_wait3A_213 = tpu.memref_slice %arg8[%run_scoped3A_30, %mul3A_29] : memref<16x10240xf32, #tpu.memory_space<vmem_shared>> -> memref<1x640xf32, #tpu.memory_space<vmem_shared>>
      %dma_wait3A_214 = tpu.memref_squeeze %dma_wait3A_213 : memref<1x640xf32, #tpu.memory_space<vmem_shared>> -> memref<640xf32, #tpu.memory_space<vmem_shared>>
      %dma_wait3A_215 = arith.constant 0 : i32
      %dma_wait3A_216 = tpu.memref_slice %arg6[%run_scoped3A_31, %dma_wait3A_215] : memref<16x640xf32, #tpu.memory_space<vmem>> -> memref<1x640xf32, #tpu.memory_space<vmem>>
      %dma_wait3A_217 = tpu.memref_squeeze %dma_wait3A_216 : memref<1x640xf32, #tpu.memory_space<vmem>> -> memref<640xf32, #tpu.memory_space<vmem>>
      %dma_wait3A_218 = tpu.memref_slice %arg8[%run_scoped3A_30, %mul3A_29] : memref<16x10240xf32, #tpu.memory_space<vmem_shared>> -> memref<1x640xf32, #tpu.memory_space<vmem_shared>>
      %dma_wait3A_219 = tpu.memref_squeeze %dma_wait3A_218 : memref<1x640xf32, #tpu.memory_space<vmem_shared>> -> memref<640xf32, #tpu.memory_space<vmem_shared>>
      tpu.wait_dma2 semaphore(%run_scoped3A_201 : memref<!tpu.dma_semaphore, #tpu.memory_space<semaphore_mem>>) src(%dma_wait3A_219 : memref<640xf32, #tpu.memory_space<vmem_shared>>) dst(%dma_wait3A_217 : memref<640xf32, #tpu.memory_space<vmem>>)
      tpu.yield
    }) : () -> ()
    %mul3A_32 = arith.constant 640 : i32
    %mul3A_33 = arith.muli %arg1, %mul3A_32 : i32
    %run_scoped3A_34 = arith.constant 4 : i32
    %run_scoped3A_35 = arith.constant 4 : i32
    "tpu.region"() ({
      %run_scoped3A_201 = tpu.sem_alloc : memref<!tpu.dma_semaphore, #tpu.memory_space<semaphore_mem>>
      %dma_start3A = arith.constant 0 : i32
      %dma_start3A_202 = tpu.memref_slice %arg6[%run_scoped3A_35, %dma_start3A] : memref<16x640xf32, #tpu.memory_space<vmem>> -> memref<1x640xf32, #tpu.memory_space<vmem>>
      %dma_start3A_203 = tpu.memref_squeeze %dma_start3A_202 : memref<1x640xf32, #tpu.memory_space<vmem>> -> memref<640xf32, #tpu.memory_space<vmem>>
      %dma_start3A_204 = tpu.memref_slice %arg8[%run_scoped3A_34, %mul3A_33] : memref<16x10240xf32, #tpu.memory_space<vmem_shared>> -> memref<1x640xf32, #tpu.memory_space<vmem_shared>>
      %dma_start3A_205 = tpu.memref_squeeze %dma_start3A_204 : memref<1x640xf32, #tpu.memory_space<vmem_shared>> -> memref<640xf32, #tpu.memory_space<vmem_shared>>
      %dma_start3A_206 = arith.constant 0 : i32
      %dma_start3A_207 = tpu.memref_slice %arg6[%run_scoped3A_35, %dma_start3A_206] : memref<16x640xf32, #tpu.memory_space<vmem>> -> memref<1x640xf32, #tpu.memory_space<vmem>>
      %dma_start3A_208 = tpu.memref_squeeze %dma_start3A_207 : memref<1x640xf32, #tpu.memory_space<vmem>> -> memref<640xf32, #tpu.memory_space<vmem>>
      %dma_start3A_209 = tpu.memref_slice %arg8[%run_scoped3A_34, %mul3A_33] : memref<16x10240xf32, #tpu.memory_space<vmem_shared>> -> memref<1x640xf32, #tpu.memory_space<vmem_shared>>
      %dma_start3A_210 = tpu.memref_squeeze %dma_start3A_209 : memref<1x640xf32, #tpu.memory_space<vmem_shared>> -> memref<640xf32, #tpu.memory_space<vmem_shared>>
      tpu.enqueue_dma source(%dma_start3A_210 : memref<640xf32, #tpu.memory_space<vmem_shared>>) target(%dma_start3A_208 : memref<640xf32, #tpu.memory_space<vmem>>) target_semaphore(%run_scoped3A_201 : memref<!tpu.dma_semaphore, #tpu.memory_space<semaphore_mem>>)
      %dma_wait3A = arith.constant 0 : i32
      %dma_wait3A_211 = tpu.memref_slice %arg6[%run_scoped3A_35, %dma_wait3A] : memref<16x640xf32, #tpu.memory_space<vmem>> -> memref<1x640xf32, #tpu.memory_space<vmem>>
      %dma_wait3A_212 = tpu.memref_squeeze %dma_wait3A_211 : memref<1x640xf32, #tpu.memory_space<vmem>> -> memref<640xf32, #tpu.memory_space<vmem>>
      %dma_wait3A_213 = tpu.memref_slice %arg8[%run_scoped3A_34, %mul3A_33] : memref<16x10240xf32, #tpu.memory_space<vmem_shared>> -> memref<1x640xf32, #tpu.memory_space<vmem_shared>>
      %dma_wait3A_214 = tpu.memref_squeeze %dma_wait3A_213 : memref<1x640xf32, #tpu.memory_space<vmem_shared>> -> memref<640xf32, #tpu.memory_space<vmem_shared>>
      %dma_wait3A_215 = arith.constant 0 : i32
      %dma_wait3A_216 = tpu.memref_slice %arg6[%run_scoped3A_35, %dma_wait3A_215] : memref<16x640xf32, #tpu.memory_space<vmem>> -> memref<1x640xf32, #tpu.memory_space<vmem>>
      %dma_wait3A_217 = tpu.memref_squeeze %dma_wait3A_216 : memref<1x640xf32, #tpu.memory_space<vmem>> -> memref<640xf32, #tpu.memory_space<vmem>>
      %dma_wait3A_218 = tpu.memref_slice %arg8[%run_scoped3A_34, %mul3A_33] : memref<16x10240xf32, #tpu.memory_space<vmem_shared>> -> memref<1x640xf32, #tpu.memory_space<vmem_shared>>
      %dma_wait3A_219 = tpu.memref_squeeze %dma_wait3A_218 : memref<1x640xf32, #tpu.memory_space<vmem_shared>> -> memref<640xf32, #tpu.memory_space<vmem_shared>>
      tpu.wait_dma2 semaphore(%run_scoped3A_201 : memref<!tpu.dma_semaphore, #tpu.memory_space<semaphore_mem>>) src(%dma_wait3A_219 : memref<640xf32, #tpu.memory_space<vmem_shared>>) dst(%dma_wait3A_217 : memref<640xf32, #tpu.memory_space<vmem>>)
      tpu.yield
    }) : () -> ()
    %mul3A_36 = arith.constant 640 : i32
    %mul3A_37 = arith.muli %arg1, %mul3A_36 : i32
    %run_scoped3A_38 = arith.constant 5 : i32
    %run_scoped3A_39 = arith.constant 5 : i32
    "tpu.region"() ({
      %run_scoped3A_201 = tpu.sem_alloc : memref<!tpu.dma_semaphore, #tpu.memory_space<semaphore_mem>>
      %dma_start3A = arith.constant 0 : i32
      %dma_start3A_202 = tpu.memref_slice %arg6[%run_scoped3A_39, %dma_start3A] : memref<16x640xf32, #tpu.memory_space<vmem>> -> memref<1x640xf32, #tpu.memory_space<vmem>>
      %dma_start3A_203 = tpu.memref_squeeze %dma_start3A_202 : memref<1x640xf32, #tpu.memory_space<vmem>> -> memref<640xf32, #tpu.memory_space<vmem>>
      %dma_start3A_204 = tpu.memref_slice %arg8[%run_scoped3A_38, %mul3A_37] : memref<16x10240xf32, #tpu.memory_space<vmem_shared>> -> memref<1x640xf32, #tpu.memory_space<vmem_shared>>
      %dma_start3A_205 = tpu.memref_squeeze %dma_start3A_204 : memref<1x640xf32, #tpu.memory_space<vmem_shared>> -> memref<640xf32, #tpu.memory_space<vmem_shared>>
      %dma_start3A_206 = arith.constant 0 : i32
      %dma_start3A_207 = tpu.memref_slice %arg6[%run_scoped3A_39, %dma_start3A_206] : memref<16x640xf32, #tpu.memory_space<vmem>> -> memref<1x640xf32, #tpu.memory_space<vmem>>
      %dma_start3A_208 = tpu.memref_squeeze %dma_start3A_207 : memref<1x640xf32, #tpu.memory_space<vmem>> -> memref<640xf32, #tpu.memory_space<vmem>>
      %dma_start3A_209 = tpu.memref_slice %arg8[%run_scoped3A_38, %mul3A_37] : memref<16x10240xf32, #tpu.memory_space<vmem_shared>> -> memref<1x640xf32, #tpu.memory_space<vmem_shared>>
      %dma_start3A_210 = tpu.memref_squeeze %dma_start3A_209 : memref<1x640xf32, #tpu.memory_space<vmem_shared>> -> memref<640xf32, #tpu.memory_space<vmem_shared>>
      tpu.enqueue_dma source(%dma_start3A_210 : memref<640xf32, #tpu.memory_space<vmem_shared>>) target(%dma_start3A_208 : memref<640xf32, #tpu.memory_space<vmem>>) target_semaphore(%run_scoped3A_201 : memref<!tpu.dma_semaphore, #tpu.memory_space<semaphore_mem>>)
      %dma_wait3A = arith.constant 0 : i32
      %dma_wait3A_211 = tpu.memref_slice %arg6[%run_scoped3A_39, %dma_wait3A] : memref<16x640xf32, #tpu.memory_space<vmem>> -> memref<1x640xf32, #tpu.memory_space<vmem>>
      %dma_wait3A_212 = tpu.memref_squeeze %dma_wait3A_211 : memref<1x640xf32, #tpu.memory_space<vmem>> -> memref<640xf32, #tpu.memory_space<vmem>>
      %dma_wait3A_213 = tpu.memref_slice %arg8[%run_scoped3A_38, %mul3A_37] : memref<16x10240xf32, #tpu.memory_space<vmem_shared>> -> memref<1x640xf32, #tpu.memory_space<vmem_shared>>
      %dma_wait3A_214 = tpu.memref_squeeze %dma_wait3A_213 : memref<1x640xf32, #tpu.memory_space<vmem_shared>> -> memref<640xf32, #tpu.memory_space<vmem_shared>>
      %dma_wait3A_215 = arith.constant 0 : i32
      %dma_wait3A_216 = tpu.memref_slice %arg6[%run_scoped3A_39, %dma_wait3A_215] : memref<16x640xf32, #tpu.memory_space<vmem>> -> memref<1x640xf32, #tpu.memory_space<vmem>>
      %dma_wait3A_217 = tpu.memref_squeeze %dma_wait3A_216 : memref<1x640xf32, #tpu.memory_space<vmem>> -> memref<640xf32, #tpu.memory_space<vmem>>
      %dma_wait3A_218 = tpu.memref_slice %arg8[%run_scoped3A_38, %mul3A_37] : memref<16x10240xf32, #tpu.memory_space<vmem_shared>> -> memref<1x640xf32, #tpu.memory_space<vmem_shared>>
      %dma_wait3A_219 = tpu.memref_squeeze %dma_wait3A_218 : memref<1x640xf32, #tpu.memory_space<vmem_shared>> -> memref<640xf32, #tpu.memory_space<vmem_shared>>
      tpu.wait_dma2 semaphore(%run_scoped3A_201 : memref<!tpu.dma_semaphore, #tpu.memory_space<semaphore_mem>>) src(%dma_wait3A_219 : memref<640xf32, #tpu.memory_space<vmem_shared>>) dst(%dma_wait3A_217 : memref<640xf32, #tpu.memory_space<vmem>>)
      tpu.yield
    }) : () -> ()
    %mul3A_40 = arith.constant 640 : i32
    %mul3A_41 = arith.muli %arg1, %mul3A_40 : i32
    %run_scoped3A_42 = arith.constant 6 : i32
    %run_scoped3A_43 = arith.constant 6 : i32
    "tpu.region"() ({
      %run_scoped3A_201 = tpu.sem_alloc : memref<!tpu.dma_semaphore, #tpu.memory_space<semaphore_mem>>
      %dma_start3A = arith.constant 0 : i32
      %dma_start3A_202 = tpu.memref_slice %arg6[%run_scoped3A_43, %dma_start3A] : memref<16x640xf32, #tpu.memory_space<vmem>> -> memref<1x640xf32, #tpu.memory_space<vmem>>
      %dma_start3A_203 = tpu.memref_squeeze %dma_start3A_202 : memref<1x640xf32, #tpu.memory_space<vmem>> -> memref<640xf32, #tpu.memory_space<vmem>>
      %dma_start3A_204 = tpu.memref_slice %arg8[%run_scoped3A_42, %mul3A_41] : memref<16x10240xf32, #tpu.memory_space<vmem_shared>> -> memref<1x640xf32, #tpu.memory_space<vmem_shared>>
      %dma_start3A_205 = tpu.memref_squeeze %dma_start3A_204 : memref<1x640xf32, #tpu.memory_space<vmem_shared>> -> memref<640xf32, #tpu.memory_space<vmem_shared>>
      %dma_start3A_206 = arith.constant 0 : i32
      %dma_start3A_207 = tpu.memref_slice %arg6[%run_scoped3A_43, %dma_start3A_206] : memref<16x640xf32, #tpu.memory_space<vmem>> -> memref<1x640xf32, #tpu.memory_space<vmem>>
      %dma_start3A_208 = tpu.memref_squeeze %dma_start3A_207 : memref<1x640xf32, #tpu.memory_space<vmem>> -> memref<640xf32, #tpu.memory_space<vmem>>
      %dma_start3A_209 = tpu.memref_slice %arg8[%run_scoped3A_42, %mul3A_41] : memref<16x10240xf32, #tpu.memory_space<vmem_shared>> -> memref<1x640xf32, #tpu.memory_space<vmem_shared>>
      %dma_start3A_210 = tpu.memref_squeeze %dma_start3A_209 : memref<1x640xf32, #tpu.memory_space<vmem_shared>> -> memref<640xf32, #tpu.memory_space<vmem_shared>>
      tpu.enqueue_dma source(%dma_start3A_210 : memref<640xf32, #tpu.memory_space<vmem_shared>>) target(%dma_start3A_208 : memref<640xf32, #tpu.memory_space<vmem>>) target_semaphore(%run_scoped3A_201 : memref<!tpu.dma_semaphore, #tpu.memory_space<semaphore_mem>>)
      %dma_wait3A = arith.constant 0 : i32
      %dma_wait3A_211 = tpu.memref_slice %arg6[%run_scoped3A_43, %dma_wait3A] : memref<16x640xf32, #tpu.memory_space<vmem>> -> memref<1x640xf32, #tpu.memory_space<vmem>>
      %dma_wait3A_212 = tpu.memref_squeeze %dma_wait3A_211 : memref<1x640xf32, #tpu.memory_space<vmem>> -> memref<640xf32, #tpu.memory_space<vmem>>
      %dma_wait3A_213 = tpu.memref_slice %arg8[%run_scoped3A_42, %mul3A_41] : memref<16x10240xf32, #tpu.memory_space<vmem_shared>> -> memref<1x640xf32, #tpu.memory_space<vmem_shared>>
      %dma_wait3A_214 = tpu.memref_squeeze %dma_wait3A_213 : memref<1x640xf32, #tpu.memory_space<vmem_shared>> -> memref<640xf32, #tpu.memory_space<vmem_shared>>
      %dma_wait3A_215 = arith.constant 0 : i32
      %dma_wait3A_216 = tpu.memref_slice %arg6[%run_scoped3A_43, %dma_wait3A_215] : memref<16x640xf32, #tpu.memory_space<vmem>> -> memref<1x640xf32, #tpu.memory_space<vmem>>
      %dma_wait3A_217 = tpu.memref_squeeze %dma_wait3A_216 : memref<1x640xf32, #tpu.memory_space<vmem>> -> memref<640xf32, #tpu.memory_space<vmem>>
      %dma_wait3A_218 = tpu.memref_slice %arg8[%run_scoped3A_42, %mul3A_41] : memref<16x10240xf32, #tpu.memory_space<vmem_shared>> -> memref<1x640xf32, #tpu.memory_space<vmem_shared>>
      %dma_wait3A_219 = tpu.memref_squeeze %dma_wait3A_218 : memref<1x640xf32, #tpu.memory_space<vmem_shared>> -> memref<640xf32, #tpu.memory_space<vmem_shared>>
      tpu.wait_dma2 semaphore(%run_scoped3A_201 : memref<!tpu.dma_semaphore, #tpu.memory_space<semaphore_mem>>) src(%dma_wait3A_219 : memref<640xf32, #tpu.memory_space<vmem_shared>>) dst(%dma_wait3A_217 : memref<640xf32, #tpu.memory_space<vmem>>)
      tpu.yield
    }) : () -> ()
    %mul3A_44 = arith.constant 640 : i32
    %mul3A_45 = arith.muli %arg1, %mul3A_44 : i32
    %run_scoped3A_46 = arith.constant 7 : i32
    %run_scoped3A_47 = arith.constant 7 : i32
    "tpu.region"() ({
      %run_scoped3A_201 = tpu.sem_alloc : memref<!tpu.dma_semaphore, #tpu.memory_space<semaphore_mem>>
      %dma_start3A = arith.constant 0 : i32
      %dma_start3A_202 = tpu.memref_slice %arg6[%run_scoped3A_47, %dma_start3A] : memref<16x640xf32, #tpu.memory_space<vmem>> -> memref<1x640xf32, #tpu.memory_space<vmem>>
      %dma_start3A_203 = tpu.memref_squeeze %dma_start3A_202 : memref<1x640xf32, #tpu.memory_space<vmem>> -> memref<640xf32, #tpu.memory_space<vmem>>
      %dma_start3A_204 = tpu.memref_slice %arg8[%run_scoped3A_46, %mul3A_45] : memref<16x10240xf32, #tpu.memory_space<vmem_shared>> -> memref<1x640xf32, #tpu.memory_space<vmem_shared>>
      %dma_start3A_205 = tpu.memref_squeeze %dma_start3A_204 : memref<1x640xf32, #tpu.memory_space<vmem_shared>> -> memref<640xf32, #tpu.memory_space<vmem_shared>>
      %dma_start3A_206 = arith.constant 0 : i32
      %dma_start3A_207 = tpu.memref_slice %arg6[%run_scoped3A_47, %dma_start3A_206] : memref<16x640xf32, #tpu.memory_space<vmem>> -> memref<1x640xf32, #tpu.memory_space<vmem>>
      %dma_start3A_208 = tpu.memref_squeeze %dma_start3A_207 : memref<1x640xf32, #tpu.memory_space<vmem>> -> memref<640xf32, #tpu.memory_space<vmem>>
      %dma_start3A_209 = tpu.memref_slice %arg8[%run_scoped3A_46, %mul3A_45] : memref<16x10240xf32, #tpu.memory_space<vmem_shared>> -> memref<1x640xf32, #tpu.memory_space<vmem_shared>>
      %dma_start3A_210 = tpu.memref_squeeze %dma_start3A_209 : memref<1x640xf32, #tpu.memory_space<vmem_shared>> -> memref<640xf32, #tpu.memory_space<vmem_shared>>
      tpu.enqueue_dma source(%dma_start3A_210 : memref<640xf32, #tpu.memory_space<vmem_shared>>) target(%dma_start3A_208 : memref<640xf32, #tpu.memory_space<vmem>>) target_semaphore(%run_scoped3A_201 : memref<!tpu.dma_semaphore, #tpu.memory_space<semaphore_mem>>)
      %dma_wait3A = arith.constant 0 : i32
      %dma_wait3A_211 = tpu.memref_slice %arg6[%run_scoped3A_47, %dma_wait3A] : memref<16x640xf32, #tpu.memory_space<vmem>> -> memref<1x640xf32, #tpu.memory_space<vmem>>
      %dma_wait3A_212 = tpu.memref_squeeze %dma_wait3A_211 : memref<1x640xf32, #tpu.memory_space<vmem>> -> memref<640xf32, #tpu.memory_space<vmem>>
      %dma_wait3A_213 = tpu.memref_slice %arg8[%run_scoped3A_46, %mul3A_45] : memref<16x10240xf32, #tpu.memory_space<vmem_shared>> -> memref<1x640xf32, #tpu.memory_space<vmem_shared>>
      %dma_wait3A_214 = tpu.memref_squeeze %dma_wait3A_213 : memref<1x640xf32, #tpu.memory_space<vmem_shared>> -> memref<640xf32, #tpu.memory_space<vmem_shared>>
      %dma_wait3A_215 = arith.constant 0 : i32
      %dma_wait3A_216 = tpu.memref_slice %arg6[%run_scoped3A_47, %dma_wait3A_215] : memref<16x640xf32, #tpu.memory_space<vmem>> -> memref<1x640xf32, #tpu.memory_space<vmem>>
      %dma_wait3A_217 = tpu.memref_squeeze %dma_wait3A_216 : memref<1x640xf32, #tpu.memory_space<vmem>> -> memref<640xf32, #tpu.memory_space<vmem>>
      %dma_wait3A_218 = tpu.memref_slice %arg8[%run_scoped3A_46, %mul3A_45] : memref<16x10240xf32, #tpu.memory_space<vmem_shared>> -> memref<1x640xf32, #tpu.memory_space<vmem_shared>>
      %dma_wait3A_219 = tpu.memref_squeeze %dma_wait3A_218 : memref<1x640xf32, #tpu.memory_space<vmem_shared>> -> memref<640xf32, #tpu.memory_space<vmem_shared>>
      tpu.wait_dma2 semaphore(%run_scoped3A_201 : memref<!tpu.dma_semaphore, #tpu.memory_space<semaphore_mem>>) src(%dma_wait3A_219 : memref<640xf32, #tpu.memory_space<vmem_shared>>) dst(%dma_wait3A_217 : memref<640xf32, #tpu.memory_space<vmem>>)
      tpu.yield
    }) : () -> ()
    %mul3A_48 = arith.constant 640 : i32
    %mul3A_49 = arith.muli %arg1, %mul3A_48 : i32
    %run_scoped3A_50 = arith.constant 8 : i32
    %run_scoped3A_51 = arith.constant 8 : i32
    "tpu.region"() ({
      %run_scoped3A_201 = tpu.sem_alloc : memref<!tpu.dma_semaphore, #tpu.memory_space<semaphore_mem>>
      %dma_start3A = arith.constant 0 : i32
      %dma_start3A_202 = tpu.memref_slice %arg6[%run_scoped3A_51, %dma_start3A] : memref<16x640xf32, #tpu.memory_space<vmem>> -> memref<1x640xf32, #tpu.memory_space<vmem>>
      %dma_start3A_203 = tpu.memref_squeeze %dma_start3A_202 : memref<1x640xf32, #tpu.memory_space<vmem>> -> memref<640xf32, #tpu.memory_space<vmem>>
      %dma_start3A_204 = tpu.memref_slice %arg8[%run_scoped3A_50, %mul3A_49] : memref<16x10240xf32, #tpu.memory_space<vmem_shared>> -> memref<1x640xf32, #tpu.memory_space<vmem_shared>>
      %dma_start3A_205 = tpu.memref_squeeze %dma_start3A_204 : memref<1x640xf32, #tpu.memory_space<vmem_shared>> -> memref<640xf32, #tpu.memory_space<vmem_shared>>
      %dma_start3A_206 = arith.constant 0 : i32
      %dma_start3A_207 = tpu.memref_slice %arg6[%run_scoped3A_51, %dma_start3A_206] : memref<16x640xf32, #tpu.memory_space<vmem>> -> memref<1x640xf32, #tpu.memory_space<vmem>>
      %dma_start3A_208 = tpu.memref_squeeze %dma_start3A_207 : memref<1x640xf32, #tpu.memory_space<vmem>> -> memref<640xf32, #tpu.memory_space<vmem>>
      %dma_start3A_209 = tpu.memref_slice %arg8[%run_scoped3A_50, %mul3A_49] : memref<16x10240xf32, #tpu.memory_space<vmem_shared>> -> memref<1x640xf32, #tpu.memory_space<vmem_shared>>
      %dma_start3A_210 = tpu.memref_squeeze %dma_start3A_209 : memref<1x640xf32, #tpu.memory_space<vmem_shared>> -> memref<640xf32, #tpu.memory_space<vmem_shared>>
      tpu.enqueue_dma source(%dma_start3A_210 : memref<640xf32, #tpu.memory_space<vmem_shared>>) target(%dma_start3A_208 : memref<640xf32, #tpu.memory_space<vmem>>) target_semaphore(%run_scoped3A_201 : memref<!tpu.dma_semaphore, #tpu.memory_space<semaphore_mem>>)
      %dma_wait3A = arith.constant 0 : i32
      %dma_wait3A_211 = tpu.memref_slice %arg6[%run_scoped3A_51, %dma_wait3A] : memref<16x640xf32, #tpu.memory_space<vmem>> -> memref<1x640xf32, #tpu.memory_space<vmem>>
      %dma_wait3A_212 = tpu.memref_squeeze %dma_wait3A_211 : memref<1x640xf32, #tpu.memory_space<vmem>> -> memref<640xf32, #tpu.memory_space<vmem>>
      %dma_wait3A_213 = tpu.memref_slice %arg8[%run_scoped3A_50, %mul3A_49] : memref<16x10240xf32, #tpu.memory_space<vmem_shared>> -> memref<1x640xf32, #tpu.memory_space<vmem_shared>>
      %dma_wait3A_214 = tpu.memref_squeeze %dma_wait3A_213 : memref<1x640xf32, #tpu.memory_space<vmem_shared>> -> memref<640xf32, #tpu.memory_space<vmem_shared>>
      %dma_wait3A_215 = arith.constant 0 : i32
      %dma_wait3A_216 = tpu.memref_slice %arg6[%run_scoped3A_51, %dma_wait3A_215] : memref<16x640xf32, #tpu.memory_space<vmem>> -> memref<1x640xf32, #tpu.memory_space<vmem>>
      %dma_wait3A_217 = tpu.memref_squeeze %dma_wait3A_216 : memref<1x640xf32, #tpu.memory_space<vmem>> -> memref<640xf32, #tpu.memory_space<vmem>>
      %dma_wait3A_218 = tpu.memref_slice %arg8[%run_scoped3A_50, %mul3A_49] : memref<16x10240xf32, #tpu.memory_space<vmem_shared>> -> memref<1x640xf32, #tpu.memory_space<vmem_shared>>
      %dma_wait3A_219 = tpu.memref_squeeze %dma_wait3A_218 : memref<1x640xf32, #tpu.memory_space<vmem_shared>> -> memref<640xf32, #tpu.memory_space<vmem_shared>>
      tpu.wait_dma2 semaphore(%run_scoped3A_201 : memref<!tpu.dma_semaphore, #tpu.memory_space<semaphore_mem>>) src(%dma_wait3A_219 : memref<640xf32, #tpu.memory_space<vmem_shared>>) dst(%dma_wait3A_217 : memref<640xf32, #tpu.memory_space<vmem>>)
      tpu.yield
    }) : () -> ()
    %mul3A_52 = arith.constant 640 : i32
    %mul3A_53 = arith.muli %arg1, %mul3A_52 : i32
    %run_scoped3A_54 = arith.constant 9 : i32
    %run_scoped3A_55 = arith.constant 9 : i32
    "tpu.region"() ({
      %run_scoped3A_201 = tpu.sem_alloc : memref<!tpu.dma_semaphore, #tpu.memory_space<semaphore_mem>>
      %dma_start3A = arith.constant 0 : i32
      %dma_start3A_202 = tpu.memref_slice %arg6[%run_scoped3A_55, %dma_start3A] : memref<16x640xf32, #tpu.memory_space<vmem>> -> memref<1x640xf32, #tpu.memory_space<vmem>>
      %dma_start3A_203 = tpu.memref_squeeze %dma_start3A_202 : memref<1x640xf32, #tpu.memory_space<vmem>> -> memref<640xf32, #tpu.memory_space<vmem>>
      %dma_start3A_204 = tpu.memref_slice %arg8[%run_scoped3A_54, %mul3A_53] : memref<16x10240xf32, #tpu.memory_space<vmem_shared>> -> memref<1x640xf32, #tpu.memory_space<vmem_shared>>
      %dma_start3A_205 = tpu.memref_squeeze %dma_start3A_204 : memref<1x640xf32, #tpu.memory_space<vmem_shared>> -> memref<640xf32, #tpu.memory_space<vmem_shared>>
      %dma_start3A_206 = arith.constant 0 : i32
      %dma_start3A_207 = tpu.memref_slice %arg6[%run_scoped3A_55, %dma_start3A_206] : memref<16x640xf32, #tpu.memory_space<vmem>> -> memref<1x640xf32, #tpu.memory_space<vmem>>
      %dma_start3A_208 = tpu.memref_squeeze %dma_start3A_207 : memref<1x640xf32, #tpu.memory_space<vmem>> -> memref<640xf32, #tpu.memory_space<vmem>>
      %dma_start3A_209 = tpu.memref_slice %arg8[%run_scoped3A_54, %mul3A_53] : memref<16x10240xf32, #tpu.memory_space<vmem_shared>> -> memref<1x640xf32, #tpu.memory_space<vmem_shared>>
      %dma_start3A_210 = tpu.memref_squeeze %dma_start3A_209 : memref<1x640xf32, #tpu.memory_space<vmem_shared>> -> memref<640xf32, #tpu.memory_space<vmem_shared>>
      tpu.enqueue_dma source(%dma_start3A_210 : memref<640xf32, #tpu.memory_space<vmem_shared>>) target(%dma_start3A_208 : memref<640xf32, #tpu.memory_space<vmem>>) target_semaphore(%run_scoped3A_201 : memref<!tpu.dma_semaphore, #tpu.memory_space<semaphore_mem>>)
      %dma_wait3A = arith.constant 0 : i32
      %dma_wait3A_211 = tpu.memref_slice %arg6[%run_scoped3A_55, %dma_wait3A] : memref<16x640xf32, #tpu.memory_space<vmem>> -> memref<1x640xf32, #tpu.memory_space<vmem>>
      %dma_wait3A_212 = tpu.memref_squeeze %dma_wait3A_211 : memref<1x640xf32, #tpu.memory_space<vmem>> -> memref<640xf32, #tpu.memory_space<vmem>>
      %dma_wait3A_213 = tpu.memref_slice %arg8[%run_scoped3A_54, %mul3A_53] : memref<16x10240xf32, #tpu.memory_space<vmem_shared>> -> memref<1x640xf32, #tpu.memory_space<vmem_shared>>
      %dma_wait3A_214 = tpu.memref_squeeze %dma_wait3A_213 : memref<1x640xf32, #tpu.memory_space<vmem_shared>> -> memref<640xf32, #tpu.memory_space<vmem_shared>>
      %dma_wait3A_215 = arith.constant 0 : i32
      %dma_wait3A_216 = tpu.memref_slice %arg6[%run_scoped3A_55, %dma_wait3A_215] : memref<16x640xf32, #tpu.memory_space<vmem>> -> memref<1x640xf32, #tpu.memory_space<vmem>>
      %dma_wait3A_217 = tpu.memref_squeeze %dma_wait3A_216 : memref<1x640xf32, #tpu.memory_space<vmem>> -> memref<640xf32, #tpu.memory_space<vmem>>
      %dma_wait3A_218 = tpu.memref_slice %arg8[%run_scoped3A_54, %mul3A_53] : memref<16x10240xf32, #tpu.memory_space<vmem_shared>> -> memref<1x640xf32, #tpu.memory_space<vmem_shared>>
      %dma_wait3A_219 = tpu.memref_squeeze %dma_wait3A_218 : memref<1x640xf32, #tpu.memory_space<vmem_shared>> -> memref<640xf32, #tpu.memory_space<vmem_shared>>
      tpu.wait_dma2 semaphore(%run_scoped3A_201 : memref<!tpu.dma_semaphore, #tpu.memory_space<semaphore_mem>>) src(%dma_wait3A_219 : memref<640xf32, #tpu.memory_space<vmem_shared>>) dst(%dma_wait3A_217 : memref<640xf32, #tpu.memory_space<vmem>>)
      tpu.yield
    }) : () -> ()
    %mul3A_56 = arith.constant 640 : i32
    %mul3A_57 = arith.muli %arg1, %mul3A_56 : i32
    %run_scoped3A_58 = arith.constant 10 : i32
    %run_scoped3A_59 = arith.constant 10 : i32
    "tpu.region"() ({
      %run_scoped3A_201 = tpu.sem_alloc : memref<!tpu.dma_semaphore, #tpu.memory_space<semaphore_mem>>
      %dma_start3A = arith.constant 0 : i32
      %dma_start3A_202 = tpu.memref_slice %arg6[%run_scoped3A_59, %dma_start3A] : memref<16x640xf32, #tpu.memory_space<vmem>> -> memref<1x640xf32, #tpu.memory_space<vmem>>
      %dma_start3A_203 = tpu.memref_squeeze %dma_start3A_202 : memref<1x640xf32, #tpu.memory_space<vmem>> -> memref<640xf32, #tpu.memory_space<vmem>>
      %dma_start3A_204 = tpu.memref_slice %arg8[%run_scoped3A_58, %mul3A_57] : memref<16x10240xf32, #tpu.memory_space<vmem_shared>> -> memref<1x640xf32, #tpu.memory_space<vmem_shared>>
      %dma_start3A_205 = tpu.memref_squeeze %dma_start3A_204 : memref<1x640xf32, #tpu.memory_space<vmem_shared>> -> memref<640xf32, #tpu.memory_space<vmem_shared>>
      %dma_start3A_206 = arith.constant 0 : i32
      %dma_start3A_207 = tpu.memref_slice %arg6[%run_scoped3A_59, %dma_start3A_206] : memref<16x640xf32, #tpu.memory_space<vmem>> -> memref<1x640xf32, #tpu.memory_space<vmem>>
      %dma_start3A_208 = tpu.memref_squeeze %dma_start3A_207 : memref<1x640xf32, #tpu.memory_space<vmem>> -> memref<640xf32, #tpu.memory_space<vmem>>
      %dma_start3A_209 = tpu.memref_slice %arg8[%run_scoped3A_58, %mul3A_57] : memref<16x10240xf32, #tpu.memory_space<vmem_shared>> -> memref<1x640xf32, #tpu.memory_space<vmem_shared>>
      %dma_start3A_210 = tpu.memref_squeeze %dma_start3A_209 : memref<1x640xf32, #tpu.memory_space<vmem_shared>> -> memref<640xf32, #tpu.memory_space<vmem_shared>>
      tpu.enqueue_dma source(%dma_start3A_210 : memref<640xf32, #tpu.memory_space<vmem_shared>>) target(%dma_start3A_208 : memref<640xf32, #tpu.memory_space<vmem>>) target_semaphore(%run_scoped3A_201 : memref<!tpu.dma_semaphore, #tpu.memory_space<semaphore_mem>>)
      %dma_wait3A = arith.constant 0 : i32
      %dma_wait3A_211 = tpu.memref_slice %arg6[%run_scoped3A_59, %dma_wait3A] : memref<16x640xf32, #tpu.memory_space<vmem>> -> memref<1x640xf32, #tpu.memory_space<vmem>>
      %dma_wait3A_212 = tpu.memref_squeeze %dma_wait3A_211 : memref<1x640xf32, #tpu.memory_space<vmem>> -> memref<640xf32, #tpu.memory_space<vmem>>
      %dma_wait3A_213 = tpu.memref_slice %arg8[%run_scoped3A_58, %mul3A_57] : memref<16x10240xf32, #tpu.memory_space<vmem_shared>> -> memref<1x640xf32, #tpu.memory_space<vmem_shared>>
      %dma_wait3A_214 = tpu.memref_squeeze %dma_wait3A_213 : memref<1x640xf32, #tpu.memory_space<vmem_shared>> -> memref<640xf32, #tpu.memory_space<vmem_shared>>
      %dma_wait3A_215 = arith.constant 0 : i32
      %dma_wait3A_216 = tpu.memref_slice %arg6[%run_scoped3A_59, %dma_wait3A_215] : memref<16x640xf32, #tpu.memory_space<vmem>> -> memref<1x640xf32, #tpu.memory_space<vmem>>
      %dma_wait3A_217 = tpu.memref_squeeze %dma_wait3A_216 : memref<1x640xf32, #tpu.memory_space<vmem>> -> memref<640xf32, #tpu.memory_space<vmem>>
      %dma_wait3A_218 = tpu.memref_slice %arg8[%run_scoped3A_58, %mul3A_57] : memref<16x10240xf32, #tpu.memory_space<vmem_shared>> -> memref<1x640xf32, #tpu.memory_space<vmem_shared>>
      %dma_wait3A_219 = tpu.memref_squeeze %dma_wait3A_218 : memref<1x640xf32, #tpu.memory_space<vmem_shared>> -> memref<640xf32, #tpu.memory_space<vmem_shared>>
      tpu.wait_dma2 semaphore(%run_scoped3A_201 : memref<!tpu.dma_semaphore, #tpu.memory_space<semaphore_mem>>) src(%dma_wait3A_219 : memref<640xf32, #tpu.memory_space<vmem_shared>>) dst(%dma_wait3A_217 : memref<640xf32, #tpu.memory_space<vmem>>)
      tpu.yield
    }) : () -> ()
    %mul3A_60 = arith.constant 640 : i32
    %mul3A_61 = arith.muli %arg1, %mul3A_60 : i32
    %run_scoped3A_62 = arith.constant 11 : i32
    %run_scoped3A_63 = arith.constant 11 : i32
    "tpu.region"() ({
      %run_scoped3A_201 = tpu.sem_alloc : memref<!tpu.dma_semaphore, #tpu.memory_space<semaphore_mem>>
      %dma_start3A = arith.constant 0 : i32
      %dma_start3A_202 = tpu.memref_slice %arg6[%run_scoped3A_63, %dma_start3A] : memref<16x640xf32, #tpu.memory_space<vmem>> -> memref<1x640xf32, #tpu.memory_space<vmem>>
      %dma_start3A_203 = tpu.memref_squeeze %dma_start3A_202 : memref<1x640xf32, #tpu.memory_space<vmem>> -> memref<640xf32, #tpu.memory_space<vmem>>
      %dma_start3A_204 = tpu.memref_slice %arg8[%run_scoped3A_62, %mul3A_61] : memref<16x10240xf32, #tpu.memory_space<vmem_shared>> -> memref<1x640xf32, #tpu.memory_space<vmem_shared>>
      %dma_start3A_205 = tpu.memref_squeeze %dma_start3A_204 : memref<1x640xf32, #tpu.memory_space<vmem_shared>> -> memref<640xf32, #tpu.memory_space<vmem_shared>>
      %dma_start3A_206 = arith.constant 0 : i32
      %dma_start3A_207 = tpu.memref_slice %arg6[%run_scoped3A_63, %dma_start3A_206] : memref<16x640xf32, #tpu.memory_space<vmem>> -> memref<1x640xf32, #tpu.memory_space<vmem>>
      %dma_start3A_208 = tpu.memref_squeeze %dma_start3A_207 : memref<1x640xf32, #tpu.memory_space<vmem>> -> memref<640xf32, #tpu.memory_space<vmem>>
      %dma_start3A_209 = tpu.memref_slice %arg8[%run_scoped3A_62, %mul3A_61] : memref<16x10240xf32, #tpu.memory_space<vmem_shared>> -> memref<1x640xf32, #tpu.memory_space<vmem_shared>>
      %dma_start3A_210 = tpu.memref_squeeze %dma_start3A_209 : memref<1x640xf32, #tpu.memory_space<vmem_shared>> -> memref<640xf32, #tpu.memory_space<vmem_shared>>
      tpu.enqueue_dma source(%dma_start3A_210 : memref<640xf32, #tpu.memory_space<vmem_shared>>) target(%dma_start3A_208 : memref<640xf32, #tpu.memory_space<vmem>>) target_semaphore(%run_scoped3A_201 : memref<!tpu.dma_semaphore, #tpu.memory_space<semaphore_mem>>)
      %dma_wait3A = arith.constant 0 : i32
      %dma_wait3A_211 = tpu.memref_slice %arg6[%run_scoped3A_63, %dma_wait3A] : memref<16x640xf32, #tpu.memory_space<vmem>> -> memref<1x640xf32, #tpu.memory_space<vmem>>
      %dma_wait3A_212 = tpu.memref_squeeze %dma_wait3A_211 : memref<1x640xf32, #tpu.memory_space<vmem>> -> memref<640xf32, #tpu.memory_space<vmem>>
      %dma_wait3A_213 = tpu.memref_slice %arg8[%run_scoped3A_62, %mul3A_61] : memref<16x10240xf32, #tpu.memory_space<vmem_shared>> -> memref<1x640xf32, #tpu.memory_space<vmem_shared>>
      %dma_wait3A_214 = tpu.memref_squeeze %dma_wait3A_213 : memref<1x640xf32, #tpu.memory_space<vmem_shared>> -> memref<640xf32, #tpu.memory_space<vmem_shared>>
      %dma_wait3A_215 = arith.constant 0 : i32
      %dma_wait3A_216 = tpu.memref_slice %arg6[%run_scoped3A_63, %dma_wait3A_215] : memref<16x640xf32, #tpu.memory_space<vmem>> -> memref<1x640xf32, #tpu.memory_space<vmem>>
      %dma_wait3A_217 = tpu.memref_squeeze %dma_wait3A_216 : memref<1x640xf32, #tpu.memory_space<vmem>> -> memref<640xf32, #tpu.memory_space<vmem>>
      %dma_wait3A_218 = tpu.memref_slice %arg8[%run_scoped3A_62, %mul3A_61] : memref<16x10240xf32, #tpu.memory_space<vmem_shared>> -> memref<1x640xf32, #tpu.memory_space<vmem_shared>>
      %dma_wait3A_219 = tpu.memref_squeeze %dma_wait3A_218 : memref<1x640xf32, #tpu.memory_space<vmem_shared>> -> memref<640xf32, #tpu.memory_space<vmem_shared>>
      tpu.wait_dma2 semaphore(%run_scoped3A_201 : memref<!tpu.dma_semaphore, #tpu.memory_space<semaphore_mem>>) src(%dma_wait3A_219 : memref<640xf32, #tpu.memory_space<vmem_shared>>) dst(%dma_wait3A_217 : memref<640xf32, #tpu.memory_space<vmem>>)
      tpu.yield
    }) : () -> ()
    %mul3A_64 = arith.constant 640 : i32
    %mul3A_65 = arith.muli %arg1, %mul3A_64 : i32
    %run_scoped3A_66 = arith.constant 12 : i32
    %run_scoped3A_67 = arith.constant 12 : i32
    "tpu.region"() ({
      %run_scoped3A_201 = tpu.sem_alloc : memref<!tpu.dma_semaphore, #tpu.memory_space<semaphore_mem>>
      %dma_start3A = arith.constant 0 : i32
      %dma_start3A_202 = tpu.memref_slice %arg6[%run_scoped3A_67, %dma_start3A] : memref<16x640xf32, #tpu.memory_space<vmem>> -> memref<1x640xf32, #tpu.memory_space<vmem>>
      %dma_start3A_203 = tpu.memref_squeeze %dma_start3A_202 : memref<1x640xf32, #tpu.memory_space<vmem>> -> memref<640xf32, #tpu.memory_space<vmem>>
      %dma_start3A_204 = tpu.memref_slice %arg8[%run_scoped3A_66, %mul3A_65] : memref<16x10240xf32, #tpu.memory_space<vmem_shared>> -> memref<1x640xf32, #tpu.memory_space<vmem_shared>>
      %dma_start3A_205 = tpu.memref_squeeze %dma_start3A_204 : memref<1x640xf32, #tpu.memory_space<vmem_shared>> -> memref<640xf32, #tpu.memory_space<vmem_shared>>
      %dma_start3A_206 = arith.constant 0 : i32
      %dma_start3A_207 = tpu.memref_slice %arg6[%run_scoped3A_67, %dma_start3A_206] : memref<16x640xf32, #tpu.memory_space<vmem>> -> memref<1x640xf32, #tpu.memory_space<vmem>>
      %dma_start3A_208 = tpu.memref_squeeze %dma_start3A_207 : memref<1x640xf32, #tpu.memory_space<vmem>> -> memref<640xf32, #tpu.memory_space<vmem>>
      %dma_start3A_209 = tpu.memref_slice %arg8[%run_scoped3A_66, %mul3A_65] : memref<16x10240xf32, #tpu.memory_space<vmem_shared>> -> memref<1x640xf32, #tpu.memory_space<vmem_shared>>
      %dma_start3A_210 = tpu.memref_squeeze %dma_start3A_209 : memref<1x640xf32, #tpu.memory_space<vmem_shared>> -> memref<640xf32, #tpu.memory_space<vmem_shared>>
      tpu.enqueue_dma source(%dma_start3A_210 : memref<640xf32, #tpu.memory_space<vmem_shared>>) target(%dma_start3A_208 : memref<640xf32, #tpu.memory_space<vmem>>) target_semaphore(%run_scoped3A_201 : memref<!tpu.dma_semaphore, #tpu.memory_space<semaphore_mem>>)
      %dma_wait3A = arith.constant 0 : i32
      %dma_wait3A_211 = tpu.memref_slice %arg6[%run_scoped3A_67, %dma_wait3A] : memref<16x640xf32, #tpu.memory_space<vmem>> -> memref<1x640xf32, #tpu.memory_space<vmem>>
      %dma_wait3A_212 = tpu.memref_squeeze %dma_wait3A_211 : memref<1x640xf32, #tpu.memory_space<vmem>> -> memref<640xf32, #tpu.memory_space<vmem>>
      %dma_wait3A_213 = tpu.memref_slice %arg8[%run_scoped3A_66, %mul3A_65] : memref<16x10240xf32, #tpu.memory_space<vmem_shared>> -> memref<1x640xf32, #tpu.memory_space<vmem_shared>>
      %dma_wait3A_214 = tpu.memref_squeeze %dma_wait3A_213 : memref<1x640xf32, #tpu.memory_space<vmem_shared>> -> memref<640xf32, #tpu.memory_space<vmem_shared>>
      %dma_wait3A_215 = arith.constant 0 : i32
      %dma_wait3A_216 = tpu.memref_slice %arg6[%run_scoped3A_67, %dma_wait3A_215] : memref<16x640xf32, #tpu.memory_space<vmem>> -> memref<1x640xf32, #tpu.memory_space<vmem>>
      %dma_wait3A_217 = tpu.memref_squeeze %dma_wait3A_216 : memref<1x640xf32, #tpu.memory_space<vmem>> -> memref<640xf32, #tpu.memory_space<vmem>>
      %dma_wait3A_218 = tpu.memref_slice %arg8[%run_scoped3A_66, %mul3A_65] : memref<16x10240xf32, #tpu.memory_space<vmem_shared>> -> memref<1x640xf32, #tpu.memory_space<vmem_shared>>
      %dma_wait3A_219 = tpu.memref_squeeze %dma_wait3A_218 : memref<1x640xf32, #tpu.memory_space<vmem_shared>> -> memref<640xf32, #tpu.memory_space<vmem_shared>>
      tpu.wait_dma2 semaphore(%run_scoped3A_201 : memref<!tpu.dma_semaphore, #tpu.memory_space<semaphore_mem>>) src(%dma_wait3A_219 : memref<640xf32, #tpu.memory_space<vmem_shared>>) dst(%dma_wait3A_217 : memref<640xf32, #tpu.memory_space<vmem>>)
      tpu.yield
    }) : () -> ()
    %mul3A_68 = arith.constant 640 : i32
    %mul3A_69 = arith.muli %arg1, %mul3A_68 : i32
    %run_scoped3A_70 = arith.constant 13 : i32
    %run_scoped3A_71 = arith.constant 13 : i32
    "tpu.region"() ({
      %run_scoped3A_201 = tpu.sem_alloc : memref<!tpu.dma_semaphore, #tpu.memory_space<semaphore_mem>>
      %dma_start3A = arith.constant 0 : i32
      %dma_start3A_202 = tpu.memref_slice %arg6[%run_scoped3A_71, %dma_start3A] : memref<16x640xf32, #tpu.memory_space<vmem>> -> memref<1x640xf32, #tpu.memory_space<vmem>>
      %dma_start3A_203 = tpu.memref_squeeze %dma_start3A_202 : memref<1x640xf32, #tpu.memory_space<vmem>> -> memref<640xf32, #tpu.memory_space<vmem>>
      %dma_start3A_204 = tpu.memref_slice %arg8[%run_scoped3A_70, %mul3A_69] : memref<16x10240xf32, #tpu.memory_space<vmem_shared>> -> memref<1x640xf32, #tpu.memory_space<vmem_shared>>
      %dma_start3A_205 = tpu.memref_squeeze %dma_start3A_204 : memref<1x640xf32, #tpu.memory_space<vmem_shared>> -> memref<640xf32, #tpu.memory_space<vmem_shared>>
      %dma_start3A_206 = arith.constant 0 : i32
      %dma_start3A_207 = tpu.memref_slice %arg6[%run_scoped3A_71, %dma_start3A_206] : memref<16x640xf32, #tpu.memory_space<vmem>> -> memref<1x640xf32, #tpu.memory_space<vmem>>
      %dma_start3A_208 = tpu.memref_squeeze %dma_start3A_207 : memref<1x640xf32, #tpu.memory_space<vmem>> -> memref<640xf32, #tpu.memory_space<vmem>>
      %dma_start3A_209 = tpu.memref_slice %arg8[%run_scoped3A_70, %mul3A_69] : memref<16x10240xf32, #tpu.memory_space<vmem_shared>> -> memref<1x640xf32, #tpu.memory_space<vmem_shared>>
      %dma_start3A_210 = tpu.memref_squeeze %dma_start3A_209 : memref<1x640xf32, #tpu.memory_space<vmem_shared>> -> memref<640xf32, #tpu.memory_space<vmem_shared>>
      tpu.enqueue_dma source(%dma_start3A_210 : memref<640xf32, #tpu.memory_space<vmem_shared>>) target(%dma_start3A_208 : memref<640xf32, #tpu.memory_space<vmem>>) target_semaphore(%run_scoped3A_201 : memref<!tpu.dma_semaphore, #tpu.memory_space<semaphore_mem>>)
      %dma_wait3A = arith.constant 0 : i32
      %dma_wait3A_211 = tpu.memref_slice %arg6[%run_scoped3A_71, %dma_wait3A] : memref<16x640xf32, #tpu.memory_space<vmem>> -> memref<1x640xf32, #tpu.memory_space<vmem>>
      %dma_wait3A_212 = tpu.memref_squeeze %dma_wait3A_211 : memref<1x640xf32, #tpu.memory_space<vmem>> -> memref<640xf32, #tpu.memory_space<vmem>>
      %dma_wait3A_213 = tpu.memref_slice %arg8[%run_scoped3A_70, %mul3A_69] : memref<16x10240xf32, #tpu.memory_space<vmem_shared>> -> memref<1x640xf32, #tpu.memory_space<vmem_shared>>
      %dma_wait3A_214 = tpu.memref_squeeze %dma_wait3A_213 : memref<1x640xf32, #tpu.memory_space<vmem_shared>> -> memref<640xf32, #tpu.memory_space<vmem_shared>>
      %dma_wait3A_215 = arith.constant 0 : i32
      %dma_wait3A_216 = tpu.memref_slice %arg6[%run_scoped3A_71, %dma_wait3A_215] : memref<16x640xf32, #tpu.memory_space<vmem>> -> memref<1x640xf32, #tpu.memory_space<vmem>>
      %dma_wait3A_217 = tpu.memref_squeeze %dma_wait3A_216 : memref<1x640xf32, #tpu.memory_space<vmem>> -> memref<640xf32, #tpu.memory_space<vmem>>
      %dma_wait3A_218 = tpu.memref_slice %arg8[%run_scoped3A_70, %mul3A_69] : memref<16x10240xf32, #tpu.memory_space<vmem_shared>> -> memref<1x640xf32, #tpu.memory_space<vmem_shared>>
      %dma_wait3A_219 = tpu.memref_squeeze %dma_wait3A_218 : memref<1x640xf32, #tpu.memory_space<vmem_shared>> -> memref<640xf32, #tpu.memory_space<vmem_shared>>
      tpu.wait_dma2 semaphore(%run_scoped3A_201 : memref<!tpu.dma_semaphore, #tpu.memory_space<semaphore_mem>>) src(%dma_wait3A_219 : memref<640xf32, #tpu.memory_space<vmem_shared>>) dst(%dma_wait3A_217 : memref<640xf32, #tpu.memory_space<vmem>>)
      tpu.yield
    }) : () -> ()
    %mul3A_72 = arith.constant 640 : i32
    %mul3A_73 = arith.muli %arg1, %mul3A_72 : i32
    %run_scoped3A_74 = arith.constant 14 : i32
    %run_scoped3A_75 = arith.constant 14 : i32
    "tpu.region"() ({
      %run_scoped3A_201 = tpu.sem_alloc : memref<!tpu.dma_semaphore, #tpu.memory_space<semaphore_mem>>
      %dma_start3A = arith.constant 0 : i32
      %dma_start3A_202 = tpu.memref_slice %arg6[%run_scoped3A_75, %dma_start3A] : memref<16x640xf32, #tpu.memory_space<vmem>> -> memref<1x640xf32, #tpu.memory_space<vmem>>
      %dma_start3A_203 = tpu.memref_squeeze %dma_start3A_202 : memref<1x640xf32, #tpu.memory_space<vmem>> -> memref<640xf32, #tpu.memory_space<vmem>>
      %dma_start3A_204 = tpu.memref_slice %arg8[%run_scoped3A_74, %mul3A_73] : memref<16x10240xf32, #tpu.memory_space<vmem_shared>> -> memref<1x640xf32, #tpu.memory_space<vmem_shared>>
      %dma_start3A_205 = tpu.memref_squeeze %dma_start3A_204 : memref<1x640xf32, #tpu.memory_space<vmem_shared>> -> memref<640xf32, #tpu.memory_space<vmem_shared>>
      %dma_start3A_206 = arith.constant 0 : i32
      %dma_start3A_207 = tpu.memref_slice %arg6[%run_scoped3A_75, %dma_start3A_206] : memref<16x640xf32, #tpu.memory_space<vmem>> -> memref<1x640xf32, #tpu.memory_space<vmem>>
      %dma_start3A_208 = tpu.memref_squeeze %dma_start3A_207 : memref<1x640xf32, #tpu.memory_space<vmem>> -> memref<640xf32, #tpu.memory_space<vmem>>
      %dma_start3A_209 = tpu.memref_slice %arg8[%run_scoped3A_74, %mul3A_73] : memref<16x10240xf32, #tpu.memory_space<vmem_shared>> -> memref<1x640xf32, #tpu.memory_space<vmem_shared>>
      %dma_start3A_210 = tpu.memref_squeeze %dma_start3A_209 : memref<1x640xf32, #tpu.memory_space<vmem_shared>> -> memref<640xf32, #tpu.memory_space<vmem_shared>>
      tpu.enqueue_dma source(%dma_start3A_210 : memref<640xf32, #tpu.memory_space<vmem_shared>>) target(%dma_start3A_208 : memref<640xf32, #tpu.memory_space<vmem>>) target_semaphore(%run_scoped3A_201 : memref<!tpu.dma_semaphore, #tpu.memory_space<semaphore_mem>>)
      %dma_wait3A = arith.constant 0 : i32
      %dma_wait3A_211 = tpu.memref_slice %arg6[%run_scoped3A_75, %dma_wait3A] : memref<16x640xf32, #tpu.memory_space<vmem>> -> memref<1x640xf32, #tpu.memory_space<vmem>>
      %dma_wait3A_212 = tpu.memref_squeeze %dma_wait3A_211 : memref<1x640xf32, #tpu.memory_space<vmem>> -> memref<640xf32, #tpu.memory_space<vmem>>
      %dma_wait3A_213 = tpu.memref_slice %arg8[%run_scoped3A_74, %mul3A_73] : memref<16x10240xf32, #tpu.memory_space<vmem_shared>> -> memref<1x640xf32, #tpu.memory_space<vmem_shared>>
      %dma_wait3A_214 = tpu.memref_squeeze %dma_wait3A_213 : memref<1x640xf32, #tpu.memory_space<vmem_shared>> -> memref<640xf32, #tpu.memory_space<vmem_shared>>
      %dma_wait3A_215 = arith.constant 0 : i32
      %dma_wait3A_216 = tpu.memref_slice %arg6[%run_scoped3A_75, %dma_wait3A_215] : memref<16x640xf32, #tpu.memory_space<vmem>> -> memref<1x640xf32, #tpu.memory_space<vmem>>
      %dma_wait3A_217 = tpu.memref_squeeze %dma_wait3A_216 : memref<1x640xf32, #tpu.memory_space<vmem>> -> memref<640xf32, #tpu.memory_space<vmem>>
      %dma_wait3A_218 = tpu.memref_slice %arg8[%run_scoped3A_74, %mul3A_73] : memref<16x10240xf32, #tpu.memory_space<vmem_shared>> -> memref<1x640xf32, #tpu.memory_space<vmem_shared>>
      %dma_wait3A_219 = tpu.memref_squeeze %dma_wait3A_218 : memref<1x640xf32, #tpu.memory_space<vmem_shared>> -> memref<640xf32, #tpu.memory_space<vmem_shared>>
      tpu.wait_dma2 semaphore(%run_scoped3A_201 : memref<!tpu.dma_semaphore, #tpu.memory_space<semaphore_mem>>) src(%dma_wait3A_219 : memref<640xf32, #tpu.memory_space<vmem_shared>>) dst(%dma_wait3A_217 : memref<640xf32, #tpu.memory_space<vmem>>)
      tpu.yield
    }) : () -> ()
    %mul3A_76 = arith.constant 640 : i32
    %mul3A_77 = arith.muli %arg1, %mul3A_76 : i32
    %run_scoped3A_78 = arith.constant 15 : i32
    %run_scoped3A_79 = arith.constant 15 : i32
    "tpu.region"() ({
      %run_scoped3A_201 = tpu.sem_alloc : memref<!tpu.dma_semaphore, #tpu.memory_space<semaphore_mem>>
      %dma_start3A = arith.constant 0 : i32
      %dma_start3A_202 = tpu.memref_slice %arg6[%run_scoped3A_79, %dma_start3A] : memref<16x640xf32, #tpu.memory_space<vmem>> -> memref<1x640xf32, #tpu.memory_space<vmem>>
      %dma_start3A_203 = tpu.memref_squeeze %dma_start3A_202 : memref<1x640xf32, #tpu.memory_space<vmem>> -> memref<640xf32, #tpu.memory_space<vmem>>
      %dma_start3A_204 = tpu.memref_slice %arg8[%run_scoped3A_78, %mul3A_77] : memref<16x10240xf32, #tpu.memory_space<vmem_shared>> -> memref<1x640xf32, #tpu.memory_space<vmem_shared>>
      %dma_start3A_205 = tpu.memref_squeeze %dma_start3A_204 : memref<1x640xf32, #tpu.memory_space<vmem_shared>> -> memref<640xf32, #tpu.memory_space<vmem_shared>>
      %dma_start3A_206 = arith.constant 0 : i32
      %dma_start3A_207 = tpu.memref_slice %arg6[%run_scoped3A_79, %dma_start3A_206] : memref<16x640xf32, #tpu.memory_space<vmem>> -> memref<1x640xf32, #tpu.memory_space<vmem>>
      %dma_start3A_208 = tpu.memref_squeeze %dma_start3A_207 : memref<1x640xf32, #tpu.memory_space<vmem>> -> memref<640xf32, #tpu.memory_space<vmem>>
      %dma_start3A_209 = tpu.memref_slice %arg8[%run_scoped3A_78, %mul3A_77] : memref<16x10240xf32, #tpu.memory_space<vmem_shared>> -> memref<1x640xf32, #tpu.memory_space<vmem_shared>>
      %dma_start3A_210 = tpu.memref_squeeze %dma_start3A_209 : memref<1x640xf32, #tpu.memory_space<vmem_shared>> -> memref<640xf32, #tpu.memory_space<vmem_shared>>
      tpu.enqueue_dma source(%dma_start3A_210 : memref<640xf32, #tpu.memory_space<vmem_shared>>) target(%dma_start3A_208 : memref<640xf32, #tpu.memory_space<vmem>>) target_semaphore(%run_scoped3A_201 : memref<!tpu.dma_semaphore, #tpu.memory_space<semaphore_mem>>)
      %dma_wait3A = arith.constant 0 : i32
      %dma_wait3A_211 = tpu.memref_slice %arg6[%run_scoped3A_79, %dma_wait3A] : memref<16x640xf32, #tpu.memory_space<vmem>> -> memref<1x640xf32, #tpu.memory_space<vmem>>
      %dma_wait3A_212 = tpu.memref_squeeze %dma_wait3A_211 : memref<1x640xf32, #tpu.memory_space<vmem>> -> memref<640xf32, #tpu.memory_space<vmem>>
      %dma_wait3A_213 = tpu.memref_slice %arg8[%run_scoped3A_78, %mul3A_77] : memref<16x10240xf32, #tpu.memory_space<vmem_shared>> -> memref<1x640xf32, #tpu.memory_space<vmem_shared>>
      %dma_wait3A_214 = tpu.memref_squeeze %dma_wait3A_213 : memref<1x640xf32, #tpu.memory_space<vmem_shared>> -> memref<640xf32, #tpu.memory_space<vmem_shared>>
      %dma_wait3A_215 = arith.constant 0 : i32
      %dma_wait3A_216 = tpu.memref_slice %arg6[%run_scoped3A_79, %dma_wait3A_215] : memref<16x640xf32, #tpu.memory_space<vmem>> -> memref<1x640xf32, #tpu.memory_space<vmem>>
      %dma_wait3A_217 = tpu.memref_squeeze %dma_wait3A_216 : memref<1x640xf32, #tpu.memory_space<vmem>> -> memref<640xf32, #tpu.memory_space<vmem>>
      %dma_wait3A_218 = tpu.memref_slice %arg8[%run_scoped3A_78, %mul3A_77] : memref<16x10240xf32, #tpu.memory_space<vmem_shared>> -> memref<1x640xf32, #tpu.memory_space<vmem_shared>>
      %dma_wait3A_219 = tpu.memref_squeeze %dma_wait3A_218 : memref<1x640xf32, #tpu.memory_space<vmem_shared>> -> memref<640xf32, #tpu.memory_space<vmem_shared>>
      tpu.wait_dma2 semaphore(%run_scoped3A_201 : memref<!tpu.dma_semaphore, #tpu.memory_space<semaphore_mem>>) src(%dma_wait3A_219 : memref<640xf32, #tpu.memory_space<vmem_shared>>) dst(%dma_wait3A_217 : memref<640xf32, #tpu.memory_space<vmem>>)
      tpu.yield
    }) : () -> ()
    %scan3A_80 = arith.constant 0 : i32
    %scan3A_81 = arith.constant 0 : i32
    %scan3A_82 = arith.constant 40 : i32
    %scan3A_83 = arith.addi %scan3A_81, %scan3A_82 : i32
    %scan3A_84 = arith.constant 1 : i32
    %scan3A_85 = scf.for %scan3A_201 = %scan3A_81 to %scan3A_83 step %scan3A_84 iter_args(%scan3A_202 = %scan3A_80) -> (i32)  : i32 {
      %mul3A_203 = arith.constant 16 : i32
      %mul3A_204 = arith.muli %scan3A_201, %mul3A_203 : i32
      %swap3A = arith.index_cast %mul3A_204 : i32 to index
      %swap3A_205 = tpu.vector_load %arg7[%swap3A] {strides = array<i32>} : memref<640xf32, #tpu.memory_space<vmem>>, vector<16xf32>,
      tpu.vector_store %arg7[%swap3A], %broadcast_in_dim3A_1 {strides = array<i32>} : memref<640xf32, #tpu.memory_space<vmem>>, vector<16xf32>,
      %scan3A_206 = arith.constant 0 : i32
      scf.yield %scan3A_206 : i32
    }
    %scan3A_86 = arith.constant 40 : i32
    %scan3A_87 = arith.constant 0 : i32
    %scan3A_88 = arith.constant 0 : i32
    %scan3A_89 = arith.constant 40 : i32
    %scan3A_90 = arith.addi %scan3A_88, %scan3A_89 : i32
    %scan3A_91 = arith.constant 1 : i32
    %scan3A_92 = scf.for %scan3A_201 = %scan3A_88 to %scan3A_90 step %scan3A_91 iter_args(%scan3A_202 = %scan3A_87) -> (i32)  : i32 {
      %mul3A_203 = arith.constant 16 : i32
      %mul3A_204 = arith.muli %scan3A_201, %mul3A_203 : i32
      %get3A = arith.index_cast %mul3A_204 : i32 to index
      %get3A_205 = tpu.vector_load %arg7[%get3A] {strides = array<i32>} : memref<640xf32, #tpu.memory_space<vmem>>, vector<16xf32>,
      %get3A_206 = arith.constant 0 : i32
      %get3A_207 = arith.index_cast %get3A_206 : i32 to index
      %get3A_208 = arith.index_cast %mul3A_204 : i32 to index
      %get3A_209 = tpu.vector_load %arg6[%get3A_207, %get3A_208] {strides = array<i32>} : memref<16x640xf32, #tpu.memory_space<vmem>>, vector<16xf32>,
      %add3A_210 = arith.addf %get3A_205, %get3A_209 : vector<16xf32>
      %swap3A = arith.index_cast %mul3A_204 : i32 to index
      %swap3A_211 = tpu.vector_load %arg7[%swap3A] {strides = array<i32>} : memref<640xf32, #tpu.memory_space<vmem>>, vector<16xf32>,
      tpu.vector_store %arg7[%swap3A], %add3A_210 {strides = array<i32>} : memref<640xf32, #tpu.memory_space<vmem>>, vector<16xf32>,
      %scan3A_212 = arith.constant 0 : i32
      scf.yield %scan3A_212 : i32
    }
    %scan3A_93 = arith.constant 40 : i32
    %scan3A_94 = arith.constant 0 : i32
    %scan3A_95 = arith.constant 0 : i32
    %scan3A_96 = arith.constant 40 : i32
    %scan3A_97 = arith.addi %scan3A_95, %scan3A_96 : i32
    %scan3A_98 = arith.constant 1 : i32
    %scan3A_99 = scf.for %scan3A_201 = %scan3A_95 to %scan3A_97 step %scan3A_98 iter_args(%scan3A_202 = %scan3A_94) -> (i32)  : i32 {
      %mul3A_203 = arith.constant 16 : i32
      %mul3A_204 = arith.muli %scan3A_201, %mul3A_203 : i32
      %get3A = arith.index_cast %mul3A_204 : i32 to index
      %get3A_205 = tpu.vector_load %arg7[%get3A] {strides = array<i32>} : memref<640xf32, #tpu.memory_space<vmem>>, vector<16xf32>,
      %get3A_206 = arith.constant 1 : i32
      %get3A_207 = arith.index_cast %get3A_206 : i32 to index
      %get3A_208 = arith.index_cast %mul3A_204 : i32 to index
      %get3A_209 = tpu.vector_load %arg6[%get3A_207, %get3A_208] {strides = array<i32>} : memref<16x640xf32, #tpu.memory_space<vmem>>, vector<16xf32>,
      %add3A_210 = arith.addf %get3A_205, %get3A_209 : vector<16xf32>
      %swap3A = arith.index_cast %mul3A_204 : i32 to index
      %swap3A_211 = tpu.vector_load %arg7[%swap3A] {strides = array<i32>} : memref<640xf32, #tpu.memory_space<vmem>>, vector<16xf32>,
      tpu.vector_store %arg7[%swap3A], %add3A_210 {strides = array<i32>} : memref<640xf32, #tpu.memory_space<vmem>>, vector<16xf32>,
      %scan3A_212 = arith.constant 0 : i32
      scf.yield %scan3A_212 : i32
    }
    %scan3A_100 = arith.constant 40 : i32
    %scan3A_101 = arith.constant 0 : i32
    %scan3A_102 = arith.constant 0 : i32
    %scan3A_103 = arith.constant 40 : i32
    %scan3A_104 = arith.addi %scan3A_102, %scan3A_103 : i32
    %scan3A_105 = arith.constant 1 : i32
    %scan3A_106 = scf.for %scan3A_201 = %scan3A_102 to %scan3A_104 step %scan3A_105 iter_args(%scan3A_202 = %scan3A_101) -> (i32)  : i32 {
      %mul3A_203 = arith.constant 16 : i32
      %mul3A_204 = arith.muli %scan3A_201, %mul3A_203 : i32
      %get3A = arith.index_cast %mul3A_204 : i32 to index
      %get3A_205 = tpu.vector_load %arg7[%get3A] {strides = array<i32>} : memref<640xf32, #tpu.memory_space<vmem>>, vector<16xf32>,
      %get3A_206 = arith.constant 2 : i32
      %get3A_207 = arith.index_cast %get3A_206 : i32 to index
      %get3A_208 = arith.index_cast %mul3A_204 : i32 to index
      %get3A_209 = tpu.vector_load %arg6[%get3A_207, %get3A_208] {strides = array<i32>} : memref<16x640xf32, #tpu.memory_space<vmem>>, vector<16xf32>,
      %add3A_210 = arith.addf %get3A_205, %get3A_209 : vector<16xf32>
      %swap3A = arith.index_cast %mul3A_204 : i32 to index
      %swap3A_211 = tpu.vector_load %arg7[%swap3A] {strides = array<i32>} : memref<640xf32, #tpu.memory_space<vmem>>, vector<16xf32>,
      tpu.vector_store %arg7[%swap3A], %add3A_210 {strides = array<i32>} : memref<640xf32, #tpu.memory_space<vmem>>, vector<16xf32>,
      %scan3A_212 = arith.constant 0 : i32
      scf.yield %scan3A_212 : i32
    }
    %scan3A_107 = arith.constant 40 : i32
    %scan3A_108 = arith.constant 0 : i32
    %scan3A_109 = arith.constant 0 : i32
    %scan3A_110 = arith.constant 40 : i32
    %scan3A_111 = arith.addi %scan3A_109, %scan3A_110 : i32
    %scan3A_112 = arith.constant 1 : i32
    %scan3A_113 = scf.for %scan3A_201 = %scan3A_109 to %scan3A_111 step %scan3A_112 iter_args(%scan3A_202 = %scan3A_108) -> (i32)  : i32 {
      %mul3A_203 = arith.constant 16 : i32
      %mul3A_204 = arith.muli %scan3A_201, %mul3A_203 : i32
      %get3A = arith.index_cast %mul3A_204 : i32 to index
      %get3A_205 = tpu.vector_load %arg7[%get3A] {strides = array<i32>} : memref<640xf32, #tpu.memory_space<vmem>>, vector<16xf32>,
      %get3A_206 = arith.constant 3 : i32
      %get3A_207 = arith.index_cast %get3A_206 : i32 to index
      %get3A_208 = arith.index_cast %mul3A_204 : i32 to index
      %get3A_209 = tpu.vector_load %arg6[%get3A_207, %get3A_208] {strides = array<i32>} : memref<16x640xf32, #tpu.memory_space<vmem>>, vector<16xf32>,
      %add3A_210 = arith.addf %get3A_205, %get3A_209 : vector<16xf32>
      %swap3A = arith.index_cast %mul3A_204 : i32 to index
      %swap3A_211 = tpu.vector_load %arg7[%swap3A] {strides = array<i32>} : memref<640xf32, #tpu.memory_space<vmem>>, vector<16xf32>,
      tpu.vector_store %arg7[%swap3A], %add3A_210 {strides = array<i32>} : memref<640xf32, #tpu.memory_space<vmem>>, vector<16xf32>,
      %scan3A_212 = arith.constant 0 : i32
      scf.yield %scan3A_212 : i32
    }
    %scan3A_114 = arith.constant 40 : i32
    %scan3A_115 = arith.constant 0 : i32
    %scan3A_116 = arith.constant 0 : i32
    %scan3A_117 = arith.constant 40 : i32
    %scan3A_118 = arith.addi %scan3A_116, %scan3A_117 : i32
    %scan3A_119 = arith.constant 1 : i32
    %scan3A_120 = scf.for %scan3A_201 = %scan3A_116 to %scan3A_118 step %scan3A_119 iter_args(%scan3A_202 = %scan3A_115) -> (i32)  : i32 {
      %mul3A_203 = arith.constant 16 : i32
      %mul3A_204 = arith.muli %scan3A_201, %mul3A_203 : i32
      %get3A = arith.index_cast %mul3A_204 : i32 to index
      %get3A_205 = tpu.vector_load %arg7[%get3A] {strides = array<i32>} : memref<640xf32, #tpu.memory_space<vmem>>, vector<16xf32>,
      %get3A_206 = arith.constant 4 : i32
      %get3A_207 = arith.index_cast %get3A_206 : i32 to index
      %get3A_208 = arith.index_cast %mul3A_204 : i32 to index
      %get3A_209 = tpu.vector_load %arg6[%get3A_207, %get3A_208] {strides = array<i32>} : memref<16x640xf32, #tpu.memory_space<vmem>>, vector<16xf32>,
      %add3A_210 = arith.addf %get3A_205, %get3A_209 : vector<16xf32>
      %swap3A = arith.index_cast %mul3A_204 : i32 to index
      %swap3A_211 = tpu.vector_load %arg7[%swap3A] {strides = array<i32>} : memref<640xf32, #tpu.memory_space<vmem>>, vector<16xf32>,
      tpu.vector_store %arg7[%swap3A], %add3A_210 {strides = array<i32>} : memref<640xf32, #tpu.memory_space<vmem>>, vector<16xf32>,
      %scan3A_212 = arith.constant 0 : i32
      scf.yield %scan3A_212 : i32
    }
    %scan3A_121 = arith.constant 40 : i32
    %scan3A_122 = arith.constant 0 : i32
    %scan3A_123 = arith.constant 0 : i32
    %scan3A_124 = arith.constant 40 : i32
    %scan3A_125 = arith.addi %scan3A_123, %scan3A_124 : i32
    %scan3A_126 = arith.constant 1 : i32
    %scan3A_127 = scf.for %scan3A_201 = %scan3A_123 to %scan3A_125 step %scan3A_126 iter_args(%scan3A_202 = %scan3A_122) -> (i32)  : i32 {
      %mul3A_203 = arith.constant 16 : i32
      %mul3A_204 = arith.muli %scan3A_201, %mul3A_203 : i32
      %get3A = arith.index_cast %mul3A_204 : i32 to index
      %get3A_205 = tpu.vector_load %arg7[%get3A] {strides = array<i32>} : memref<640xf32, #tpu.memory_space<vmem>>, vector<16xf32>,
      %get3A_206 = arith.constant 5 : i32
      %get3A_207 = arith.index_cast %get3A_206 : i32 to index
      %get3A_208 = arith.index_cast %mul3A_204 : i32 to index
      %get3A_209 = tpu.vector_load %arg6[%get3A_207, %get3A_208] {strides = array<i32>} : memref<16x640xf32, #tpu.memory_space<vmem>>, vector<16xf32>,
      %add3A_210 = arith.addf %get3A_205, %get3A_209 : vector<16xf32>
      %swap3A = arith.index_cast %mul3A_204 : i32 to index
      %swap3A_211 = tpu.vector_load %arg7[%swap3A] {strides = array<i32>} : memref<640xf32, #tpu.memory_space<vmem>>, vector<16xf32>,
      tpu.vector_store %arg7[%swap3A], %add3A_210 {strides = array<i32>} : memref<640xf32, #tpu.memory_space<vmem>>, vector<16xf32>,
      %scan3A_212 = arith.constant 0 : i32
      scf.yield %scan3A_212 : i32
    }
    %scan3A_128 = arith.constant 40 : i32
    %scan3A_129 = arith.constant 0 : i32
    %scan3A_130 = arith.constant 0 : i32
    %scan3A_131 = arith.constant 40 : i32
    %scan3A_132 = arith.addi %scan3A_130, %scan3A_131 : i32
    %scan3A_133 = arith.constant 1 : i32
    %scan3A_134 = scf.for %scan3A_201 = %scan3A_130 to %scan3A_132 step %scan3A_133 iter_args(%scan3A_202 = %scan3A_129) -> (i32)  : i32 {
      %mul3A_203 = arith.constant 16 : i32
      %mul3A_204 = arith.muli %scan3A_201, %mul3A_203 : i32
      %get3A = arith.index_cast %mul3A_204 : i32 to index
      %get3A_205 = tpu.vector_load %arg7[%get3A] {strides = array<i32>} : memref<640xf32, #tpu.memory_space<vmem>>, vector<16xf32>,
      %get3A_206 = arith.constant 6 : i32
      %get3A_207 = arith.index_cast %get3A_206 : i32 to index
      %get3A_208 = arith.index_cast %mul3A_204 : i32 to index
      %get3A_209 = tpu.vector_load %arg6[%get3A_207, %get3A_208] {strides = array<i32>} : memref<16x640xf32, #tpu.memory_space<vmem>>, vector<16xf32>,
      %add3A_210 = arith.addf %get3A_205, %get3A_209 : vector<16xf32>
      %swap3A = arith.index_cast %mul3A_204 : i32 to index
      %swap3A_211 = tpu.vector_load %arg7[%swap3A] {strides = array<i32>} : memref<640xf32, #tpu.memory_space<vmem>>, vector<16xf32>,
      tpu.vector_store %arg7[%swap3A], %add3A_210 {strides = array<i32>} : memref<640xf32, #tpu.memory_space<vmem>>, vector<16xf32>,
      %scan3A_212 = arith.constant 0 : i32
      scf.yield %scan3A_212 : i32
    }
    %scan3A_135 = arith.constant 40 : i32
    %scan3A_136 = arith.constant 0 : i32
    %scan3A_137 = arith.constant 0 : i32
    %scan3A_138 = arith.constant 40 : i32
    %scan3A_139 = arith.addi %scan3A_137, %scan3A_138 : i32
    %scan3A_140 = arith.constant 1 : i32
    %scan3A_141 = scf.for %scan3A_201 = %scan3A_137 to %scan3A_139 step %scan3A_140 iter_args(%scan3A_202 = %scan3A_136) -> (i32)  : i32 {
      %mul3A_203 = arith.constant 16 : i32
      %mul3A_204 = arith.muli %scan3A_201, %mul3A_203 : i32
      %get3A = arith.index_cast %mul3A_204 : i32 to index
      %get3A_205 = tpu.vector_load %arg7[%get3A] {strides = array<i32>} : memref<640xf32, #tpu.memory_space<vmem>>, vector<16xf32>,
      %get3A_206 = arith.constant 7 : i32
      %get3A_207 = arith.index_cast %get3A_206 : i32 to index
      %get3A_208 = arith.index_cast %mul3A_204 : i32 to index
      %get3A_209 = tpu.vector_load %arg6[%get3A_207, %get3A_208] {strides = array<i32>} : memref<16x640xf32, #tpu.memory_space<vmem>>, vector<16xf32>,
      %add3A_210 = arith.addf %get3A_205, %get3A_209 : vector<16xf32>
      %swap3A = arith.index_cast %mul3A_204 : i32 to index
      %swap3A_211 = tpu.vector_load %arg7[%swap3A] {strides = array<i32>} : memref<640xf32, #tpu.memory_space<vmem>>, vector<16xf32>,
      tpu.vector_store %arg7[%swap3A], %add3A_210 {strides = array<i32>} : memref<640xf32, #tpu.memory_space<vmem>>, vector<16xf32>,
      %scan3A_212 = arith.constant 0 : i32
      scf.yield %scan3A_212 : i32
    }
    %scan3A_142 = arith.constant 40 : i32
    %scan3A_143 = arith.constant 0 : i32
    %scan3A_144 = arith.constant 0 : i32
    %scan3A_145 = arith.constant 40 : i32
    %scan3A_146 = arith.addi %scan3A_144, %scan3A_145 : i32
    %scan3A_147 = arith.constant 1 : i32
    %scan3A_148 = scf.for %scan3A_201 = %scan3A_144 to %scan3A_146 step %scan3A_147 iter_args(%scan3A_202 = %scan3A_143) -> (i32)  : i32 {
      %mul3A_203 = arith.constant 16 : i32
      %mul3A_204 = arith.muli %scan3A_201, %mul3A_203 : i32
      %get3A = arith.index_cast %mul3A_204 : i32 to index
      %get3A_205 = tpu.vector_load %arg7[%get3A] {strides = array<i32>} : memref<640xf32, #tpu.memory_space<vmem>>, vector<16xf32>,
      %get3A_206 = arith.constant 8 : i32
      %get3A_207 = arith.index_cast %get3A_206 : i32 to index
      %get3A_208 = arith.index_cast %mul3A_204 : i32 to index
      %get3A_209 = tpu.vector_load %arg6[%get3A_207, %get3A_208] {strides = array<i32>} : memref<16x640xf32, #tpu.memory_space<vmem>>, vector<16xf32>,
      %add3A_210 = arith.addf %get3A_205, %get3A_209 : vector<16xf32>
      %swap3A = arith.index_cast %mul3A_204 : i32 to index
      %swap3A_211 = tpu.vector_load %arg7[%swap3A] {strides = array<i32>} : memref<640xf32, #tpu.memory_space<vmem>>, vector<16xf32>,
      tpu.vector_store %arg7[%swap3A], %add3A_210 {strides = array<i32>} : memref<640xf32, #tpu.memory_space<vmem>>, vector<16xf32>,
      %scan3A_212 = arith.constant 0 : i32
      scf.yield %scan3A_212 : i32
    }
    %scan3A_149 = arith.constant 40 : i32
    %scan3A_150 = arith.constant 0 : i32
    %scan3A_151 = arith.constant 0 : i32
    %scan3A_152 = arith.constant 40 : i32
    %scan3A_153 = arith.addi %scan3A_151, %scan3A_152 : i32
    %scan3A_154 = arith.constant 1 : i32
    %scan3A_155 = scf.for %scan3A_201 = %scan3A_151 to %scan3A_153 step %scan3A_154 iter_args(%scan3A_202 = %scan3A_150) -> (i32)  : i32 {
      %mul3A_203 = arith.constant 16 : i32
      %mul3A_204 = arith.muli %scan3A_201, %mul3A_203 : i32
      %get3A = arith.index_cast %mul3A_204 : i32 to index
      %get3A_205 = tpu.vector_load %arg7[%get3A] {strides = array<i32>} : memref<640xf32, #tpu.memory_space<vmem>>, vector<16xf32>,
      %get3A_206 = arith.constant 9 : i32
      %get3A_207 = arith.index_cast %get3A_206 : i32 to index
      %get3A_208 = arith.index_cast %mul3A_204 : i32 to index
      %get3A_209 = tpu.vector_load %arg6[%get3A_207, %get3A_208] {strides = array<i32>} : memref<16x640xf32, #tpu.memory_space<vmem>>, vector<16xf32>,
      %add3A_210 = arith.addf %get3A_205, %get3A_209 : vector<16xf32>
      %swap3A = arith.index_cast %mul3A_204 : i32 to index
      %swap3A_211 = tpu.vector_load %arg7[%swap3A] {strides = array<i32>} : memref<640xf32, #tpu.memory_space<vmem>>, vector<16xf32>,
      tpu.vector_store %arg7[%swap3A], %add3A_210 {strides = array<i32>} : memref<640xf32, #tpu.memory_space<vmem>>, vector<16xf32>,
      %scan3A_212 = arith.constant 0 : i32
      scf.yield %scan3A_212 : i32
    }
    %scan3A_156 = arith.constant 40 : i32
    %scan3A_157 = arith.constant 0 : i32
    %scan3A_158 = arith.constant 0 : i32
    %scan3A_159 = arith.constant 40 : i32
    %scan3A_160 = arith.addi %scan3A_158, %scan3A_159 : i32
    %scan3A_161 = arith.constant 1 : i32
    %scan3A_162 = scf.for %scan3A_201 = %scan3A_158 to %scan3A_160 step %scan3A_161 iter_args(%scan3A_202 = %scan3A_157) -> (i32)  : i32 {
      %mul3A_203 = arith.constant 16 : i32
      %mul3A_204 = arith.muli %scan3A_201, %mul3A_203 : i32
      %get3A = arith.index_cast %mul3A_204 : i32 to index
      %get3A_205 = tpu.vector_load %arg7[%get3A] {strides = array<i32>} : memref<640xf32, #tpu.memory_space<vmem>>, vector<16xf32>,
      %get3A_206 = arith.constant 10 : i32
      %get3A_207 = arith.index_cast %get3A_206 : i32 to index
      %get3A_208 = arith.index_cast %mul3A_204 : i32 to index
      %get3A_209 = tpu.vector_load %arg6[%get3A_207, %get3A_208] {strides = array<i32>} : memref<16x640xf32, #tpu.memory_space<vmem>>, vector<16xf32>,
      %add3A_210 = arith.addf %get3A_205, %get3A_209 : vector<16xf32>
      %swap3A = arith.index_cast %mul3A_204 : i32 to index
      %swap3A_211 = tpu.vector_load %arg7[%swap3A] {strides = array<i32>} : memref<640xf32, #tpu.memory_space<vmem>>, vector<16xf32>,
      tpu.vector_store %arg7[%swap3A], %add3A_210 {strides = array<i32>} : memref<640xf32, #tpu.memory_space<vmem>>, vector<16xf32>,
      %scan3A_212 = arith.constant 0 : i32
      scf.yield %scan3A_212 : i32
    }
    %scan3A_163 = arith.constant 40 : i32
    %scan3A_164 = arith.constant 0 : i32
    %scan3A_165 = arith.constant 0 : i32
    %scan3A_166 = arith.constant 40 : i32
    %scan3A_167 = arith.addi %scan3A_165, %scan3A_166 : i32
    %scan3A_168 = arith.constant 1 : i32
    %scan3A_169 = scf.for %scan3A_201 = %scan3A_165 to %scan3A_167 step %scan3A_168 iter_args(%scan3A_202 = %scan3A_164) -> (i32)  : i32 {
      %mul3A_203 = arith.constant 16 : i32
      %mul3A_204 = arith.muli %scan3A_201, %mul3A_203 : i32
      %get3A = arith.index_cast %mul3A_204 : i32 to index
      %get3A_205 = tpu.vector_load %arg7[%get3A] {strides = array<i32>} : memref<640xf32, #tpu.memory_space<vmem>>, vector<16xf32>,
      %get3A_206 = arith.constant 11 : i32
      %get3A_207 = arith.index_cast %get3A_206 : i32 to index
      %get3A_208 = arith.index_cast %mul3A_204 : i32 to index
      %get3A_209 = tpu.vector_load %arg6[%get3A_207, %get3A_208] {strides = array<i32>} : memref<16x640xf32, #tpu.memory_space<vmem>>, vector<16xf32>,
      %add3A_210 = arith.addf %get3A_205, %get3A_209 : vector<16xf32>
      %swap3A = arith.index_cast %mul3A_204 : i32 to index
      %swap3A_211 = tpu.vector_load %arg7[%swap3A] {strides = array<i32>} : memref<640xf32, #tpu.memory_space<vmem>>, vector<16xf32>,
      tpu.vector_store %arg7[%swap3A], %add3A_210 {strides = array<i32>} : memref<640xf32, #tpu.memory_space<vmem>>, vector<16xf32>,
      %scan3A_212 = arith.constant 0 : i32
      scf.yield %scan3A_212 : i32
    }
    %scan3A_170 = arith.constant 40 : i32
    %scan3A_171 = arith.constant 0 : i32
    %scan3A_172 = arith.constant 0 : i32
    %scan3A_173 = arith.constant 40 : i32
    %scan3A_174 = arith.addi %scan3A_172, %scan3A_173 : i32
    %scan3A_175 = arith.constant 1 : i32
    %scan3A_176 = scf.for %scan3A_201 = %scan3A_172 to %scan3A_174 step %scan3A_175 iter_args(%scan3A_202 = %scan3A_171) -> (i32)  : i32 {
      %mul3A_203 = arith.constant 16 : i32
      %mul3A_204 = arith.muli %scan3A_201, %mul3A_203 : i32
      %get3A = arith.index_cast %mul3A_204 : i32 to index
      %get3A_205 = tpu.vector_load %arg7[%get3A] {strides = array<i32>} : memref<640xf32, #tpu.memory_space<vmem>>, vector<16xf32>,
      %get3A_206 = arith.constant 12 : i32
      %get3A_207 = arith.index_cast %get3A_206 : i32 to index
      %get3A_208 = arith.index_cast %mul3A_204 : i32 to index
      %get3A_209 = tpu.vector_load %arg6[%get3A_207, %get3A_208] {strides = array<i32>} : memref<16x640xf32, #tpu.memory_space<vmem>>, vector<16xf32>,
      %add3A_210 = arith.addf %get3A_205, %get3A_209 : vector<16xf32>
      %swap3A = arith.index_cast %mul3A_204 : i32 to index
      %swap3A_211 = tpu.vector_load %arg7[%swap3A] {strides = array<i32>} : memref<640xf32, #tpu.memory_space<vmem>>, vector<16xf32>,
      tpu.vector_store %arg7[%swap3A], %add3A_210 {strides = array<i32>} : memref<640xf32, #tpu.memory_space<vmem>>, vector<16xf32>,
      %scan3A_212 = arith.constant 0 : i32
      scf.yield %scan3A_212 : i32
    }
    %scan3A_177 = arith.constant 40 : i32
    %scan3A_178 = arith.constant 0 : i32
    %scan3A_179 = arith.constant 0 : i32
    %scan3A_180 = arith.constant 40 : i32
    %scan3A_181 = arith.addi %scan3A_179, %scan3A_180 : i32
    %scan3A_182 = arith.constant 1 : i32
    %scan3A_183 = scf.for %scan3A_201 = %scan3A_179 to %scan3A_181 step %scan3A_182 iter_args(%scan3A_202 = %scan3A_178) -> (i32)  : i32 {
      %mul3A_203 = arith.constant 16 : i32
      %mul3A_204 = arith.muli %scan3A_201, %mul3A_203 : i32
      %get3A = arith.index_cast %mul3A_204 : i32 to index
      %get3A_205 = tpu.vector_load %arg7[%get3A] {strides = array<i32>} : memref<640xf32, #tpu.memory_space<vmem>>, vector<16xf32>,
      %get3A_206 = arith.constant 13 : i32
      %get3A_207 = arith.index_cast %get3A_206 : i32 to index
      %get3A_208 = arith.index_cast %mul3A_204 : i32 to index
      %get3A_209 = tpu.vector_load %arg6[%get3A_207, %get3A_208] {strides = array<i32>} : memref<16x640xf32, #tpu.memory_space<vmem>>, vector<16xf32>,
      %add3A_210 = arith.addf %get3A_205, %get3A_209 : vector<16xf32>
      %swap3A = arith.index_cast %mul3A_204 : i32 to index
      %swap3A_211 = tpu.vector_load %arg7[%swap3A] {strides = array<i32>} : memref<640xf32, #tpu.memory_space<vmem>>, vector<16xf32>,
      tpu.vector_store %arg7[%swap3A], %add3A_210 {strides = array<i32>} : memref<640xf32, #tpu.memory_space<vmem>>, vector<16xf32>,
      %scan3A_212 = arith.constant 0 : i32
      scf.yield %scan3A_212 : i32
    }
    %scan3A_184 = arith.constant 40 : i32
    %scan3A_185 = arith.constant 0 : i32
    %scan3A_186 = arith.constant 0 : i32
    %scan3A_187 = arith.constant 40 : i32
    %scan3A_188 = arith.addi %scan3A_186, %scan3A_187 : i32
    %scan3A_189 = arith.constant 1 : i32
    %scan3A_190 = scf.for %scan3A_201 = %scan3A_186 to %scan3A_188 step %scan3A_189 iter_args(%scan3A_202 = %scan3A_185) -> (i32)  : i32 {
      %mul3A_203 = arith.constant 16 : i32
      %mul3A_204 = arith.muli %scan3A_201, %mul3A_203 : i32
      %get3A = arith.index_cast %mul3A_204 : i32 to index
      %get3A_205 = tpu.vector_load %arg7[%get3A] {strides = array<i32>} : memref<640xf32, #tpu.memory_space<vmem>>, vector<16xf32>,
      %get3A_206 = arith.constant 14 : i32
      %get3A_207 = arith.index_cast %get3A_206 : i32 to index
      %get3A_208 = arith.index_cast %mul3A_204 : i32 to index
      %get3A_209 = tpu.vector_load %arg6[%get3A_207, %get3A_208] {strides = array<i32>} : memref<16x640xf32, #tpu.memory_space<vmem>>, vector<16xf32>,
      %add3A_210 = arith.addf %get3A_205, %get3A_209 : vector<16xf32>
      %swap3A = arith.index_cast %mul3A_204 : i32 to index
      %swap3A_211 = tpu.vector_load %arg7[%swap3A] {strides = array<i32>} : memref<640xf32, #tpu.memory_space<vmem>>, vector<16xf32>,
      tpu.vector_store %arg7[%swap3A], %add3A_210 {strides = array<i32>} : memref<640xf32, #tpu.memory_space<vmem>>, vector<16xf32>,
      %scan3A_212 = arith.constant 0 : i32
      scf.yield %scan3A_212 : i32
    }
    %scan3A_191 = arith.constant 40 : i32
    %scan3A_192 = arith.constant 0 : i32
    %scan3A_193 = arith.constant 0 : i32
    %scan3A_194 = arith.constant 40 : i32
    %scan3A_195 = arith.addi %scan3A_193, %scan3A_194 : i32
    %scan3A_196 = arith.constant 1 : i32
    %scan3A_197 = scf.for %scan3A_201 = %scan3A_193 to %scan3A_195 step %scan3A_196 iter_args(%scan3A_202 = %scan3A_192) -> (i32)  : i32 {
      %mul3A_203 = arith.constant 16 : i32
      %mul3A_204 = arith.muli %scan3A_201, %mul3A_203 : i32
      %get3A = arith.index_cast %mul3A_204 : i32 to index
      %get3A_205 = tpu.vector_load %arg7[%get3A] {strides = array<i32>} : memref<640xf32, #tpu.memory_space<vmem>>, vector<16xf32>,
      %get3A_206 = arith.constant 15 : i32
      %get3A_207 = arith.index_cast %get3A_206 : i32 to index
      %get3A_208 = arith.index_cast %mul3A_204 : i32 to index
      %get3A_209 = tpu.vector_load %arg6[%get3A_207, %get3A_208] {strides = array<i32>} : memref<16x640xf32, #tpu.memory_space<vmem>>, vector<16xf32>,
      %add3A_210 = arith.addf %get3A_205, %get3A_209 : vector<16xf32>
      %swap3A = arith.index_cast %mul3A_204 : i32 to index
      %swap3A_211 = tpu.vector_load %arg7[%swap3A] {strides = array<i32>} : memref<640xf32, #tpu.memory_space<vmem>>, vector<16xf32>,
      tpu.vector_store %arg7[%swap3A], %add3A_210 {strides = array<i32>} : memref<640xf32, #tpu.memory_space<vmem>>, vector<16xf32>,
      %scan3A_212 = arith.constant 0 : i32
      scf.yield %scan3A_212 : i32
    }
    %scan3A_198 = arith.constant 40 : i32
    %mul3A_199 = arith.constant 640 : i32
    %mul3A_200 = arith.muli %arg1, %mul3A_199 : i32
    "tpu.region"() ({
      %run_scoped3A_201 = tpu.sem_alloc : memref<!tpu.dma_semaphore, #tpu.memory_space<semaphore_mem>>
      %dma_start3A = tpu.memref_slice %arg3[%arg0, %mul3A_200] : memref<2x10240xf32, #tpu.memory_space<hbm>> -> memref<1x640xf32, #tpu.memory_space<hbm>>
      %dma_start3A_202 = tpu.memref_squeeze %dma_start3A : memref<1x640xf32, #tpu.memory_space<hbm>> -> memref<640xf32, #tpu.memory_space<hbm>>
      %dma_start3A_203 = tpu.memref_slice %arg3[%arg0, %mul3A_200] : memref<2x10240xf32, #tpu.memory_space<hbm>> -> memref<1x640xf32, #tpu.memory_space<hbm>>
      %dma_start3A_204 = tpu.memref_squeeze %dma_start3A_203 : memref<1x640xf32, #tpu.memory_space<hbm>> -> memref<640xf32, #tpu.memory_space<hbm>>
      tpu.enqueue_dma source(%arg7 : memref<640xf32, #tpu.memory_space<vmem>>) target(%dma_start3A_204 : memref<640xf32, #tpu.memory_space<hbm>>) target_semaphore(%run_scoped3A_201 : memref<!tpu.dma_semaphore, #tpu.memory_space<semaphore_mem>>)
      %dma_wait3A = tpu.memref_slice %arg3[%arg0, %mul3A_200] : memref<2x10240xf32, #tpu.memory_space<hbm>> -> memref<1x640xf32, #tpu.memory_space<hbm>>
      %dma_wait3A_205 = tpu.memref_squeeze %dma_wait3A : memref<1x640xf32, #tpu.memory_space<hbm>> -> memref<640xf32, #tpu.memory_space<hbm>>
      %dma_wait3A_206 = tpu.memref_slice %arg3[%arg0, %mul3A_200] : memref<2x10240xf32, #tpu.memory_space<hbm>> -> memref<1x640xf32, #tpu.memory_space<hbm>>
      %dma_wait3A_207 = tpu.memref_squeeze %dma_wait3A_206 : memref<1x640xf32, #tpu.memory_space<hbm>> -> memref<640xf32, #tpu.memory_space<hbm>>
      tpu.wait_dma2 semaphore(%run_scoped3A_201 : memref<!tpu.dma_semaphore, #tpu.memory_space<semaphore_mem>>) src(%arg7 : memref<640xf32, #tpu.memory_space<vmem>>) dst(%dma_wait3A_207 : memref<640xf32, #tpu.memory_space<hbm>>)
      tpu.yield
    }) : () -> ()
    return
  }
}

#map = affine_map<(d0, d1) -> (0, 0)>
#map1 = affine_map<(d0, d1) -> (0, 0, 0)>
module attributes {stable_mosaic.version = 14 : i64} {
  func.func @prop_kernel(%arg0: i32, %arg1: i32, %arg2: memref<10000x64xf32, #tpu.memory_space<hbm>>, %arg3: memref<32x95x128xi32, #tpu.memory_space<hbm>>, %arg4: memref<32x95x128xi32, #tpu.memory_space<hbm>>, %arg5: memref<2x10240x64xf32, #tpu.memory_space<hbm>>, %arg6: memref<95x128xi32, #tpu.memory_space<vmem>>, %arg7: memref<95x128xi32, #tpu.memory_space<vmem>>, %arg8: memref<128x64xf32, #tpu.memory_space<vmem>>, %arg9: memref<10240x64xf32, #tpu.memory_space<vmem_shared>>, %arg10: memref<!tpu.dma_semaphore, #tpu.memory_space<semaphore_mem>>, %arg11: memref<!tpu.dma_semaphore, #tpu.memory_space<semaphore_mem>>) attributes {dimension_semantics = [#tpu.dimension_semantics<core_parallel>, #tpu.dimension_semantics<subcore_parallel>], iteration_bounds = array<i64: 2, 16>, scalar_prefetch = 0 : i64, scratch_operands = 6 : i64, tpu.core_type = #tpu.core_type<sc_vector_subcore>, window_params = [{transform_indices = #map}, {transform_indices = #map1}, {transform_indices = #map1}, {transform_indices = #map1}]} {
    %mul3A = arith.constant 16 : i32
    %mul3A_0 = arith.muli %arg0, %mul3A : i32
    %add3A = arith.addi %mul3A_0, %arg1 : i32
    %eq3A = arith.constant 0 : i32
    %eq3A_1 = arith.cmpi eq, %arg0, %eq3A : i32
    %jit3A = arith.constant 95 : i32
    %jit3A_2 = arith.constant 63 : i32
    %select_n3A = arith.select %eq3A_1, %jit3A, %jit3A_2 : i32
    %broadcast_in_dim3A = arith.constant 0.000000e+00 : f32
    %broadcast_in_dim3A_3 = vector.broadcast %broadcast_in_dim3A : f32 to vector<16xf32>
    "tpu.region"() ({
      %run_scoped3A = tpu.sem_alloc : memref<!tpu.dma_semaphore, #tpu.memory_space<semaphore_mem>>
      %dma_start3A = arith.constant 0 : i32
      %dma_start3A_46 = arith.constant 0 : i32
      %dma_start3A_47 = tpu.memref_slice %arg3[%add3A, %dma_start3A, %dma_start3A_46] : memref<32x95x128xi32, #tpu.memory_space<hbm>> -> memref<1x95x128xi32, #tpu.memory_space<hbm>>
      %dma_start3A_48 = tpu.memref_squeeze %dma_start3A_47 : memref<1x95x128xi32, #tpu.memory_space<hbm>> -> memref<95x128xi32, #tpu.memory_space<hbm>>
      %dma_start3A_49 = arith.constant 0 : i32
      %dma_start3A_50 = arith.constant 0 : i32
      %dma_start3A_51 = tpu.memref_slice %arg3[%add3A, %dma_start3A_49, %dma_start3A_50] : memref<32x95x128xi32, #tpu.memory_space<hbm>> -> memref<1x95x128xi32, #tpu.memory_space<hbm>>
      %dma_start3A_52 = tpu.memref_squeeze %dma_start3A_51 : memref<1x95x128xi32, #tpu.memory_space<hbm>> -> memref<95x128xi32, #tpu.memory_space<hbm>>
      tpu.enqueue_dma source(%dma_start3A_52 : memref<95x128xi32, #tpu.memory_space<hbm>>) target(%arg6 : memref<95x128xi32, #tpu.memory_space<vmem>>) target_semaphore(%run_scoped3A : memref<!tpu.dma_semaphore, #tpu.memory_space<semaphore_mem>>)
      %dma_wait3A = arith.constant 0 : i32
      %dma_wait3A_53 = arith.constant 0 : i32
      %dma_wait3A_54 = tpu.memref_slice %arg3[%add3A, %dma_wait3A, %dma_wait3A_53] : memref<32x95x128xi32, #tpu.memory_space<hbm>> -> memref<1x95x128xi32, #tpu.memory_space<hbm>>
      %dma_wait3A_55 = tpu.memref_squeeze %dma_wait3A_54 : memref<1x95x128xi32, #tpu.memory_space<hbm>> -> memref<95x128xi32, #tpu.memory_space<hbm>>
      %dma_wait3A_56 = arith.constant 0 : i32
      %dma_wait3A_57 = arith.constant 0 : i32
      %dma_wait3A_58 = tpu.memref_slice %arg3[%add3A, %dma_wait3A_56, %dma_wait3A_57] : memref<32x95x128xi32, #tpu.memory_space<hbm>> -> memref<1x95x128xi32, #tpu.memory_space<hbm>>
      %dma_wait3A_59 = tpu.memref_squeeze %dma_wait3A_58 : memref<1x95x128xi32, #tpu.memory_space<hbm>> -> memref<95x128xi32, #tpu.memory_space<hbm>>
      tpu.wait_dma2 semaphore(%run_scoped3A : memref<!tpu.dma_semaphore, #tpu.memory_space<semaphore_mem>>) src(%dma_wait3A_59 : memref<95x128xi32, #tpu.memory_space<hbm>>) dst(%arg6 : memref<95x128xi32, #tpu.memory_space<vmem>>)
      tpu.yield
    }) : () -> ()
    "tpu.region"() ({
      %run_scoped3A = tpu.sem_alloc : memref<!tpu.dma_semaphore, #tpu.memory_space<semaphore_mem>>
      %dma_start3A = arith.constant 0 : i32
      %dma_start3A_46 = arith.constant 0 : i32
      %dma_start3A_47 = tpu.memref_slice %arg4[%add3A, %dma_start3A, %dma_start3A_46] : memref<32x95x128xi32, #tpu.memory_space<hbm>> -> memref<1x95x128xi32, #tpu.memory_space<hbm>>
      %dma_start3A_48 = tpu.memref_squeeze %dma_start3A_47 : memref<1x95x128xi32, #tpu.memory_space<hbm>> -> memref<95x128xi32, #tpu.memory_space<hbm>>
      %dma_start3A_49 = arith.constant 0 : i32
      %dma_start3A_50 = arith.constant 0 : i32
      %dma_start3A_51 = tpu.memref_slice %arg4[%add3A, %dma_start3A_49, %dma_start3A_50] : memref<32x95x128xi32, #tpu.memory_space<hbm>> -> memref<1x95x128xi32, #tpu.memory_space<hbm>>
      %dma_start3A_52 = tpu.memref_squeeze %dma_start3A_51 : memref<1x95x128xi32, #tpu.memory_space<hbm>> -> memref<95x128xi32, #tpu.memory_space<hbm>>
      tpu.enqueue_dma source(%dma_start3A_52 : memref<95x128xi32, #tpu.memory_space<hbm>>) target(%arg7 : memref<95x128xi32, #tpu.memory_space<vmem>>) target_semaphore(%run_scoped3A : memref<!tpu.dma_semaphore, #tpu.memory_space<semaphore_mem>>)
      %dma_wait3A = arith.constant 0 : i32
      %dma_wait3A_53 = arith.constant 0 : i32
      %dma_wait3A_54 = tpu.memref_slice %arg4[%add3A, %dma_wait3A, %dma_wait3A_53] : memref<32x95x128xi32, #tpu.memory_space<hbm>> -> memref<1x95x128xi32, #tpu.memory_space<hbm>>
      %dma_wait3A_55 = tpu.memref_squeeze %dma_wait3A_54 : memref<1x95x128xi32, #tpu.memory_space<hbm>> -> memref<95x128xi32, #tpu.memory_space<hbm>>
      %dma_wait3A_56 = arith.constant 0 : i32
      %dma_wait3A_57 = arith.constant 0 : i32
      %dma_wait3A_58 = tpu.memref_slice %arg4[%add3A, %dma_wait3A_56, %dma_wait3A_57] : memref<32x95x128xi32, #tpu.memory_space<hbm>> -> memref<1x95x128xi32, #tpu.memory_space<hbm>>
      %dma_wait3A_59 = tpu.memref_squeeze %dma_wait3A_58 : memref<1x95x128xi32, #tpu.memory_space<hbm>> -> memref<95x128xi32, #tpu.memory_space<hbm>>
      tpu.wait_dma2 semaphore(%run_scoped3A : memref<!tpu.dma_semaphore, #tpu.memory_space<semaphore_mem>>) src(%dma_wait3A_59 : memref<95x128xi32, #tpu.memory_space<hbm>>) dst(%arg7 : memref<95x128xi32, #tpu.memory_space<vmem>>)
      tpu.yield
    }) : () -> ()
    %scan3A = arith.constant 0 : i32
    %scan3A_4 = arith.constant 0 : i32
    %scan3A_5 = arith.constant 512 : i32
    %scan3A_6 = arith.addi %scan3A_4, %scan3A_5 : i32
    %scan3A_7 = arith.constant 1 : i32
    %scan3A_8 = scf.for %scan3A_46 = %scan3A_4 to %scan3A_6 step %scan3A_7 iter_args(%scan3A_47 = %scan3A) -> (i32)  : i32 {
      %jit3A_48 = arith.constant 4 : i32
      %div3A = arith.divsi %scan3A_46, %jit3A_48 : i32
      %sign3A = arith.constant 0 : i32
      %sign3A_49 = arith.cmpi sgt, %scan3A_46, %sign3A : i32
      %sign3A_50 = arith.extui %sign3A_49 : i1 to i32
      %sign3A_51 = arith.constant 0 : i32
      %sign3A_52 = arith.cmpi slt, %scan3A_46, %sign3A_51 : i32
      %sign3A_53 = arith.extui %sign3A_52 : i1 to i32
      %sign3A_54 = arith.subi %sign3A_50, %sign3A_53 : i32
      %sign3A_55 = arith.constant 0 : i32
      %sign3A_56 = arith.cmpi sgt, %jit3A_48, %sign3A_55 : i32
      %sign3A_57 = arith.extui %sign3A_56 : i1 to i32
      %sign3A_58 = arith.constant 0 : i32
      %sign3A_59 = arith.cmpi slt, %jit3A_48, %sign3A_58 : i32
      %sign3A_60 = arith.extui %sign3A_59 : i1 to i32
      %sign3A_61 = arith.subi %sign3A_57, %sign3A_60 : i32
      %ne3A = arith.cmpi ne, %sign3A_54, %sign3A_61 : i32
      %rem3A = arith.remsi %scan3A_46, %jit3A_48 : i32
      %ne3A_62 = arith.constant 0 : i32
      %ne3A_63 = arith.cmpi ne, %rem3A, %ne3A_62 : i32
      %and3A = arith.andi %ne3A, %ne3A_63 : i1
      %sub3A = arith.constant 1 : i32
      %sub3A_64 = arith.subi %div3A, %sub3A : i32
      %select_n3A_65 = arith.select %and3A, %sub3A_64, %div3A : i32
      %jit3A_66 = arith.constant 4 : i32
      %eq3A_67 = arith.constant 0 : i32
      %eq3A_68 = arith.cmpi eq, %jit3A_66, %eq3A_67 : i32
      %jit3A_69 = arith.constant 1 : i32
      %select_n3A_70 = arith.select %eq3A_68, %jit3A_69, %jit3A_66 : i32
      %rem3A_71 = arith.remsi %scan3A_46, %select_n3A_70 : i32
      %ne3A_72 = arith.constant 0 : i32
      %ne3A_73 = arith.cmpi ne, %rem3A_71, %ne3A_72 : i32
      %lt3A = arith.constant 0 : i32
      %lt3A_74 = arith.cmpi slt, %rem3A_71, %lt3A : i32
      %lt3A_75 = arith.constant 0 : i32
      %lt3A_76 = arith.cmpi slt, %select_n3A_70, %lt3A_75 : i32
      %ne3A_77 = arith.xori %lt3A_74, %lt3A_76 : i1
      %and3A_78 = arith.andi %ne3A_77, %ne3A_73 : i1
      %add3A_79 = arith.addi %rem3A_71, %select_n3A_70 : i32
      %select_n3A_80 = arith.select %and3A_78, %add3A_79, %rem3A_71 : i32
      %mul3A_81 = arith.constant 16 : i32
      %mul3A_82 = arith.muli %select_n3A_80, %mul3A_81 : i32
      %swap3A = arith.index_cast %select_n3A_65 : i32 to index
      %swap3A_83 = arith.index_cast %mul3A_82 : i32 to index
      %swap3A_84 = tpu.vector_load %arg8[%swap3A, %swap3A_83] {strides = array<i32>} : memref<128x64xf32, #tpu.memory_space<vmem>>, vector<16xf32>,
      tpu.vector_store %arg8[%swap3A, %swap3A_83], %broadcast_in_dim3A_3 {strides = array<i32>} : memref<128x64xf32, #tpu.memory_space<vmem>>, vector<16xf32>,
      %scan3A_85 = arith.constant 0 : i32
      scf.yield %scan3A_85 : i32
    }
    %scan3A_9 = arith.constant 512 : i32
    %mul3A_10 = arith.constant 640 : i32
    %mul3A_11 = arith.muli %arg1, %mul3A_10 : i32
    %add3A_12 = arith.constant 0 : i32
    %add3A_13 = arith.addi %mul3A_11, %add3A_12 : i32
    "tpu.region"() ({
      %run_scoped3A = tpu.sem_alloc : memref<!tpu.dma_semaphore, #tpu.memory_space<semaphore_mem>>
      %dma_start3A = arith.constant 0 : i32
      %dma_start3A_46 = tpu.memref_slice %arg9[%add3A_13, %dma_start3A] : memref<10240x64xf32, #tpu.memory_space<vmem_shared>> -> memref<128x64xf32, #tpu.memory_space<vmem_shared>>
      %dma_start3A_47 = arith.constant 0 : i32
      %dma_start3A_48 = tpu.memref_slice %arg9[%add3A_13, %dma_start3A_47] : memref<10240x64xf32, #tpu.memory_space<vmem_shared>> -> memref<128x64xf32, #tpu.memory_space<vmem_shared>>
      tpu.enqueue_dma source(%arg8 : memref<128x64xf32, #tpu.memory_space<vmem>>) target(%dma_start3A_48 : memref<128x64xf32, #tpu.memory_space<vmem_shared>>) target_semaphore(%run_scoped3A : memref<!tpu.dma_semaphore, #tpu.memory_space<semaphore_mem>>)
      %dma_wait3A = arith.constant 0 : i32
      %dma_wait3A_49 = tpu.memref_slice %arg9[%add3A_13, %dma_wait3A] : memref<10240x64xf32, #tpu.memory_space<vmem_shared>> -> memref<128x64xf32, #tpu.memory_space<vmem_shared>>
      %dma_wait3A_50 = arith.constant 0 : i32
      %dma_wait3A_51 = tpu.memref_slice %arg9[%add3A_13, %dma_wait3A_50] : memref<10240x64xf32, #tpu.memory_space<vmem_shared>> -> memref<128x64xf32, #tpu.memory_space<vmem_shared>>
      tpu.wait_dma2 semaphore(%run_scoped3A : memref<!tpu.dma_semaphore, #tpu.memory_space<semaphore_mem>>) src(%arg8 : memref<128x64xf32, #tpu.memory_space<vmem>>) dst(%dma_wait3A_51 : memref<128x64xf32, #tpu.memory_space<vmem_shared>>)
      tpu.yield
    }) : () -> ()
    %mul3A_14 = arith.constant 640 : i32
    %mul3A_15 = arith.muli %arg1, %mul3A_14 : i32
    %add3A_16 = arith.constant 128 : i32
    %add3A_17 = arith.addi %mul3A_15, %add3A_16 : i32
    "tpu.region"() ({
      %run_scoped3A = tpu.sem_alloc : memref<!tpu.dma_semaphore, #tpu.memory_space<semaphore_mem>>
      %dma_start3A = arith.constant 0 : i32
      %dma_start3A_46 = tpu.memref_slice %arg9[%add3A_17, %dma_start3A] : memref<10240x64xf32, #tpu.memory_space<vmem_shared>> -> memref<128x64xf32, #tpu.memory_space<vmem_shared>>
      %dma_start3A_47 = arith.constant 0 : i32
      %dma_start3A_48 = tpu.memref_slice %arg9[%add3A_17, %dma_start3A_47] : memref<10240x64xf32, #tpu.memory_space<vmem_shared>> -> memref<128x64xf32, #tpu.memory_space<vmem_shared>>
      tpu.enqueue_dma source(%arg8 : memref<128x64xf32, #tpu.memory_space<vmem>>) target(%dma_start3A_48 : memref<128x64xf32, #tpu.memory_space<vmem_shared>>) target_semaphore(%run_scoped3A : memref<!tpu.dma_semaphore, #tpu.memory_space<semaphore_mem>>)
      %dma_wait3A = arith.constant 0 : i32
      %dma_wait3A_49 = tpu.memref_slice %arg9[%add3A_17, %dma_wait3A] : memref<10240x64xf32, #tpu.memory_space<vmem_shared>> -> memref<128x64xf32, #tpu.memory_space<vmem_shared>>
      %dma_wait3A_50 = arith.constant 0 : i32
      %dma_wait3A_51 = tpu.memref_slice %arg9[%add3A_17, %dma_wait3A_50] : memref<10240x64xf32, #tpu.memory_space<vmem_shared>> -> memref<128x64xf32, #tpu.memory_space<vmem_shared>>
      tpu.wait_dma2 semaphore(%run_scoped3A : memref<!tpu.dma_semaphore, #tpu.memory_space<semaphore_mem>>) src(%arg8 : memref<128x64xf32, #tpu.memory_space<vmem>>) dst(%dma_wait3A_51 : memref<128x64xf32, #tpu.memory_space<vmem_shared>>)
      tpu.yield
    }) : () -> ()
    %mul3A_18 = arith.constant 640 : i32
    %mul3A_19 = arith.muli %arg1, %mul3A_18 : i32
    %add3A_20 = arith.constant 256 : i32
    %add3A_21 = arith.addi %mul3A_19, %add3A_20 : i32
    "tpu.region"() ({
      %run_scoped3A = tpu.sem_alloc : memref<!tpu.dma_semaphore, #tpu.memory_space<semaphore_mem>>
      %dma_start3A = arith.constant 0 : i32
      %dma_start3A_46 = tpu.memref_slice %arg9[%add3A_21, %dma_start3A] : memref<10240x64xf32, #tpu.memory_space<vmem_shared>> -> memref<128x64xf32, #tpu.memory_space<vmem_shared>>
      %dma_start3A_47 = arith.constant 0 : i32
      %dma_start3A_48 = tpu.memref_slice %arg9[%add3A_21, %dma_start3A_47] : memref<10240x64xf32, #tpu.memory_space<vmem_shared>> -> memref<128x64xf32, #tpu.memory_space<vmem_shared>>
      tpu.enqueue_dma source(%arg8 : memref<128x64xf32, #tpu.memory_space<vmem>>) target(%dma_start3A_48 : memref<128x64xf32, #tpu.memory_space<vmem_shared>>) target_semaphore(%run_scoped3A : memref<!tpu.dma_semaphore, #tpu.memory_space<semaphore_mem>>)
      %dma_wait3A = arith.constant 0 : i32
      %dma_wait3A_49 = tpu.memref_slice %arg9[%add3A_21, %dma_wait3A] : memref<10240x64xf32, #tpu.memory_space<vmem_shared>> -> memref<128x64xf32, #tpu.memory_space<vmem_shared>>
      %dma_wait3A_50 = arith.constant 0 : i32
      %dma_wait3A_51 = tpu.memref_slice %arg9[%add3A_21, %dma_wait3A_50] : memref<10240x64xf32, #tpu.memory_space<vmem_shared>> -> memref<128x64xf32, #tpu.memory_space<vmem_shared>>
      tpu.wait_dma2 semaphore(%run_scoped3A : memref<!tpu.dma_semaphore, #tpu.memory_space<semaphore_mem>>) src(%arg8 : memref<128x64xf32, #tpu.memory_space<vmem>>) dst(%dma_wait3A_51 : memref<128x64xf32, #tpu.memory_space<vmem_shared>>)
      tpu.yield
    }) : () -> ()
    %mul3A_22 = arith.constant 640 : i32
    %mul3A_23 = arith.muli %arg1, %mul3A_22 : i32
    %add3A_24 = arith.constant 384 : i32
    %add3A_25 = arith.addi %mul3A_23, %add3A_24 : i32
    "tpu.region"() ({
      %run_scoped3A = tpu.sem_alloc : memref<!tpu.dma_semaphore, #tpu.memory_space<semaphore_mem>>
      %dma_start3A = arith.constant 0 : i32
      %dma_start3A_46 = tpu.memref_slice %arg9[%add3A_25, %dma_start3A] : memref<10240x64xf32, #tpu.memory_space<vmem_shared>> -> memref<128x64xf32, #tpu.memory_space<vmem_shared>>
      %dma_start3A_47 = arith.constant 0 : i32
      %dma_start3A_48 = tpu.memref_slice %arg9[%add3A_25, %dma_start3A_47] : memref<10240x64xf32, #tpu.memory_space<vmem_shared>> -> memref<128x64xf32, #tpu.memory_space<vmem_shared>>
      tpu.enqueue_dma source(%arg8 : memref<128x64xf32, #tpu.memory_space<vmem>>) target(%dma_start3A_48 : memref<128x64xf32, #tpu.memory_space<vmem_shared>>) target_semaphore(%run_scoped3A : memref<!tpu.dma_semaphore, #tpu.memory_space<semaphore_mem>>)
      %dma_wait3A = arith.constant 0 : i32
      %dma_wait3A_49 = tpu.memref_slice %arg9[%add3A_25, %dma_wait3A] : memref<10240x64xf32, #tpu.memory_space<vmem_shared>> -> memref<128x64xf32, #tpu.memory_space<vmem_shared>>
      %dma_wait3A_50 = arith.constant 0 : i32
      %dma_wait3A_51 = tpu.memref_slice %arg9[%add3A_25, %dma_wait3A_50] : memref<10240x64xf32, #tpu.memory_space<vmem_shared>> -> memref<128x64xf32, #tpu.memory_space<vmem_shared>>
      tpu.wait_dma2 semaphore(%run_scoped3A : memref<!tpu.dma_semaphore, #tpu.memory_space<semaphore_mem>>) src(%arg8 : memref<128x64xf32, #tpu.memory_space<vmem>>) dst(%dma_wait3A_51 : memref<128x64xf32, #tpu.memory_space<vmem_shared>>)
      tpu.yield
    }) : () -> ()
    %mul3A_26 = arith.constant 640 : i32
    %mul3A_27 = arith.muli %arg1, %mul3A_26 : i32
    %add3A_28 = arith.constant 512 : i32
    %add3A_29 = arith.addi %mul3A_27, %add3A_28 : i32
    "tpu.region"() ({
      %run_scoped3A = tpu.sem_alloc : memref<!tpu.dma_semaphore, #tpu.memory_space<semaphore_mem>>
      %dma_start3A = arith.constant 0 : i32
      %dma_start3A_46 = tpu.memref_slice %arg9[%add3A_29, %dma_start3A] : memref<10240x64xf32, #tpu.memory_space<vmem_shared>> -> memref<128x64xf32, #tpu.memory_space<vmem_shared>>
      %dma_start3A_47 = arith.constant 0 : i32
      %dma_start3A_48 = tpu.memref_slice %arg9[%add3A_29, %dma_start3A_47] : memref<10240x64xf32, #tpu.memory_space<vmem_shared>> -> memref<128x64xf32, #tpu.memory_space<vmem_shared>>
      tpu.enqueue_dma source(%arg8 : memref<128x64xf32, #tpu.memory_space<vmem>>) target(%dma_start3A_48 : memref<128x64xf32, #tpu.memory_space<vmem_shared>>) target_semaphore(%run_scoped3A : memref<!tpu.dma_semaphore, #tpu.memory_space<semaphore_mem>>)
      %dma_wait3A = arith.constant 0 : i32
      %dma_wait3A_49 = tpu.memref_slice %arg9[%add3A_29, %dma_wait3A] : memref<10240x64xf32, #tpu.memory_space<vmem_shared>> -> memref<128x64xf32, #tpu.memory_space<vmem_shared>>
      %dma_wait3A_50 = arith.constant 0 : i32
      %dma_wait3A_51 = tpu.memref_slice %arg9[%add3A_29, %dma_wait3A_50] : memref<10240x64xf32, #tpu.memory_space<vmem_shared>> -> memref<128x64xf32, #tpu.memory_space<vmem_shared>>
      tpu.wait_dma2 semaphore(%run_scoped3A : memref<!tpu.dma_semaphore, #tpu.memory_space<semaphore_mem>>) src(%arg8 : memref<128x64xf32, #tpu.memory_space<vmem>>) dst(%dma_wait3A_51 : memref<128x64xf32, #tpu.memory_space<vmem_shared>>)
      tpu.yield
    }) : () -> ()
    %barrier3A = arith.constant 0 : index
    tpu.barrier barrier_id(%barrier3A)
    %while3A = arith.constant 0 : i32
    %while3A_30 = arith.constant 0 : i32
    %while3A_31 = arith.subi %select_n3A, %while3A : i32
    %while3A_32 = arith.addi %while3A, %while3A_31 : i32
    %while3A_33 = arith.constant 1 : i32
    %while3A_34 = arith.divsi %while3A_31, %while3A_33 : i32
    %while3A_35 = arith.muli %while3A_34, %while3A_33 : i32
    %while3A_36 = arith.addi %while3A, %while3A_35 : i32
    %while3A_37 = arith.constant 1 : i32
    %while3A_38 = scf.for %while3A_46 = %while3A to %while3A_36 step %while3A_37 iter_args(%while3A_47 = %while3A_30) -> (i32)  : i32 {
      %dma_start3A = arith.constant 0 : i32
      %dma_start3A_48 = tpu.memref_slice %arg6[%while3A_46, %dma_start3A] : memref<95x128xi32, #tpu.memory_space<vmem>> -> memref<1x128xi32, #tpu.memory_space<vmem>>
      %dma_start3A_49 = tpu.memref_squeeze %dma_start3A_48 : memref<1x128xi32, #tpu.memory_space<vmem>> -> memref<128xi32, #tpu.memory_space<vmem>>
      %dma_start3A_50 = arith.constant 0 : i32
      %dma_start3A_51 = arith.constant 0 : i32
      %dma_start3A_52 = tpu.memref_slice %arg2[%dma_start3A_50, %dma_start3A_51] : memref<10000x64xf32, #tpu.memory_space<hbm>> -> memref<10000x64xf32, #tpu.memory_space<hbm>>
      tpu.enqueue_indirect_dma source(%dma_start3A_52 : memref<10000x64xf32, #tpu.memory_space<hbm>>) target(%arg8 : memref<128x64xf32, #tpu.memory_space<vmem>>) offsets(%dma_start3A_49 : memref<128xi32, #tpu.memory_space<vmem>>) semaphore(%arg10 : memref<!tpu.dma_semaphore, #tpu.memory_space<semaphore_mem>>)
      %dma_wait3A = arith.constant 0 : i32
      %dma_wait3A_53 = tpu.memref_slice %arg6[%while3A_46, %dma_wait3A] : memref<95x128xi32, #tpu.memory_space<vmem>> -> memref<1x128xi32, #tpu.memory_space<vmem>>
      %dma_wait3A_54 = tpu.memref_squeeze %dma_wait3A_53 : memref<1x128xi32, #tpu.memory_space<vmem>> -> memref<128xi32, #tpu.memory_space<vmem>>
      %dma_wait3A_55 = arith.constant 0 : i32
      %dma_wait3A_56 = arith.constant 0 : i32
      %dma_wait3A_57 = tpu.memref_slice %arg2[%dma_wait3A_55, %dma_wait3A_56] : memref<10000x64xf32, #tpu.memory_space<hbm>> -> memref<10000x64xf32, #tpu.memory_space<hbm>>
      tpu.wait_indirect_dma semaphore(%arg10 : memref<!tpu.dma_semaphore, #tpu.memory_space<semaphore_mem>>) src(%dma_wait3A_57 : memref<10000x64xf32, #tpu.memory_space<hbm>>) dst(%arg8 : memref<128x64xf32, #tpu.memory_space<vmem>>)
      %dma_start3A_58 = arith.constant 0 : i32
      %dma_start3A_59 = tpu.memref_slice %arg7[%while3A_46, %dma_start3A_58] : memref<95x128xi32, #tpu.memory_space<vmem>> -> memref<1x128xi32, #tpu.memory_space<vmem>>
      %dma_start3A_60 = tpu.memref_squeeze %dma_start3A_59 : memref<1x128xi32, #tpu.memory_space<vmem>> -> memref<128xi32, #tpu.memory_space<vmem>>
      %dma_start3A_61 = arith.constant 0 : i32
      %dma_start3A_62 = arith.constant 0 : i32
      %dma_start3A_63 = tpu.memref_slice %arg9[%dma_start3A_61, %dma_start3A_62] : memref<10240x64xf32, #tpu.memory_space<vmem_shared>> -> memref<10240x64xf32, #tpu.memory_space<vmem_shared>>
      tpu.enqueue_indirect_dma source(%arg8 : memref<128x64xf32, #tpu.memory_space<vmem>>) target(%dma_start3A_63 : memref<10240x64xf32, #tpu.memory_space<vmem_shared>>) offsets(%dma_start3A_60 : memref<128xi32, #tpu.memory_space<vmem>>) semaphore(%arg11 : memref<!tpu.dma_semaphore, #tpu.memory_space<semaphore_mem>>) {add = true}
      %dma_wait3A_64 = arith.constant 0 : i32
      %dma_wait3A_65 = tpu.memref_slice %arg7[%while3A_46, %dma_wait3A_64] : memref<95x128xi32, #tpu.memory_space<vmem>> -> memref<1x128xi32, #tpu.memory_space<vmem>>
      %dma_wait3A_66 = tpu.memref_squeeze %dma_wait3A_65 : memref<1x128xi32, #tpu.memory_space<vmem>> -> memref<128xi32, #tpu.memory_space<vmem>>
      %dma_wait3A_67 = arith.constant 0 : i32
      %dma_wait3A_68 = arith.constant 0 : i32
      %dma_wait3A_69 = tpu.memref_slice %arg9[%dma_wait3A_67, %dma_wait3A_68] : memref<10240x64xf32, #tpu.memory_space<vmem_shared>> -> memref<10240x64xf32, #tpu.memory_space<vmem_shared>>
      tpu.wait_indirect_dma semaphore(%arg11 : memref<!tpu.dma_semaphore, #tpu.memory_space<semaphore_mem>>) src(%arg8 : memref<128x64xf32, #tpu.memory_space<vmem>>) dst(%dma_wait3A_69 : memref<10240x64xf32, #tpu.memory_space<vmem_shared>>)
      %while3A_70 = arith.constant 0 : i32
      scf.yield %while3A_70 : i32
    }
    %while3A_39 = arith.constant 1 : i32
    %while3A_40 = scf.for %while3A_46 = %while3A_36 to %while3A_32 step %while3A_39 iter_args(%while3A_47 = %while3A_38) -> (i32)  : i32 {
      %dma_start3A = arith.constant 0 : i32
      %dma_start3A_48 = tpu.memref_slice %arg6[%while3A_46, %dma_start3A] : memref<95x128xi32, #tpu.memory_space<vmem>> -> memref<1x128xi32, #tpu.memory_space<vmem>>
      %dma_start3A_49 = tpu.memref_squeeze %dma_start3A_48 : memref<1x128xi32, #tpu.memory_space<vmem>> -> memref<128xi32, #tpu.memory_space<vmem>>
      %dma_start3A_50 = arith.constant 0 : i32
      %dma_start3A_51 = arith.constant 0 : i32
      %dma_start3A_52 = tpu.memref_slice %arg2[%dma_start3A_50, %dma_start3A_51] : memref<10000x64xf32, #tpu.memory_space<hbm>> -> memref<10000x64xf32, #tpu.memory_space<hbm>>
      tpu.enqueue_indirect_dma source(%dma_start3A_52 : memref<10000x64xf32, #tpu.memory_space<hbm>>) target(%arg8 : memref<128x64xf32, #tpu.memory_space<vmem>>) offsets(%dma_start3A_49 : memref<128xi32, #tpu.memory_space<vmem>>) semaphore(%arg10 : memref<!tpu.dma_semaphore, #tpu.memory_space<semaphore_mem>>)
      %dma_wait3A = arith.constant 0 : i32
      %dma_wait3A_53 = tpu.memref_slice %arg6[%while3A_46, %dma_wait3A] : memref<95x128xi32, #tpu.memory_space<vmem>> -> memref<1x128xi32, #tpu.memory_space<vmem>>
      %dma_wait3A_54 = tpu.memref_squeeze %dma_wait3A_53 : memref<1x128xi32, #tpu.memory_space<vmem>> -> memref<128xi32, #tpu.memory_space<vmem>>
      %dma_wait3A_55 = arith.constant 0 : i32
      %dma_wait3A_56 = arith.constant 0 : i32
      %dma_wait3A_57 = tpu.memref_slice %arg2[%dma_wait3A_55, %dma_wait3A_56] : memref<10000x64xf32, #tpu.memory_space<hbm>> -> memref<10000x64xf32, #tpu.memory_space<hbm>>
      tpu.wait_indirect_dma semaphore(%arg10 : memref<!tpu.dma_semaphore, #tpu.memory_space<semaphore_mem>>) src(%dma_wait3A_57 : memref<10000x64xf32, #tpu.memory_space<hbm>>) dst(%arg8 : memref<128x64xf32, #tpu.memory_space<vmem>>)
      %dma_start3A_58 = arith.constant 0 : i32
      %dma_start3A_59 = tpu.memref_slice %arg7[%while3A_46, %dma_start3A_58] : memref<95x128xi32, #tpu.memory_space<vmem>> -> memref<1x128xi32, #tpu.memory_space<vmem>>
      %dma_start3A_60 = tpu.memref_squeeze %dma_start3A_59 : memref<1x128xi32, #tpu.memory_space<vmem>> -> memref<128xi32, #tpu.memory_space<vmem>>
      %dma_start3A_61 = arith.constant 0 : i32
      %dma_start3A_62 = arith.constant 0 : i32
      %dma_start3A_63 = tpu.memref_slice %arg9[%dma_start3A_61, %dma_start3A_62] : memref<10240x64xf32, #tpu.memory_space<vmem_shared>> -> memref<10240x64xf32, #tpu.memory_space<vmem_shared>>
      tpu.enqueue_indirect_dma source(%arg8 : memref<128x64xf32, #tpu.memory_space<vmem>>) target(%dma_start3A_63 : memref<10240x64xf32, #tpu.memory_space<vmem_shared>>) offsets(%dma_start3A_60 : memref<128xi32, #tpu.memory_space<vmem>>) semaphore(%arg11 : memref<!tpu.dma_semaphore, #tpu.memory_space<semaphore_mem>>) {add = true}
      %dma_wait3A_64 = arith.constant 0 : i32
      %dma_wait3A_65 = tpu.memref_slice %arg7[%while3A_46, %dma_wait3A_64] : memref<95x128xi32, #tpu.memory_space<vmem>> -> memref<1x128xi32, #tpu.memory_space<vmem>>
      %dma_wait3A_66 = tpu.memref_squeeze %dma_wait3A_65 : memref<1x128xi32, #tpu.memory_space<vmem>> -> memref<128xi32, #tpu.memory_space<vmem>>
      %dma_wait3A_67 = arith.constant 0 : i32
      %dma_wait3A_68 = arith.constant 0 : i32
      %dma_wait3A_69 = tpu.memref_slice %arg9[%dma_wait3A_67, %dma_wait3A_68] : memref<10240x64xf32, #tpu.memory_space<vmem_shared>> -> memref<10240x64xf32, #tpu.memory_space<vmem_shared>>
      tpu.wait_indirect_dma semaphore(%arg11 : memref<!tpu.dma_semaphore, #tpu.memory_space<semaphore_mem>>) src(%arg8 : memref<128x64xf32, #tpu.memory_space<vmem>>) dst(%dma_wait3A_69 : memref<10240x64xf32, #tpu.memory_space<vmem_shared>>)
      %while3A_70 = arith.constant 0 : i32
      scf.yield %while3A_70 : i32
    }
    %barrier3A_41 = arith.constant 0 : index
    tpu.barrier barrier_id(%barrier3A_41)
    %mul3A_42 = arith.constant 640 : i32
    %mul3A_43 = arith.muli %arg1, %mul3A_42 : i32
    %mul3A_44 = arith.constant 640 : i32
    %mul3A_45 = arith.muli %arg1, %mul3A_44 : i32
    "tpu.region"() ({
      %run_scoped3A = tpu.sem_alloc : memref<!tpu.dma_semaphore, #tpu.memory_space<semaphore_mem>>
      %dma_start3A = arith.constant 0 : i32
      %dma_start3A_46 = tpu.memref_slice %arg5[%arg0, %mul3A_45, %dma_start3A] : memref<2x10240x64xf32, #tpu.memory_space<hbm>> -> memref<1x640x64xf32, #tpu.memory_space<hbm>>
      %dma_start3A_47 = tpu.memref_squeeze %dma_start3A_46 : memref<1x640x64xf32, #tpu.memory_space<hbm>> -> memref<640x64xf32, #tpu.memory_space<hbm>>
      %dma_start3A_48 = arith.constant 0 : i32
      %dma_start3A_49 = tpu.memref_slice %arg9[%mul3A_43, %dma_start3A_48] : memref<10240x64xf32, #tpu.memory_space<vmem_shared>> -> memref<640x64xf32, #tpu.memory_space<vmem_shared>>
      tpu.enqueue_dma source(%dma_start3A_49 : memref<640x64xf32, #tpu.memory_space<vmem_shared>>) target(%dma_start3A_47 : memref<640x64xf32, #tpu.memory_space<hbm>>) target_semaphore(%run_scoped3A : memref<!tpu.dma_semaphore, #tpu.memory_space<semaphore_mem>>)
      %dma_wait3A = arith.constant 0 : i32
      %dma_wait3A_50 = tpu.memref_slice %arg5[%arg0, %mul3A_45, %dma_wait3A] : memref<2x10240x64xf32, #tpu.memory_space<hbm>> -> memref<1x640x64xf32, #tpu.memory_space<hbm>>
      %dma_wait3A_51 = tpu.memref_squeeze %dma_wait3A_50 : memref<1x640x64xf32, #tpu.memory_space<hbm>> -> memref<640x64xf32, #tpu.memory_space<hbm>>
      %dma_wait3A_52 = arith.constant 0 : i32
      %dma_wait3A_53 = tpu.memref_slice %arg9[%mul3A_43, %dma_wait3A_52] : memref<10240x64xf32, #tpu.memory_space<vmem_shared>> -> memref<640x64xf32, #tpu.memory_space<vmem_shared>>
      tpu.wait_dma2 semaphore(%run_scoped3A : memref<!tpu.dma_semaphore, #tpu.memory_space<semaphore_mem>>) src(%dma_wait3A_53 : memref<640x64xf32, #tpu.memory_space<vmem_shared>>) dst(%dma_wait3A_51 : memref<640x64xf32, #tpu.memory_space<hbm>>)
      tpu.yield
    }) : () -> ()
    return
  }
}

#map = affine_map<(d0, d1) -> (0, 0)>
#map1 = affine_map<(d0, d1) -> (0, 0, 0)>
module attributes {stable_mosaic.version = 14 : i64} {
  func.func @prop_kernel(%arg0: i32, %arg1: i32, %arg2: memref<10000x64xf32, #tpu.memory_space<hbm>>, %arg3: memref<32x95x128xi32, #tpu.memory_space<hbm>>, %arg4: memref<32x95x128xi32, #tpu.memory_space<hbm>>, %arg5: memref<2x10240x64xf32, #tpu.memory_space<hbm>>, %arg6: memref<95x128xi32, #tpu.memory_space<vmem>>, %arg7: memref<95x128xi32, #tpu.memory_space<vmem>>, %arg8: memref<128x64xf32, #tpu.memory_space<vmem>>, %arg9: memref<10240x64xf32, #tpu.memory_space<vmem_shared>>, %arg10: memref<!tpu.dma_semaphore, #tpu.memory_space<semaphore_mem>>, %arg11: memref<!tpu.dma_semaphore, #tpu.memory_space<semaphore_mem>>) attributes {dimension_semantics = [#tpu.dimension_semantics<core_parallel>, #tpu.dimension_semantics<subcore_parallel>], iteration_bounds = array<i64: 2, 16>, scalar_prefetch = 0 : i64, scratch_operands = 6 : i64, tpu.core_type = #tpu.core_type<sc_vector_subcore>, window_params = [{transform_indices = #map}, {transform_indices = #map1}, {transform_indices = #map1}, {transform_indices = #map1}]} {
    %mul3A = arith.constant 16 : i32
    %mul3A_0 = arith.muli %arg0, %mul3A : i32
    %add3A = arith.addi %mul3A_0, %arg1 : i32
    %eq3A = arith.constant 0 : i32
    %eq3A_1 = arith.cmpi eq, %arg0, %eq3A : i32
    %jit3A = arith.constant 95 : i32
    %jit3A_2 = arith.constant 63 : i32
    %select_n3A = arith.select %eq3A_1, %jit3A, %jit3A_2 : i32
    %broadcast_in_dim3A = arith.constant 0.000000e+00 : f32
    %broadcast_in_dim3A_3 = vector.broadcast %broadcast_in_dim3A : f32 to vector<16xf32>
    "tpu.region"() ({
      %run_scoped3A = tpu.sem_alloc : memref<!tpu.dma_semaphore, #tpu.memory_space<semaphore_mem>>
      %dma_start3A = arith.constant 0 : i32
      %dma_start3A_46 = arith.constant 0 : i32
      %dma_start3A_47 = tpu.memref_slice %arg3[%add3A, %dma_start3A, %dma_start3A_46] : memref<32x95x128xi32, #tpu.memory_space<hbm>> -> memref<1x95x128xi32, #tpu.memory_space<hbm>>
      %dma_start3A_48 = tpu.memref_squeeze %dma_start3A_47 : memref<1x95x128xi32, #tpu.memory_space<hbm>> -> memref<95x128xi32, #tpu.memory_space<hbm>>
      %dma_start3A_49 = arith.constant 0 : i32
      %dma_start3A_50 = arith.constant 0 : i32
      %dma_start3A_51 = tpu.memref_slice %arg3[%add3A, %dma_start3A_49, %dma_start3A_50] : memref<32x95x128xi32, #tpu.memory_space<hbm>> -> memref<1x95x128xi32, #tpu.memory_space<hbm>>
      %dma_start3A_52 = tpu.memref_squeeze %dma_start3A_51 : memref<1x95x128xi32, #tpu.memory_space<hbm>> -> memref<95x128xi32, #tpu.memory_space<hbm>>
      tpu.enqueue_dma source(%dma_start3A_52 : memref<95x128xi32, #tpu.memory_space<hbm>>) target(%arg6 : memref<95x128xi32, #tpu.memory_space<vmem>>) target_semaphore(%run_scoped3A : memref<!tpu.dma_semaphore, #tpu.memory_space<semaphore_mem>>)
      %dma_wait3A = arith.constant 0 : i32
      %dma_wait3A_53 = arith.constant 0 : i32
      %dma_wait3A_54 = tpu.memref_slice %arg3[%add3A, %dma_wait3A, %dma_wait3A_53] : memref<32x95x128xi32, #tpu.memory_space<hbm>> -> memref<1x95x128xi32, #tpu.memory_space<hbm>>
      %dma_wait3A_55 = tpu.memref_squeeze %dma_wait3A_54 : memref<1x95x128xi32, #tpu.memory_space<hbm>> -> memref<95x128xi32, #tpu.memory_space<hbm>>
      %dma_wait3A_56 = arith.constant 0 : i32
      %dma_wait3A_57 = arith.constant 0 : i32
      %dma_wait3A_58 = tpu.memref_slice %arg3[%add3A, %dma_wait3A_56, %dma_wait3A_57] : memref<32x95x128xi32, #tpu.memory_space<hbm>> -> memref<1x95x128xi32, #tpu.memory_space<hbm>>
      %dma_wait3A_59 = tpu.memref_squeeze %dma_wait3A_58 : memref<1x95x128xi32, #tpu.memory_space<hbm>> -> memref<95x128xi32, #tpu.memory_space<hbm>>
      tpu.wait_dma2 semaphore(%run_scoped3A : memref<!tpu.dma_semaphore, #tpu.memory_space<semaphore_mem>>) src(%dma_wait3A_59 : memref<95x128xi32, #tpu.memory_space<hbm>>) dst(%arg6 : memref<95x128xi32, #tpu.memory_space<vmem>>)
      tpu.yield
    }) : () -> ()
    "tpu.region"() ({
      %run_scoped3A = tpu.sem_alloc : memref<!tpu.dma_semaphore, #tpu.memory_space<semaphore_mem>>
      %dma_start3A = arith.constant 0 : i32
      %dma_start3A_46 = arith.constant 0 : i32
      %dma_start3A_47 = tpu.memref_slice %arg4[%add3A, %dma_start3A, %dma_start3A_46] : memref<32x95x128xi32, #tpu.memory_space<hbm>> -> memref<1x95x128xi32, #tpu.memory_space<hbm>>
      %dma_start3A_48 = tpu.memref_squeeze %dma_start3A_47 : memref<1x95x128xi32, #tpu.memory_space<hbm>> -> memref<95x128xi32, #tpu.memory_space<hbm>>
      %dma_start3A_49 = arith.constant 0 : i32
      %dma_start3A_50 = arith.constant 0 : i32
      %dma_start3A_51 = tpu.memref_slice %arg4[%add3A, %dma_start3A_49, %dma_start3A_50] : memref<32x95x128xi32, #tpu.memory_space<hbm>> -> memref<1x95x128xi32, #tpu.memory_space<hbm>>
      %dma_start3A_52 = tpu.memref_squeeze %dma_start3A_51 : memref<1x95x128xi32, #tpu.memory_space<hbm>> -> memref<95x128xi32, #tpu.memory_space<hbm>>
      tpu.enqueue_dma source(%dma_start3A_52 : memref<95x128xi32, #tpu.memory_space<hbm>>) target(%arg7 : memref<95x128xi32, #tpu.memory_space<vmem>>) target_semaphore(%run_scoped3A : memref<!tpu.dma_semaphore, #tpu.memory_space<semaphore_mem>>)
      %dma_wait3A = arith.constant 0 : i32
      %dma_wait3A_53 = arith.constant 0 : i32
      %dma_wait3A_54 = tpu.memref_slice %arg4[%add3A, %dma_wait3A, %dma_wait3A_53] : memref<32x95x128xi32, #tpu.memory_space<hbm>> -> memref<1x95x128xi32, #tpu.memory_space<hbm>>
      %dma_wait3A_55 = tpu.memref_squeeze %dma_wait3A_54 : memref<1x95x128xi32, #tpu.memory_space<hbm>> -> memref<95x128xi32, #tpu.memory_space<hbm>>
      %dma_wait3A_56 = arith.constant 0 : i32
      %dma_wait3A_57 = arith.constant 0 : i32
      %dma_wait3A_58 = tpu.memref_slice %arg4[%add3A, %dma_wait3A_56, %dma_wait3A_57] : memref<32x95x128xi32, #tpu.memory_space<hbm>> -> memref<1x95x128xi32, #tpu.memory_space<hbm>>
      %dma_wait3A_59 = tpu.memref_squeeze %dma_wait3A_58 : memref<1x95x128xi32, #tpu.memory_space<hbm>> -> memref<95x128xi32, #tpu.memory_space<hbm>>
      tpu.wait_dma2 semaphore(%run_scoped3A : memref<!tpu.dma_semaphore, #tpu.memory_space<semaphore_mem>>) src(%dma_wait3A_59 : memref<95x128xi32, #tpu.memory_space<hbm>>) dst(%arg7 : memref<95x128xi32, #tpu.memory_space<vmem>>)
      tpu.yield
    }) : () -> ()
    %scan3A = arith.constant 0 : i32
    %scan3A_4 = arith.constant 0 : i32
    %scan3A_5 = arith.constant 512 : i32
    %scan3A_6 = arith.addi %scan3A_4, %scan3A_5 : i32
    %scan3A_7 = arith.constant 1 : i32
    %scan3A_8 = scf.for %scan3A_46 = %scan3A_4 to %scan3A_6 step %scan3A_7 iter_args(%scan3A_47 = %scan3A) -> (i32)  : i32 {
      %jit3A_48 = arith.constant 4 : i32
      %div3A = arith.divsi %scan3A_46, %jit3A_48 : i32
      %sign3A = arith.constant 0 : i32
      %sign3A_49 = arith.cmpi sgt, %scan3A_46, %sign3A : i32
      %sign3A_50 = arith.extui %sign3A_49 : i1 to i32
      %sign3A_51 = arith.constant 0 : i32
      %sign3A_52 = arith.cmpi slt, %scan3A_46, %sign3A_51 : i32
      %sign3A_53 = arith.extui %sign3A_52 : i1 to i32
      %sign3A_54 = arith.subi %sign3A_50, %sign3A_53 : i32
      %sign3A_55 = arith.constant 0 : i32
      %sign3A_56 = arith.cmpi sgt, %jit3A_48, %sign3A_55 : i32
      %sign3A_57 = arith.extui %sign3A_56 : i1 to i32
      %sign3A_58 = arith.constant 0 : i32
      %sign3A_59 = arith.cmpi slt, %jit3A_48, %sign3A_58 : i32
      %sign3A_60 = arith.extui %sign3A_59 : i1 to i32
      %sign3A_61 = arith.subi %sign3A_57, %sign3A_60 : i32
      %ne3A = arith.cmpi ne, %sign3A_54, %sign3A_61 : i32
      %rem3A = arith.remsi %scan3A_46, %jit3A_48 : i32
      %ne3A_62 = arith.constant 0 : i32
      %ne3A_63 = arith.cmpi ne, %rem3A, %ne3A_62 : i32
      %and3A = arith.andi %ne3A, %ne3A_63 : i1
      %sub3A = arith.constant 1 : i32
      %sub3A_64 = arith.subi %div3A, %sub3A : i32
      %select_n3A_65 = arith.select %and3A, %sub3A_64, %div3A : i32
      %jit3A_66 = arith.constant 4 : i32
      %eq3A_67 = arith.constant 0 : i32
      %eq3A_68 = arith.cmpi eq, %jit3A_66, %eq3A_67 : i32
      %jit3A_69 = arith.constant 1 : i32
      %select_n3A_70 = arith.select %eq3A_68, %jit3A_69, %jit3A_66 : i32
      %rem3A_71 = arith.remsi %scan3A_46, %select_n3A_70 : i32
      %ne3A_72 = arith.constant 0 : i32
      %ne3A_73 = arith.cmpi ne, %rem3A_71, %ne3A_72 : i32
      %lt3A = arith.constant 0 : i32
      %lt3A_74 = arith.cmpi slt, %rem3A_71, %lt3A : i32
      %lt3A_75 = arith.constant 0 : i32
      %lt3A_76 = arith.cmpi slt, %select_n3A_70, %lt3A_75 : i32
      %ne3A_77 = arith.xori %lt3A_74, %lt3A_76 : i1
      %and3A_78 = arith.andi %ne3A_77, %ne3A_73 : i1
      %add3A_79 = arith.addi %rem3A_71, %select_n3A_70 : i32
      %select_n3A_80 = arith.select %and3A_78, %add3A_79, %rem3A_71 : i32
      %mul3A_81 = arith.constant 16 : i32
      %mul3A_82 = arith.muli %select_n3A_80, %mul3A_81 : i32
      %swap3A = arith.index_cast %select_n3A_65 : i32 to index
      %swap3A_83 = arith.index_cast %mul3A_82 : i32 to index
      %swap3A_84 = tpu.vector_load %arg8[%swap3A, %swap3A_83] {strides = array<i32>} : memref<128x64xf32, #tpu.memory_space<vmem>>, vector<16xf32>,
      tpu.vector_store %arg8[%swap3A, %swap3A_83], %broadcast_in_dim3A_3 {strides = array<i32>} : memref<128x64xf32, #tpu.memory_space<vmem>>, vector<16xf32>,
      %scan3A_85 = arith.constant 0 : i32
      scf.yield %scan3A_85 : i32
    }
    %scan3A_9 = arith.constant 512 : i32
    %mul3A_10 = arith.constant 640 : i32
    %mul3A_11 = arith.muli %arg1, %mul3A_10 : i32
    %add3A_12 = arith.constant 0 : i32
    %add3A_13 = arith.addi %mul3A_11, %add3A_12 : i32
    "tpu.region"() ({
      %run_scoped3A = tpu.sem_alloc : memref<!tpu.dma_semaphore, #tpu.memory_space<semaphore_mem>>
      %dma_start3A = arith.constant 0 : i32
      %dma_start3A_46 = tpu.memref_slice %arg9[%add3A_13, %dma_start3A] : memref<10240x64xf32, #tpu.memory_space<vmem_shared>> -> memref<128x64xf32, #tpu.memory_space<vmem_shared>>
      %dma_start3A_47 = arith.constant 0 : i32
      %dma_start3A_48 = tpu.memref_slice %arg9[%add3A_13, %dma_start3A_47] : memref<10240x64xf32, #tpu.memory_space<vmem_shared>> -> memref<128x64xf32, #tpu.memory_space<vmem_shared>>
      tpu.enqueue_dma source(%arg8 : memref<128x64xf32, #tpu.memory_space<vmem>>) target(%dma_start3A_48 : memref<128x64xf32, #tpu.memory_space<vmem_shared>>) target_semaphore(%run_scoped3A : memref<!tpu.dma_semaphore, #tpu.memory_space<semaphore_mem>>)
      %dma_wait3A = arith.constant 0 : i32
      %dma_wait3A_49 = tpu.memref_slice %arg9[%add3A_13, %dma_wait3A] : memref<10240x64xf32, #tpu.memory_space<vmem_shared>> -> memref<128x64xf32, #tpu.memory_space<vmem_shared>>
      %dma_wait3A_50 = arith.constant 0 : i32
      %dma_wait3A_51 = tpu.memref_slice %arg9[%add3A_13, %dma_wait3A_50] : memref<10240x64xf32, #tpu.memory_space<vmem_shared>> -> memref<128x64xf32, #tpu.memory_space<vmem_shared>>
      tpu.wait_dma2 semaphore(%run_scoped3A : memref<!tpu.dma_semaphore, #tpu.memory_space<semaphore_mem>>) src(%arg8 : memref<128x64xf32, #tpu.memory_space<vmem>>) dst(%dma_wait3A_51 : memref<128x64xf32, #tpu.memory_space<vmem_shared>>)
      tpu.yield
    }) : () -> ()
    %mul3A_14 = arith.constant 640 : i32
    %mul3A_15 = arith.muli %arg1, %mul3A_14 : i32
    %add3A_16 = arith.constant 128 : i32
    %add3A_17 = arith.addi %mul3A_15, %add3A_16 : i32
    "tpu.region"() ({
      %run_scoped3A = tpu.sem_alloc : memref<!tpu.dma_semaphore, #tpu.memory_space<semaphore_mem>>
      %dma_start3A = arith.constant 0 : i32
      %dma_start3A_46 = tpu.memref_slice %arg9[%add3A_17, %dma_start3A] : memref<10240x64xf32, #tpu.memory_space<vmem_shared>> -> memref<128x64xf32, #tpu.memory_space<vmem_shared>>
      %dma_start3A_47 = arith.constant 0 : i32
      %dma_start3A_48 = tpu.memref_slice %arg9[%add3A_17, %dma_start3A_47] : memref<10240x64xf32, #tpu.memory_space<vmem_shared>> -> memref<128x64xf32, #tpu.memory_space<vmem_shared>>
      tpu.enqueue_dma source(%arg8 : memref<128x64xf32, #tpu.memory_space<vmem>>) target(%dma_start3A_48 : memref<128x64xf32, #tpu.memory_space<vmem_shared>>) target_semaphore(%run_scoped3A : memref<!tpu.dma_semaphore, #tpu.memory_space<semaphore_mem>>)
      %dma_wait3A = arith.constant 0 : i32
      %dma_wait3A_49 = tpu.memref_slice %arg9[%add3A_17, %dma_wait3A] : memref<10240x64xf32, #tpu.memory_space<vmem_shared>> -> memref<128x64xf32, #tpu.memory_space<vmem_shared>>
      %dma_wait3A_50 = arith.constant 0 : i32
      %dma_wait3A_51 = tpu.memref_slice %arg9[%add3A_17, %dma_wait3A_50] : memref<10240x64xf32, #tpu.memory_space<vmem_shared>> -> memref<128x64xf32, #tpu.memory_space<vmem_shared>>
      tpu.wait_dma2 semaphore(%run_scoped3A : memref<!tpu.dma_semaphore, #tpu.memory_space<semaphore_mem>>) src(%arg8 : memref<128x64xf32, #tpu.memory_space<vmem>>) dst(%dma_wait3A_51 : memref<128x64xf32, #tpu.memory_space<vmem_shared>>)
      tpu.yield
    }) : () -> ()
    %mul3A_18 = arith.constant 640 : i32
    %mul3A_19 = arith.muli %arg1, %mul3A_18 : i32
    %add3A_20 = arith.constant 256 : i32
    %add3A_21 = arith.addi %mul3A_19, %add3A_20 : i32
    "tpu.region"() ({
      %run_scoped3A = tpu.sem_alloc : memref<!tpu.dma_semaphore, #tpu.memory_space<semaphore_mem>>
      %dma_start3A = arith.constant 0 : i32
      %dma_start3A_46 = tpu.memref_slice %arg9[%add3A_21, %dma_start3A] : memref<10240x64xf32, #tpu.memory_space<vmem_shared>> -> memref<128x64xf32, #tpu.memory_space<vmem_shared>>
      %dma_start3A_47 = arith.constant 0 : i32
      %dma_start3A_48 = tpu.memref_slice %arg9[%add3A_21, %dma_start3A_47] : memref<10240x64xf32, #tpu.memory_space<vmem_shared>> -> memref<128x64xf32, #tpu.memory_space<vmem_shared>>
      tpu.enqueue_dma source(%arg8 : memref<128x64xf32, #tpu.memory_space<vmem>>) target(%dma_start3A_48 : memref<128x64xf32, #tpu.memory_space<vmem_shared>>) target_semaphore(%run_scoped3A : memref<!tpu.dma_semaphore, #tpu.memory_space<semaphore_mem>>)
      %dma_wait3A = arith.constant 0 : i32
      %dma_wait3A_49 = tpu.memref_slice %arg9[%add3A_21, %dma_wait3A] : memref<10240x64xf32, #tpu.memory_space<vmem_shared>> -> memref<128x64xf32, #tpu.memory_space<vmem_shared>>
      %dma_wait3A_50 = arith.constant 0 : i32
      %dma_wait3A_51 = tpu.memref_slice %arg9[%add3A_21, %dma_wait3A_50] : memref<10240x64xf32, #tpu.memory_space<vmem_shared>> -> memref<128x64xf32, #tpu.memory_space<vmem_shared>>
      tpu.wait_dma2 semaphore(%run_scoped3A : memref<!tpu.dma_semaphore, #tpu.memory_space<semaphore_mem>>) src(%arg8 : memref<128x64xf32, #tpu.memory_space<vmem>>) dst(%dma_wait3A_51 : memref<128x64xf32, #tpu.memory_space<vmem_shared>>)
      tpu.yield
    }) : () -> ()
    %mul3A_22 = arith.constant 640 : i32
    %mul3A_23 = arith.muli %arg1, %mul3A_22 : i32
    %add3A_24 = arith.constant 384 : i32
    %add3A_25 = arith.addi %mul3A_23, %add3A_24 : i32
    "tpu.region"() ({
      %run_scoped3A = tpu.sem_alloc : memref<!tpu.dma_semaphore, #tpu.memory_space<semaphore_mem>>
      %dma_start3A = arith.constant 0 : i32
      %dma_start3A_46 = tpu.memref_slice %arg9[%add3A_25, %dma_start3A] : memref<10240x64xf32, #tpu.memory_space<vmem_shared>> -> memref<128x64xf32, #tpu.memory_space<vmem_shared>>
      %dma_start3A_47 = arith.constant 0 : i32
      %dma_start3A_48 = tpu.memref_slice %arg9[%add3A_25, %dma_start3A_47] : memref<10240x64xf32, #tpu.memory_space<vmem_shared>> -> memref<128x64xf32, #tpu.memory_space<vmem_shared>>
      tpu.enqueue_dma source(%arg8 : memref<128x64xf32, #tpu.memory_space<vmem>>) target(%dma_start3A_48 : memref<128x64xf32, #tpu.memory_space<vmem_shared>>) target_semaphore(%run_scoped3A : memref<!tpu.dma_semaphore, #tpu.memory_space<semaphore_mem>>)
      %dma_wait3A = arith.constant 0 : i32
      %dma_wait3A_49 = tpu.memref_slice %arg9[%add3A_25, %dma_wait3A] : memref<10240x64xf32, #tpu.memory_space<vmem_shared>> -> memref<128x64xf32, #tpu.memory_space<vmem_shared>>
      %dma_wait3A_50 = arith.constant 0 : i32
      %dma_wait3A_51 = tpu.memref_slice %arg9[%add3A_25, %dma_wait3A_50] : memref<10240x64xf32, #tpu.memory_space<vmem_shared>> -> memref<128x64xf32, #tpu.memory_space<vmem_shared>>
      tpu.wait_dma2 semaphore(%run_scoped3A : memref<!tpu.dma_semaphore, #tpu.memory_space<semaphore_mem>>) src(%arg8 : memref<128x64xf32, #tpu.memory_space<vmem>>) dst(%dma_wait3A_51 : memref<128x64xf32, #tpu.memory_space<vmem_shared>>)
      tpu.yield
    }) : () -> ()
    %mul3A_26 = arith.constant 640 : i32
    %mul3A_27 = arith.muli %arg1, %mul3A_26 : i32
    %add3A_28 = arith.constant 512 : i32
    %add3A_29 = arith.addi %mul3A_27, %add3A_28 : i32
    "tpu.region"() ({
      %run_scoped3A = tpu.sem_alloc : memref<!tpu.dma_semaphore, #tpu.memory_space<semaphore_mem>>
      %dma_start3A = arith.constant 0 : i32
      %dma_start3A_46 = tpu.memref_slice %arg9[%add3A_29, %dma_start3A] : memref<10240x64xf32, #tpu.memory_space<vmem_shared>> -> memref<128x64xf32, #tpu.memory_space<vmem_shared>>
      %dma_start3A_47 = arith.constant 0 : i32
      %dma_start3A_48 = tpu.memref_slice %arg9[%add3A_29, %dma_start3A_47] : memref<10240x64xf32, #tpu.memory_space<vmem_shared>> -> memref<128x64xf32, #tpu.memory_space<vmem_shared>>
      tpu.enqueue_dma source(%arg8 : memref<128x64xf32, #tpu.memory_space<vmem>>) target(%dma_start3A_48 : memref<128x64xf32, #tpu.memory_space<vmem_shared>>) target_semaphore(%run_scoped3A : memref<!tpu.dma_semaphore, #tpu.memory_space<semaphore_mem>>)
      %dma_wait3A = arith.constant 0 : i32
      %dma_wait3A_49 = tpu.memref_slice %arg9[%add3A_29, %dma_wait3A] : memref<10240x64xf32, #tpu.memory_space<vmem_shared>> -> memref<128x64xf32, #tpu.memory_space<vmem_shared>>
      %dma_wait3A_50 = arith.constant 0 : i32
      %dma_wait3A_51 = tpu.memref_slice %arg9[%add3A_29, %dma_wait3A_50] : memref<10240x64xf32, #tpu.memory_space<vmem_shared>> -> memref<128x64xf32, #tpu.memory_space<vmem_shared>>
      tpu.wait_dma2 semaphore(%run_scoped3A : memref<!tpu.dma_semaphore, #tpu.memory_space<semaphore_mem>>) src(%arg8 : memref<128x64xf32, #tpu.memory_space<vmem>>) dst(%dma_wait3A_51 : memref<128x64xf32, #tpu.memory_space<vmem_shared>>)
      tpu.yield
    }) : () -> ()
    %barrier3A = arith.constant 0 : index
    tpu.barrier barrier_id(%barrier3A)
    %while3A = arith.constant 0 : i32
    %while3A_30 = arith.constant 0 : i32
    %while3A_31 = arith.subi %select_n3A, %while3A : i32
    %while3A_32 = arith.addi %while3A, %while3A_31 : i32
    %while3A_33 = arith.constant 1 : i32
    %while3A_34 = arith.divsi %while3A_31, %while3A_33 : i32
    %while3A_35 = arith.muli %while3A_34, %while3A_33 : i32
    %while3A_36 = arith.addi %while3A, %while3A_35 : i32
    %while3A_37 = arith.constant 1 : i32
    %while3A_38 = scf.for %while3A_46 = %while3A to %while3A_36 step %while3A_37 iter_args(%while3A_47 = %while3A_30) -> (i32)  : i32 {
      %dma_start3A = arith.constant 0 : i32
      %dma_start3A_48 = tpu.memref_slice %arg6[%while3A_46, %dma_start3A] : memref<95x128xi32, #tpu.memory_space<vmem>> -> memref<1x128xi32, #tpu.memory_space<vmem>>
      %dma_start3A_49 = tpu.memref_squeeze %dma_start3A_48 : memref<1x128xi32, #tpu.memory_space<vmem>> -> memref<128xi32, #tpu.memory_space<vmem>>
      %dma_start3A_50 = arith.constant 0 : i32
      %dma_start3A_51 = arith.constant 0 : i32
      %dma_start3A_52 = tpu.memref_slice %arg2[%dma_start3A_50, %dma_start3A_51] : memref<10000x64xf32, #tpu.memory_space<hbm>> -> memref<10000x64xf32, #tpu.memory_space<hbm>>
      tpu.enqueue_indirect_dma source(%dma_start3A_52 : memref<10000x64xf32, #tpu.memory_space<hbm>>) target(%arg8 : memref<128x64xf32, #tpu.memory_space<vmem>>) offsets(%dma_start3A_49 : memref<128xi32, #tpu.memory_space<vmem>>) semaphore(%arg10 : memref<!tpu.dma_semaphore, #tpu.memory_space<semaphore_mem>>)
      %dma_wait3A = arith.constant 0 : i32
      %dma_wait3A_53 = tpu.memref_slice %arg6[%while3A_46, %dma_wait3A] : memref<95x128xi32, #tpu.memory_space<vmem>> -> memref<1x128xi32, #tpu.memory_space<vmem>>
      %dma_wait3A_54 = tpu.memref_squeeze %dma_wait3A_53 : memref<1x128xi32, #tpu.memory_space<vmem>> -> memref<128xi32, #tpu.memory_space<vmem>>
      %dma_wait3A_55 = arith.constant 0 : i32
      %dma_wait3A_56 = arith.constant 0 : i32
      %dma_wait3A_57 = tpu.memref_slice %arg2[%dma_wait3A_55, %dma_wait3A_56] : memref<10000x64xf32, #tpu.memory_space<hbm>> -> memref<10000x64xf32, #tpu.memory_space<hbm>>
      tpu.wait_indirect_dma semaphore(%arg10 : memref<!tpu.dma_semaphore, #tpu.memory_space<semaphore_mem>>) src(%dma_wait3A_57 : memref<10000x64xf32, #tpu.memory_space<hbm>>) dst(%arg8 : memref<128x64xf32, #tpu.memory_space<vmem>>)
      %dma_start3A_58 = arith.constant 0 : i32
      %dma_start3A_59 = tpu.memref_slice %arg7[%while3A_46, %dma_start3A_58] : memref<95x128xi32, #tpu.memory_space<vmem>> -> memref<1x128xi32, #tpu.memory_space<vmem>>
      %dma_start3A_60 = tpu.memref_squeeze %dma_start3A_59 : memref<1x128xi32, #tpu.memory_space<vmem>> -> memref<128xi32, #tpu.memory_space<vmem>>
      %dma_start3A_61 = arith.constant 0 : i32
      %dma_start3A_62 = arith.constant 0 : i32
      %dma_start3A_63 = tpu.memref_slice %arg9[%dma_start3A_61, %dma_start3A_62] : memref<10240x64xf32, #tpu.memory_space<vmem_shared>> -> memref<10240x64xf32, #tpu.memory_space<vmem_shared>>
      tpu.enqueue_indirect_dma source(%arg8 : memref<128x64xf32, #tpu.memory_space<vmem>>) target(%dma_start3A_63 : memref<10240x64xf32, #tpu.memory_space<vmem_shared>>) offsets(%dma_start3A_60 : memref<128xi32, #tpu.memory_space<vmem>>) semaphore(%arg11 : memref<!tpu.dma_semaphore, #tpu.memory_space<semaphore_mem>>) {add = true}
      %dma_wait3A_64 = arith.constant 0 : i32
      %dma_wait3A_65 = tpu.memref_slice %arg7[%while3A_46, %dma_wait3A_64] : memref<95x128xi32, #tpu.memory_space<vmem>> -> memref<1x128xi32, #tpu.memory_space<vmem>>
      %dma_wait3A_66 = tpu.memref_squeeze %dma_wait3A_65 : memref<1x128xi32, #tpu.memory_space<vmem>> -> memref<128xi32, #tpu.memory_space<vmem>>
      %dma_wait3A_67 = arith.constant 0 : i32
      %dma_wait3A_68 = arith.constant 0 : i32
      %dma_wait3A_69 = tpu.memref_slice %arg9[%dma_wait3A_67, %dma_wait3A_68] : memref<10240x64xf32, #tpu.memory_space<vmem_shared>> -> memref<10240x64xf32, #tpu.memory_space<vmem_shared>>
      tpu.wait_indirect_dma semaphore(%arg11 : memref<!tpu.dma_semaphore, #tpu.memory_space<semaphore_mem>>) src(%arg8 : memref<128x64xf32, #tpu.memory_space<vmem>>) dst(%dma_wait3A_69 : memref<10240x64xf32, #tpu.memory_space<vmem_shared>>)
      %while3A_70 = arith.constant 0 : i32
      scf.yield %while3A_70 : i32
    }
    %while3A_39 = arith.constant 1 : i32
    %while3A_40 = scf.for %while3A_46 = %while3A_36 to %while3A_32 step %while3A_39 iter_args(%while3A_47 = %while3A_38) -> (i32)  : i32 {
      %dma_start3A = arith.constant 0 : i32
      %dma_start3A_48 = tpu.memref_slice %arg6[%while3A_46, %dma_start3A] : memref<95x128xi32, #tpu.memory_space<vmem>> -> memref<1x128xi32, #tpu.memory_space<vmem>>
      %dma_start3A_49 = tpu.memref_squeeze %dma_start3A_48 : memref<1x128xi32, #tpu.memory_space<vmem>> -> memref<128xi32, #tpu.memory_space<vmem>>
      %dma_start3A_50 = arith.constant 0 : i32
      %dma_start3A_51 = arith.constant 0 : i32
      %dma_start3A_52 = tpu.memref_slice %arg2[%dma_start3A_50, %dma_start3A_51] : memref<10000x64xf32, #tpu.memory_space<hbm>> -> memref<10000x64xf32, #tpu.memory_space<hbm>>
      tpu.enqueue_indirect_dma source(%dma_start3A_52 : memref<10000x64xf32, #tpu.memory_space<hbm>>) target(%arg8 : memref<128x64xf32, #tpu.memory_space<vmem>>) offsets(%dma_start3A_49 : memref<128xi32, #tpu.memory_space<vmem>>) semaphore(%arg10 : memref<!tpu.dma_semaphore, #tpu.memory_space<semaphore_mem>>)
      %dma_wait3A = arith.constant 0 : i32
      %dma_wait3A_53 = tpu.memref_slice %arg6[%while3A_46, %dma_wait3A] : memref<95x128xi32, #tpu.memory_space<vmem>> -> memref<1x128xi32, #tpu.memory_space<vmem>>
      %dma_wait3A_54 = tpu.memref_squeeze %dma_wait3A_53 : memref<1x128xi32, #tpu.memory_space<vmem>> -> memref<128xi32, #tpu.memory_space<vmem>>
      %dma_wait3A_55 = arith.constant 0 : i32
      %dma_wait3A_56 = arith.constant 0 : i32
      %dma_wait3A_57 = tpu.memref_slice %arg2[%dma_wait3A_55, %dma_wait3A_56] : memref<10000x64xf32, #tpu.memory_space<hbm>> -> memref<10000x64xf32, #tpu.memory_space<hbm>>
      tpu.wait_indirect_dma semaphore(%arg10 : memref<!tpu.dma_semaphore, #tpu.memory_space<semaphore_mem>>) src(%dma_wait3A_57 : memref<10000x64xf32, #tpu.memory_space<hbm>>) dst(%arg8 : memref<128x64xf32, #tpu.memory_space<vmem>>)
      %dma_start3A_58 = arith.constant 0 : i32
      %dma_start3A_59 = tpu.memref_slice %arg7[%while3A_46, %dma_start3A_58] : memref<95x128xi32, #tpu.memory_space<vmem>> -> memref<1x128xi32, #tpu.memory_space<vmem>>
      %dma_start3A_60 = tpu.memref_squeeze %dma_start3A_59 : memref<1x128xi32, #tpu.memory_space<vmem>> -> memref<128xi32, #tpu.memory_space<vmem>>
      %dma_start3A_61 = arith.constant 0 : i32
      %dma_start3A_62 = arith.constant 0 : i32
      %dma_start3A_63 = tpu.memref_slice %arg9[%dma_start3A_61, %dma_start3A_62] : memref<10240x64xf32, #tpu.memory_space<vmem_shared>> -> memref<10240x64xf32, #tpu.memory_space<vmem_shared>>
      tpu.enqueue_indirect_dma source(%arg8 : memref<128x64xf32, #tpu.memory_space<vmem>>) target(%dma_start3A_63 : memref<10240x64xf32, #tpu.memory_space<vmem_shared>>) offsets(%dma_start3A_60 : memref<128xi32, #tpu.memory_space<vmem>>) semaphore(%arg11 : memref<!tpu.dma_semaphore, #tpu.memory_space<semaphore_mem>>) {add = true}
      %dma_wait3A_64 = arith.constant 0 : i32
      %dma_wait3A_65 = tpu.memref_slice %arg7[%while3A_46, %dma_wait3A_64] : memref<95x128xi32, #tpu.memory_space<vmem>> -> memref<1x128xi32, #tpu.memory_space<vmem>>
      %dma_wait3A_66 = tpu.memref_squeeze %dma_wait3A_65 : memref<1x128xi32, #tpu.memory_space<vmem>> -> memref<128xi32, #tpu.memory_space<vmem>>
      %dma_wait3A_67 = arith.constant 0 : i32
      %dma_wait3A_68 = arith.constant 0 : i32
      %dma_wait3A_69 = tpu.memref_slice %arg9[%dma_wait3A_67, %dma_wait3A_68] : memref<10240x64xf32, #tpu.memory_space<vmem_shared>> -> memref<10240x64xf32, #tpu.memory_space<vmem_shared>>
      tpu.wait_indirect_dma semaphore(%arg11 : memref<!tpu.dma_semaphore, #tpu.memory_space<semaphore_mem>>) src(%arg8 : memref<128x64xf32, #tpu.memory_space<vmem>>) dst(%dma_wait3A_69 : memref<10240x64xf32, #tpu.memory_space<vmem_shared>>)
      %while3A_70 = arith.constant 0 : i32
      scf.yield %while3A_70 : i32
    }
    %barrier3A_41 = arith.constant 0 : index
    tpu.barrier barrier_id(%barrier3A_41)
    %mul3A_42 = arith.constant 640 : i32
    %mul3A_43 = arith.muli %arg1, %mul3A_42 : i32
    %mul3A_44 = arith.constant 640 : i32
    %mul3A_45 = arith.muli %arg1, %mul3A_44 : i32
    "tpu.region"() ({
      %run_scoped3A = tpu.sem_alloc : memref<!tpu.dma_semaphore, #tpu.memory_space<semaphore_mem>>
      %dma_start3A = arith.constant 0 : i32
      %dma_start3A_46 = tpu.memref_slice %arg5[%arg0, %mul3A_45, %dma_start3A] : memref<2x10240x64xf32, #tpu.memory_space<hbm>> -> memref<1x640x64xf32, #tpu.memory_space<hbm>>
      %dma_start3A_47 = tpu.memref_squeeze %dma_start3A_46 : memref<1x640x64xf32, #tpu.memory_space<hbm>> -> memref<640x64xf32, #tpu.memory_space<hbm>>
      %dma_start3A_48 = arith.constant 0 : i32
      %dma_start3A_49 = tpu.memref_slice %arg9[%mul3A_43, %dma_start3A_48] : memref<10240x64xf32, #tpu.memory_space<vmem_shared>> -> memref<640x64xf32, #tpu.memory_space<vmem_shared>>
      tpu.enqueue_dma source(%dma_start3A_49 : memref<640x64xf32, #tpu.memory_space<vmem_shared>>) target(%dma_start3A_47 : memref<640x64xf32, #tpu.memory_space<hbm>>) target_semaphore(%run_scoped3A : memref<!tpu.dma_semaphore, #tpu.memory_space<semaphore_mem>>)
      %dma_wait3A = arith.constant 0 : i32
      %dma_wait3A_50 = tpu.memref_slice %arg5[%arg0, %mul3A_45, %dma_wait3A] : memref<2x10240x64xf32, #tpu.memory_space<hbm>> -> memref<1x640x64xf32, #tpu.memory_space<hbm>>
      %dma_wait3A_51 = tpu.memref_squeeze %dma_wait3A_50 : memref<1x640x64xf32, #tpu.memory_space<hbm>> -> memref<640x64xf32, #tpu.memory_space<hbm>>
      %dma_wait3A_52 = arith.constant 0 : i32
      %dma_wait3A_53 = tpu.memref_slice %arg9[%mul3A_43, %dma_wait3A_52] : memref<10240x64xf32, #tpu.memory_space<vmem_shared>> -> memref<640x64xf32, #tpu.memory_space<vmem_shared>>
      tpu.wait_dma2 semaphore(%run_scoped3A : memref<!tpu.dma_semaphore, #tpu.memory_space<semaphore_mem>>) src(%dma_wait3A_53 : memref<640x64xf32, #tpu.memory_space<vmem_shared>>) dst(%dma_wait3A_51 : memref<640x64xf32, #tpu.memory_space<hbm>>)
      tpu.yield
    }) : () -> ()
    return
  }
}

module attributes {stable_mosaic.version = 14 : i64} {
  func.func @_tc1_body(%arg0: memref<10000x128xf32, #tpu.memory_space<vmem>>, %arg1: memref<128x128xf32, #tpu.memory_space<vmem>>, %arg2: memref<10240x2xf32, #tpu.memory_space<vmem>>, %arg3: memref<10000x64xf32, #tpu.memory_space<vmem>>, %arg4: memref<10000x64xf32, #tpu.memory_space<vmem>>, %arg5: memref<10000x1xf32, #tpu.memory_space<vmem>>) attributes {dimension_semantics = [], scalar_prefetch = 0 : i64, scratch_operands = 0 : i64, tpu.core_type = #tpu.core_type<tc>} {
    %get3A = arith.constant 0 : index
    %get3A_0 = arith.constant 0 : index
    %get3A_1 = vector.load %arg2[%get3A, %get3A_0] : memref<10240x2xf32, #tpu.memory_space<vmem>>, vector<10240x1xf32>
    %get3A_2 = arith.constant 0 : index
    %get3A_3 = arith.constant 1 : index
    %get3A_4 = vector.load %arg2[%get3A_2, %get3A_3] : memref<10240x2xf32, #tpu.memory_space<vmem>>, vector<10240x1xf32>
    %add3A = arith.addf %get3A_1, %get3A_4 : vector<10240x1xf32>
    %add3A_5 = arith.constant 1.000000e+00 : f32
    %add3A_6 = vector.broadcast %add3A_5 : f32 to vector<10240x1xf32>
    %add3A_7 = arith.addf %add3A, %add3A_6 : vector<10240x1xf32>
    %rsqrt3A = math.rsqrt %add3A_7 : vector<10240x1xf32>
    %slice3A = vector.extract_strided_slice %rsqrt3A {offsets = [0, 0], sizes = [10000, 1], strides = [1, 1]} : vector<10240x1xf32> to vector<10000x1xf32>
    %get3A_8 = arith.constant 0 : index
    %get3A_9 = arith.constant 0 : index
    %get3A_10 = vector.load %arg0[%get3A_8, %get3A_9] : memref<10000x128xf32, #tpu.memory_space<vmem>>, vector<10000x128xf32>
    %get3A_11 = arith.constant 0 : index
    %get3A_12 = arith.constant 0 : index
    %get3A_13 = vector.load %arg1[%get3A_11, %get3A_12] : memref<128x128xf32, #tpu.memory_space<vmem>>, vector<128x128xf32>
    %dot_general3A = arith.constant dense<0.000000e+00> : vector<10000x128xf32>
    %dot_general3A_14 = tpu.matmul %get3A_10, %get3A_13, %dot_general3A {dimension_numbers = #tpu.dot_dimension_numbers<[1], [0], [0], [1], [0, 0, 1, 1], [], []>, transpose_lhs_hint = false} : vector<10000x128xf32>, vector<128x128xf32>, vector<10000x128xf32> -> vector<10000x128xf32>
    %mul3A = vector.broadcast %slice3A : vector<10000x1xf32> to vector<10000x128xf32>
    %mul3A_15 = arith.mulf %dot_general3A_14, %mul3A : vector<10000x128xf32>
    %slice3A_16 = vector.extract_strided_slice %mul3A_15 {offsets = [0, 0], sizes = [10000, 64], strides = [1, 1]} : vector<10000x128xf32> to vector<10000x64xf32>
    %swap3A = arith.constant 0 : index
    %swap3A_17 = arith.constant 0 : index
    %swap3A_18 = vector.load %arg3[%swap3A, %swap3A_17] : memref<10000x64xf32, #tpu.memory_space<vmem>>, vector<10000x64xf32>
    tpu.vector_store %arg3[%swap3A, %swap3A_17], %slice3A_16 {strides = array<i32>} : memref<10000x64xf32, #tpu.memory_space<vmem>>, vector<10000x64xf32>,
    %slice3A_19 = vector.extract_strided_slice %mul3A_15 {offsets = [0, 64], sizes = [10000, 64], strides = [1, 1]} : vector<10000x128xf32> to vector<10000x64xf32>
    %swap3A_20 = arith.constant 0 : index
    %swap3A_21 = arith.constant 0 : index
    %swap3A_22 = vector.load %arg4[%swap3A_20, %swap3A_21] : memref<10000x64xf32, #tpu.memory_space<vmem>>, vector<10000x64xf32>
    tpu.vector_store %arg4[%swap3A_20, %swap3A_21], %slice3A_19 {strides = array<i32>} : memref<10000x64xf32, #tpu.memory_space<vmem>>, vector<10000x64xf32>,
    %swap3A_23 = arith.constant 0 : index
    %swap3A_24 = arith.constant 0 : index
    %swap3A_25 = vector.load %arg5[%swap3A_23, %swap3A_24] : memref<10000x1xf32, #tpu.memory_space<vmem>>, vector<10000x1xf32>
    tpu.vector_store %arg5[%swap3A_23, %swap3A_24], %slice3A {strides = array<i32>} : memref<10000x1xf32, #tpu.memory_space<vmem>>, vector<10000x1xf32>,
    return
  }
}

module attributes {stable_mosaic.version = 14 : i64} {
  func.func @_tc2_body(%arg0: memref<2x10240x64xf32, #tpu.memory_space<vmem>>, %arg1: memref<2x10240x64xf32, #tpu.memory_space<vmem>>, %arg2: memref<10000x64xf32, #tpu.memory_space<vmem>>, %arg3: memref<10000x64xf32, #tpu.memory_space<vmem>>, %arg4: memref<10000x1xf32, #tpu.memory_space<vmem>>, %arg5: memref<1x128xf32, #tpu.memory_space<vmem>>, %arg6: memref<1x128xf32, #tpu.memory_space<vmem>>, %arg7: memref<1x128xf32, #tpu.memory_space<vmem>>, %arg8: memref<1x128xf32, #tpu.memory_space<vmem>>, %arg9: memref<1x128xf32, #tpu.memory_space<vmem>>, %arg10: memref<128x64xf32, #tpu.memory_space<vmem>>, %arg11: memref<10000x64xf32, #tpu.memory_space<vmem>>) attributes {dimension_semantics = [], scalar_prefetch = 0 : i64, scratch_operands = 0 : i64, tpu.core_type = #tpu.core_type<tc>} {
    %get3A = arith.constant 0 : index
    %get3A_0 = arith.constant 0 : index
    %get3A_1 = vector.load %arg4[%get3A, %get3A_0] : memref<10000x1xf32, #tpu.memory_space<vmem>>, vector<10000x1xf32>
    %get3A_2 = arith.constant 0 : index
    %get3A_3 = arith.constant 0 : index
    %get3A_4 = arith.constant 0 : index
    %get3A_5 = vector.load %arg0[%get3A_2, %get3A_3, %get3A_4] : memref<2x10240x64xf32, #tpu.memory_space<vmem>>, vector<1x10000x64xf32>
    %get3A_6 = vector.shape_cast %get3A_5 : vector<1x10000x64xf32> to vector<10000x64xf32>
    %get3A_7 = arith.constant 1 : index
    %get3A_8 = arith.constant 0 : index
    %get3A_9 = arith.constant 0 : index
    %get3A_10 = vector.load %arg0[%get3A_7, %get3A_8, %get3A_9] : memref<2x10240x64xf32, #tpu.memory_space<vmem>>, vector<1x10000x64xf32>
    %get3A_11 = vector.shape_cast %get3A_10 : vector<1x10000x64xf32> to vector<10000x64xf32>
    %add3A = arith.addf %get3A_6, %get3A_11 : vector<10000x64xf32>
    %get3A_12 = arith.constant 0 : index
    %get3A_13 = arith.constant 0 : index
    %get3A_14 = vector.load %arg2[%get3A_12, %get3A_13] : memref<10000x64xf32, #tpu.memory_space<vmem>>, vector<10000x64xf32>
    %add3A_15 = arith.addf %add3A, %get3A_14 : vector<10000x64xf32>
    %get3A_16 = arith.constant 0 : index
    %get3A_17 = arith.constant 0 : index
    %get3A_18 = arith.constant 0 : index
    %get3A_19 = vector.load %arg1[%get3A_16, %get3A_17, %get3A_18] : memref<2x10240x64xf32, #tpu.memory_space<vmem>>, vector<1x10000x64xf32>
    %get3A_20 = vector.shape_cast %get3A_19 : vector<1x10000x64xf32> to vector<10000x64xf32>
    %get3A_21 = arith.constant 1 : index
    %get3A_22 = arith.constant 0 : index
    %get3A_23 = arith.constant 0 : index
    %get3A_24 = vector.load %arg1[%get3A_21, %get3A_22, %get3A_23] : memref<2x10240x64xf32, #tpu.memory_space<vmem>>, vector<1x10000x64xf32>
    %get3A_25 = vector.shape_cast %get3A_24 : vector<1x10000x64xf32> to vector<10000x64xf32>
    %add3A_26 = arith.addf %get3A_20, %get3A_25 : vector<10000x64xf32>
    %get3A_27 = arith.constant 0 : index
    %get3A_28 = arith.constant 0 : index
    %get3A_29 = vector.load %arg3[%get3A_27, %get3A_28] : memref<10000x64xf32, #tpu.memory_space<vmem>>, vector<10000x64xf32>
    %add3A_30 = arith.addf %add3A_26, %get3A_29 : vector<10000x64xf32>
    %concatenate3A = tpu.concatenate %add3A_15, %add3A_30 in 1 : vector<10000x64xf32>, vector<10000x64xf32> -> vector<10000x128xf32>
    %mul3A = vector.broadcast %get3A_1 : vector<10000x1xf32> to vector<10000x128xf32>
    %mul3A_31 = arith.mulf %mul3A, %concatenate3A : vector<10000x128xf32>
    %get3A_32 = arith.constant 0 : index
    %get3A_33 = arith.constant 0 : index
    %get3A_34 = vector.load %arg5[%get3A_32, %get3A_33] : memref<1x128xf32, #tpu.memory_space<vmem>>, vector<1x128xf32>
    %add3A_35 = vector.broadcast %get3A_34 : vector<1x128xf32> to vector<10000x128xf32>
    %add3A_36 = arith.addf %mul3A_31, %add3A_35 : vector<10000x128xf32>
    %get3A_37 = arith.constant 0 : index
    %get3A_38 = arith.constant 0 : index
    %get3A_39 = vector.load %arg9[%get3A_37, %get3A_38] : memref<1x128xf32, #tpu.memory_space<vmem>>, vector<1x128xf32>
    %add3A_40 = arith.constant 9.99999974E-6 : f32
    %add3A_41 = vector.broadcast %add3A_40 : f32 to vector<1x128xf32>
    %add3A_42 = arith.addf %get3A_39, %add3A_41 : vector<1x128xf32>
    %rsqrt3A = math.rsqrt %add3A_42 : vector<1x128xf32>
    %get3A_43 = arith.constant 0 : index
    %get3A_44 = arith.constant 0 : index
    %get3A_45 = vector.load %arg6[%get3A_43, %get3A_44] : memref<1x128xf32, #tpu.memory_space<vmem>>, vector<1x128xf32>
    %mul3A_46 = arith.mulf %rsqrt3A, %get3A_45 : vector<1x128xf32>
    %mul3A_47 = vector.broadcast %mul3A_46 : vector<1x128xf32> to vector<10000x128xf32>
    %mul3A_48 = arith.mulf %add3A_36, %mul3A_47 : vector<10000x128xf32>
    %get3A_49 = arith.constant 0 : index
    %get3A_50 = arith.constant 0 : index
    %get3A_51 = vector.load %arg7[%get3A_49, %get3A_50] : memref<1x128xf32, #tpu.memory_space<vmem>>, vector<1x128xf32>
    %get3A_52 = arith.constant 0 : index
    %get3A_53 = arith.constant 0 : index
    %get3A_54 = vector.load %arg8[%get3A_52, %get3A_53] : memref<1x128xf32, #tpu.memory_space<vmem>>, vector<1x128xf32>
    %mul3A_55 = arith.mulf %get3A_54, %mul3A_46 : vector<1x128xf32>
    %sub3A = arith.subf %get3A_51, %mul3A_55 : vector<1x128xf32>
    %add3A_56 = vector.broadcast %sub3A : vector<1x128xf32> to vector<10000x128xf32>
    %add3A_57 = arith.addf %mul3A_48, %add3A_56 : vector<10000x128xf32>
    %max3A = arith.constant 0.000000e+00 : f32
    %max3A_58 = vector.broadcast %max3A : f32 to vector<10000x128xf32>
    %max3A_59 = arith.maximumf %add3A_57, %max3A_58 : vector<10000x128xf32>
    %get3A_60 = arith.constant 0 : index
    %get3A_61 = arith.constant 0 : index
    %get3A_62 = vector.load %arg10[%get3A_60, %get3A_61] : memref<128x64xf32, #tpu.memory_space<vmem>>, vector<128x64xf32>
    %dot_general3A = arith.constant dense<0.000000e+00> : vector<10000x64xf32>
    %dot_general3A_63 = tpu.matmul %max3A_59, %get3A_62, %dot_general3A {dimension_numbers = #tpu.dot_dimension_numbers<[1], [0], [0], [1], [0, 0, 1, 1], [], []>, transpose_lhs_hint = false} : vector<10000x128xf32>, vector<128x64xf32>, vector<10000x64xf32> -> vector<10000x64xf32>
    %mul3A_64 = vector.broadcast %get3A_1 : vector<10000x1xf32> to vector<10000x64xf32>
    %mul3A_65 = arith.mulf %dot_general3A_63, %mul3A_64 : vector<10000x64xf32>
    %swap3A = arith.constant 0 : index
    %swap3A_66 = arith.constant 0 : index
    %swap3A_67 = vector.load %arg11[%swap3A, %swap3A_66] : memref<10000x64xf32, #tpu.memory_space<vmem>>, vector<10000x64xf32>
    tpu.vector_store %arg11[%swap3A, %swap3A_66], %mul3A_65 {strides = array<i32>} : memref<10000x64xf32, #tpu.memory_space<vmem>>, vector<10000x64xf32>,
    return
  }
}

module attributes {stable_mosaic.version = 14 : i64} {
  func.func @_tc3_body(%arg0: memref<2x10240x64xf32, #tpu.memory_space<vmem>>, %arg1: memref<10000x64xf32, #tpu.memory_space<vmem>>, %arg2: memref<10000x1xf32, #tpu.memory_space<vmem>>, %arg3: memref<1x64xf32, #tpu.memory_space<vmem>>, %arg4: memref<16x64xf32, #tpu.memory_space<vmem>>, %arg5: memref<1x1xf32, #tpu.memory_space<vmem>>, %arg6: memref<10000x64xf32, #tpu.memory_space<vmem>>, %arg7: memref<10000x16xf32, #tpu.memory_space<vmem>>) attributes {dimension_semantics = [], scalar_prefetch = 0 : i64, scratch_operands = 0 : i64, tpu.core_type = #tpu.core_type<tc>} {
    %get3A = arith.constant 0 : index
    %get3A_0 = arith.constant 0 : index
    %get3A_1 = vector.load %arg2[%get3A, %get3A_0] : memref<10000x1xf32, #tpu.memory_space<vmem>>, vector<10000x1xf32>
    %get3A_2 = arith.constant 0 : index
    %get3A_3 = arith.constant 0 : index
    %get3A_4 = arith.constant 0 : index
    %get3A_5 = vector.load %arg0[%get3A_2, %get3A_3, %get3A_4] : memref<2x10240x64xf32, #tpu.memory_space<vmem>>, vector<1x10000x64xf32>
    %get3A_6 = vector.shape_cast %get3A_5 : vector<1x10000x64xf32> to vector<10000x64xf32>
    %get3A_7 = arith.constant 1 : index
    %get3A_8 = arith.constant 0 : index
    %get3A_9 = arith.constant 0 : index
    %get3A_10 = vector.load %arg0[%get3A_7, %get3A_8, %get3A_9] : memref<2x10240x64xf32, #tpu.memory_space<vmem>>, vector<1x10000x64xf32>
    %get3A_11 = vector.shape_cast %get3A_10 : vector<1x10000x64xf32> to vector<10000x64xf32>
    %add3A = arith.addf %get3A_6, %get3A_11 : vector<10000x64xf32>
    %get3A_12 = arith.constant 0 : index
    %get3A_13 = arith.constant 0 : index
    %get3A_14 = vector.load %arg1[%get3A_12, %get3A_13] : memref<10000x64xf32, #tpu.memory_space<vmem>>, vector<10000x64xf32>
    %add3A_15 = arith.addf %add3A, %get3A_14 : vector<10000x64xf32>
    %mul3A = vector.broadcast %get3A_1 : vector<10000x1xf32> to vector<10000x64xf32>
    %mul3A_16 = arith.mulf %mul3A, %add3A_15 : vector<10000x64xf32>
    %get3A_17 = arith.constant 0 : index
    %get3A_18 = arith.constant 0 : index
    %get3A_19 = vector.load %arg3[%get3A_17, %get3A_18] : memref<1x64xf32, #tpu.memory_space<vmem>>, vector<1x64xf32>
    %add3A_20 = vector.broadcast %get3A_19 : vector<1x64xf32> to vector<10000x64xf32>
    %add3A_21 = arith.addf %mul3A_16, %add3A_20 : vector<10000x64xf32>
    %swap3A = arith.constant 0 : index
    %swap3A_22 = arith.constant 0 : index
    %swap3A_23 = vector.load %arg6[%swap3A, %swap3A_22] : memref<10000x64xf32, #tpu.memory_space<vmem>>, vector<10000x64xf32>
    tpu.vector_store %arg6[%swap3A, %swap3A_22], %add3A_21 {strides = array<i32>} : memref<10000x64xf32, #tpu.memory_space<vmem>>, vector<10000x64xf32>,
    %get3A_24 = arith.constant 0 : index
    %get3A_25 = arith.constant 0 : index
    %get3A_26 = vector.load %arg4[%get3A_24, %get3A_25] : memref<16x64xf32, #tpu.memory_space<vmem>>, vector<16x64xf32>
    %dot_general3A = arith.constant dense<0.000000e+00> : vector<10000x16xf32>
    %dot_general3A_27 = tpu.matmul %add3A_21, %get3A_26, %dot_general3A {dimension_numbers = #tpu.dot_dimension_numbers<[1], [1], [0], [0], [0, 0, 1, 0], [], []>, transpose_lhs_hint = false} : vector<10000x64xf32>, vector<16x64xf32>, vector<10000x16xf32> -> vector<10000x16xf32>
    %get3A_28 = arith.constant 0 : index
    %get3A_29 = arith.constant 0 : index
    %get3A_30 = vector.load %arg5[%get3A_28, %get3A_29] : memref<1x1xf32, #tpu.memory_space<vmem>>, vector<1x1xf32>
    %div3A = vector.broadcast %get3A_30 : vector<1x1xf32> to vector<10000x16xf32>
    %div3A_31 = arith.divf %dot_general3A_27, %div3A : vector<10000x16xf32>
    %reduce_max3A = arith.constant dense<0xFF800000> : vector<10000xf32>
    %reduce_max3A_32 = vector.multi_reduction <maximumf>, %div3A_31, %reduce_max3A [1] : vector<10000x16xf32> to vector<10000xf32>
    %broadcast_in_dim3A = vector.shape_cast %reduce_max3A_32 : vector<10000xf32> to vector<10000x1xf32>
    %sub3A = vector.broadcast %broadcast_in_dim3A : vector<10000x1xf32> to vector<10000x16xf32>
    %sub3A_33 = arith.subf %div3A_31, %sub3A : vector<10000x16xf32>
    %exp3A = math.exp %sub3A_33 : vector<10000x16xf32>
    %reduce_sum3A = arith.constant dense<0.000000e+00> : vector<10000xf32>
    %reduce_sum3A_34 = vector.multi_reduction <add>, %exp3A, %reduce_sum3A [1] : vector<10000x16xf32> to vector<10000xf32>
    %broadcast_in_dim3A_35 = vector.shape_cast %reduce_sum3A_34 : vector<10000xf32> to vector<10000x1xf32>
    %div3A_36 = vector.broadcast %broadcast_in_dim3A_35 : vector<10000x1xf32> to vector<10000x16xf32>
    %div3A_37 = arith.divf %exp3A, %div3A_36 : vector<10000x16xf32>
    %swap3A_38 = arith.constant 0 : index
    %swap3A_39 = arith.constant 0 : index
    %swap3A_40 = vector.load %arg7[%swap3A_38, %swap3A_39] : memref<10000x16xf32, #tpu.memory_space<vmem>>, vector<10000x16xf32>
    tpu.vector_store %arg7[%swap3A_38, %swap3A_39], %div3A_37 {strides = array<i32>} : memref<10000x16xf32, #tpu.memory_space<vmem>>, vector<10000x16xf32>,
    return
  }
}

</mosaic_0001>

<sc_bundles>
// kernel: kernel.12.cloned.1.call-start
scs
__scs_entry_jumppad:
0x0: {  	(pc) =	sbr.rel $0x88, $3  }
0x1: {  	(tag) =	ssettag $0x0;
	lr =	simm.s32 $0x1  }
0x2: {  	[smem:$0x3F95] =	sst lr;
	_ =	strace $0xD0000000  }
0x3: {  	_ = 	snop  }
0x4: {  	_ = 	snop  }
0x5: {  	_ = 	snop  }
0x6: {  	_ = 	snop  }
0x7: {  	_ = 	snop  }
__scs_overlays_trampoline_lowered:
0x8: {  	[smem:$0x3FA4] =	sst s0  }
0x9: {  	[smem:$0x3FA5] =	sst s1  }
0xa: {  	[smem:$0x3FA6] =	sst s2  }
0xb: {  	[smem:$0x3FA7] =	sst s3  }
0xc: {  	[smem:$0x3FA8] =	sst s4  }
0xd: {  	[smem:$0x3FA9] =	sst s5  }
0xe: {  	[smem:$0x3FAA] =	sst s6  }
0xf: {  	[smem:$0x3FAB] =	sst s7  }
0x10: {  	[smem:$0x3FAC] =	sst s8  }
0x11: {  	[smem:$0x3FAD] =	sst s9;
	s0 =	simm.s32 @!p0 $0x0  }
0x12: {  	s1 =	sld [smem:$0x3F93];
	s0 =	simm.s32 @p0 $0x1  }
0x13: {  	[smem:$0x3FAE] =	sst s0;
	s0 =	simm.s32 @!p1 $0x0  }
0x14: {  	s2 =	sld [smem:$0x3F92];
	s0 =	simm.s32 @p1 $0x1  }
0x15: {  	[smem:$0x3FAF] =	sst s0;
	s0 =	simm.s32 @!p2 $0x0  }
0x16: {  	s3 =	sld [smem:$0x3FDB];
	s0 =	simm.s32 @p2 $0x1  }
0x17: {  	s4 =	simm.s32 $0x1BF5;
	[smem:$0x3FB1] =	sst s0  }
0x18: {  	s0 =	sld [smem:$0x3F94];
	_ =	swait.ge [sflag:s4], $0x0  }
0x19: {  	s7 =	sld [smem:$0x3F95]  }
0x1a: {  	s8 =	sadd.s32 $0xFFFFE003, lr  }
0x1b: {  	s9 =	sadd.s32 $0xFFFFFEF7, lr;
	s5 =	simm.s32 $0xFFFFFFFF;
	p2 =	slt.u32 s8, $0xFFFFF086  }
0x1c: {  	p1 =	slt.u32 s9, $0xF7A;
	s5 =	simm.s32 @!p2 $0x0  }
0x1d: {  	s5 =	simm.s32 @p1 $0x1;
	p0 =	seq.s32 s7, s2  }
0x1e: {  	s7 =	smul.u32 @!p0 $0xF7A, s2;
	p2 =	seq.s32 @!p0 s5, $0x0  }
0x1f: {  	s9 =	smul.u32 $0xF7A, s1;
	s8 =	simm.s32 @!p0 $0x1BF5;
	p2 =	por !p2, p0  }
0x20: {  	[sflag:s8] =	ssyncset.s32 @!p0 $0xFFFFF086;
	s6 =	sadd.s32 @!p0 s3, s7;
	s7 =	simm.s32 @!p0 $0x108  }
0x21: {  	s3 =	sadd.s32 s3, s9;
	s6 =	sadd.s32 @!p0 $0x88, s6;
	s7 =	simm.s32 @p2 $0x1082  }
0x22: {  	[simem:s7], [sflag:s8] =	dma.local @!p0 [hbm:s6], $0xF7A  }
0x23: {  	s9 =	sor.u32 $0xD0000000, s2;
	s6 =	simm.s32 $0x108;
	_ =	swait.ge @!p0 [sflag:s8], $0x0  }
0x24: {  	s3 =	sadd.s32 $0x88, s3;
	s6 =	simm.s32 @!p1 $0x1082;
	[sflag:s4] =	ssyncset.s32 $0xFFFFF086  }
0x25: {  	[simem:s6], [sflag:s4] =	dma.local [hbm:s3], $0xF7A  }
0x26: {  	[smem:$0x3F95] =	sst s1;
	(tag) =	ssettag s2;
	_ =	strace s9  }
0x27: {  	s1 =	sld [smem:$0x3FA5]  }
0x28: {  	s2 =	sld [smem:$0x3FA6]  }
0x29: {  	s4 =	sld [smem:$0x3FA8]  }
0x2a: {  	p0 =	seq.s32 s5, $0x0;
	s5 =	sld [smem:$0x3FA9]  }
0x2b: {  	s6 =	sld [smem:$0x3FAA]  }
0x2c: {  	s7 =	sld [smem:$0x3FAB]  }
0x2d: {  	s3 =	simm.s32 $0x108;
	s8 =	sld [smem:$0x3FAC]  }
0x2e: {  	s3 =	simm.s32 @!p0 $0x1082;
	s9 =	sld [smem:$0x3FAD]  }
0x2f: {  	lr =	sadd.s32 s0, s3;
	s0 =	sld [smem:$0x3FA4]  }
0x30: {  	s3 =	sld [smem:$0x3FA7]  }
0x31: {  	[smem:$0x3FB0] =	sst s10  }
0x32: {  	s10 =	sld [smem:$0x3FAE];
	_ =	sdelay $0x3  }
0x33: {  	p0 =	seq.s32 s10, $0x1;
	s10 =	sld [smem:$0x3FB0];
	_ =	sdelay $0x3  }
0x34: {  	[smem:$0x3FB0] =	sst s10  }
0x35: {  	s10 =	sld [smem:$0x3FAF];
	_ =	sdelay $0x3  }
0x36: {  	p1 =	seq.s32 s10, $0x1;
	s10 =	sld [smem:$0x3FB0];
	_ =	sdelay $0x3  }
0x37: {  	[smem:$0x3FB0] =	sst s10  }
0x38: {  	s10 =	sld [smem:$0x3FB1]  }
0x39: {  	_ = 	snop;
	(pc) =	sbr.ind lr, $3  }
0x3a: {  	_ = 	snop  }
0x3b: {  	_ = 	snop  }
0x3c: {  	p2 =	seq.s32 s10, $0x1;
	s10 =	sld [smem:$0x3FB0]  }
0x3d: {  	_ =	shalt  }
0x3e: {  	_ =	shalt  }
0x3f: {  	_ =	shalt  }
0x40: {  	_ =	shalt  }
0x41: {  	_ =	shalt  }
0x42: {  	_ =	shalt  }
0x43: {  	_ =	shalt  }
0x44: {  	_ =	shalt  }
0x45: {  	_ =	shalt  }
0x46: {  	_ =	shalt  }
0x47: {  	_ =	shalt  }
0x48: {  	_ =	shalt  }
0x49: {  	_ =	shalt  }
0x4a: {  	_ =	shalt  }
0x4b: {  	_ =	shalt  }
0x4c: {  	_ =	shalt  }
0x4d: {  	_ =	shalt  }
0x4e: {  	_ =	shalt  }
0x4f: {  	_ =	shalt  }
0x50: {  	_ =	shalt  }
0x51: {  	_ =	shalt  }
0x52: {  	_ =	shalt  }
0x53: {  	_ =	shalt  }
0x54: {  	_ =	shalt  }
0x55: {  	_ =	shalt  }
0x56: {  	_ =	shalt  }
0x57: {  	_ =	shalt  }
0x58: {  	_ =	shalt  }
0x59: {  	_ =	shalt  }
0x5a: {  	_ =	shalt  }
0x5b: {  	_ =	shalt  }
0x5c: {  	_ =	shalt  }
0x5d: {  	_ =	shalt  }
0x5e: {  	_ =	shalt  }
0x5f: {  	_ =	shalt  }
0x60: {  	_ =	shalt  }
0x61: {  	_ =	shalt  }
0x62: {  	_ =	shalt  }
0x63: {  	_ =	shalt  }
0x64: {  	_ =	shalt  }
0x65: {  	_ =	shalt  }
0x66: {  	_ =	shalt  }
0x67: {  	_ =	shalt  }
0x68: {  	_ =	shalt  }
0x69: {  	_ =	shalt  }
0x6a: {  	_ =	shalt  }
0x6b: {  	_ =	shalt  }
0x6c: {  	_ =	shalt  }
0x6d: {  	_ =	shalt  }
0x6e: {  	_ =	shalt  }
0x6f: {  	_ =	shalt  }
0x70: {  	_ =	shalt  }
0x71: {  	_ =	shalt  }
0x72: {  	_ =	shalt  }
0x73: {  	_ =	shalt  }
0x74: {  	_ =	shalt  }
0x75: {  	_ =	shalt  }
0x76: {  	_ =	shalt  }
0x77: {  	_ =	shalt  }
0x78: {  	_ =	shalt  }
0x79: {  	_ =	shalt  }
0x7a: {  	_ =	shalt  }
0x7b: {  	_ =	shalt  }
0x7c: {  	_ =	shalt  }
0x7d: {  	_ =	shalt  }
0x7e: {  	_ =	shalt  }
0x7f: {  	_ =	shalt  }
0x80: {  	_ =	shalt  }
0x81: {  	_ =	shalt  }
0x82: {  	_ =	shalt  }
0x83: {  	_ =	shalt  }
0x84: {  	_ =	shalt  }
0x85: {  	_ =	shalt  }
0x86: {  	_ =	shalt  }
0x87: {  	_ =	shalt  }
.Lfunc_end0:
.L_simem_size_0:
called_computation.1_lowered:
.L_overlay_start_0:
0x88: {  	s2 =	sld [smem:$0x3FD9]  }
0x89: {  	s3 =	sld [smem:$0x3FFE];
	_ =	sdelay $0x1  }
0x8a: {  	s1 =	srdreg.scid  }
0x8b: {  	s0 =	sand.u32 $0x1, s1  }
0x8c: {  	s15 =	sshll.u32 s0, $0xA;
	s2 =	sadd.s32 s3, s2  }
0x8d: {  	s2 =	sadd.s32 s2, s15  }
0x8e: {  	[smem:$0x3FBC] =	sst s2  }
0x8f: {  	_ = 	snop  }
0x90: {  	s2 =	sld [smem:$0x3FD0];
	_ =	sdelay $0x2  }
0x91: {  	s16 =	simm.s32 $0xB;
	s4 =	simm.s32 $0x10  }
0x92: {  	[smem:s4], [sflag:s16] =	dma.local [hbm:s2], $0x1  }
0x93: {  	_ =	swait.eq [sflag:s16], $0x1  }
0x94: {  	[sflag:s16] =	ssyncset.done $0x0  }
0x95: {  	[sflag:s16] =	ssyncadd.s32 $0xFFFFFFFF  }
0x96: {  	s17 =	sld [smem:$0x10];
	(tm) =	ssettm $0x1  }
0x97: {  	s18 =	sld [smem:$0x3FFB];
	_ =	sdelay $0x3  }
0x98: {  	_ =	strace s18  }
0x99: {  	s2 =	sld [smem:$0x3FFC];
	_ =	sdelay $0x3  }
0x9a: {  	_ =	strace s2  }
0x9b: {  	s2 =	sld [smem:$0x3FFD];
	_ =	sdelay $0x3  }
0x9c: {  	_ =	strace s2  }
0x9d: {  	_ =	strace $0x8FFFFFFF  }
0x9e: {  	s19 =	sld [smem:$0x3FDB];
	_ =	sdelay $0x1  }
0x9f: {  	s20 =	simm.s32 $_scs_section_size  }
0xa0: {  	s5 =	simm.s32 $_size__tile_overlayer_lowered;
	s6 =	simm.s32 $_tile_overlayer_lowered  }
0xa1: {  	s7 =	simm.s32 $0x1BFF;
	s21 =	sshll.u32 s6, $0x1;
	s4 =	sadd.s32 s20, s19  }
0xa2: {  	s22 =	simm.s32 $0x0;
	s5 =	sshll.u32 s5, $0x1;
	s6 =	sadd.s32 s21, s4  }
0xa3: {  	[timem:s22], [sflag:s7] =	dma.local [hbm:s6], s5  }
0xa4: {  	_ =	swait.ge [sflag:s7], s5  }
0xa5: {  	s5 =	ssub.s32 $0x0, s5;
	[sflag:s7] =	ssyncset.done $0x0  }
0xa6: {  	[sflag:s7] =	ssyncadd.s32 s5;
	_ =	sdelay $0x1  }
0xa7: {  	s23 =	simm.s32 $0x1B8B  }
0xa8: {  	_ =	swait.ge [sflag:s23], $0x1  }
0xa9: {  	[sflag:s23] =	ssyncset.done $0x0  }
0xaa: {  	[sflag:s23] =	ssyncadd.s32 $0xFFFFFFFF  }
0xab: {  	s5 =	sld [smem:$0x0]  }
0xac: {  	s6 =	sand.u32 $0xFFFFFFFE, s1  }
0xad: {  	p0 =	sne.s32 s1, s6  }
0xae: {  	s6 =	sshll.u32 @p0 s6, $0xE  }
0xaf: {  	s6 =	sadd.s32 @p0 $0x11B8D, s6;
	s7 =	sshll.u32 @p0 s5, $0x11  }
0xb0: {  	s6 =	sor.u32 @p0 s7, s6  }
0xb1: {  	[sflag:s6] =	ssyncadd.remote.s32 @p0 $0x1;
	_ =	sdelay $0x1  }
0xb2: {  	s6 =	simm.s32 @p0 $0x1B8D  }
0xb3: {  	_ =	swait.eq @p0 [sflag:s6], $0x1  }
0xb4: {  	[sflag:s6] =	ssyncadd.s32 @p0 $0xFFFFFFFF  }
0xb5: {  	s7 =	sshll.u32 @!p0 s1, $0xE  }
0xb6: {  	s7 =	sor.u32 @!p0 $0x4000, s7;
	s6 =	simm.s32 @!p0 $0x1B8D  }
0xb7: {  	s5 =	sshll.u32 @!p0 s5, $0x11;
	s7 =	sadd.s32 @!p0 $0x11B8D, s7;
	_ =	swait.eq @!p0 [sflag:s6], $0x1  }
0xb8: {  	s5 =	sor.u32 @!p0 s5, s7;
	[sflag:s6] =	ssyncadd.s32 @!p0 $0xFFFFFFFF  }
0xb9: {  	s25 =	simm.s32 $0x1B8E;
	s24 =	sld [smem:$0x3FFE];
	[sflag:s5] =	ssyncadd.remote.s32 @!p0 $0x1  }
0xba: {  	s26 =	simm.s32 $execute0_lowered;
	[smem:$0x3FD2] =	sst s25  }
0xbb: {  	s6 =	sshll.u32 s26, $0x1;
	_ =	strace $0x8000004C;
	[dreg:$0x1] =	wrdreg $0xFFFFFFFF  }
0xbc: {  	s28 =	simm.s32 $_size_execute0_lowered;
	s4 =	sadd.s32 s4, s6;
	[dreg:$0x0] =	wrdreg $0x0  }
0xbd: {  	s6 =	sshll.u32 s28, $0x1;
	[dreg:$0x2] =	wrdreg s4  }
0xbe: {  	[dreg:$0x3] =	wrdreg s6  }
0xbf: {  	[dreg:$0x4] =	wrdreg $0xC0  }
0xc0: {  	_ =	task [dreg:s22], $0x5FFFF  }
0xc1: {  	[dreg:$0x1] =	wrdreg $0xFFFFFFFF  }
0xc2: {  	[dreg:$0x0] =	wrdreg $0x60  }
0xc3: {  	[dreg:$0x2] =	wrdreg s17  }
0xc4: {  	[dreg:$0x3] =	wrdreg s24  }
0xc5: {  	[dreg:$0x4] =	wrdreg $0x7F000  }
0xc6: {  	[dreg:$0x5] =	wrdreg $0x9  }
0xc7: {  	_ =	task.clear_ibuf [dreg:s22], $0x6FFFF;
	_ =	strace $0x9000004C  }
0xc8: {  	s29 =	simm.s32 $0x9;
	_ =	strace $0x8000004E  }
0xc9: {  	_ =	swait.ge [sflag:s29], $0x1  }
0xca: {  	[sflag:s29] =	ssyncadd.s32 $0xFFFFFFFF  }
0xcb: {  	_ =	strace $0x9000004E  }
0xcc: {  	_ =	sfence  }
0xcd: {  	s30 =	sld [smem:$0x0];
	_ =	sdelay $0x2  }
0xce: {  	s31 =	sshll.u32 s1, $0xD;
	s1 =	sshrl.u32 s1, $0x2  }
0xcf: {  	s4 =	sand.u32 $0x4000, s31;
	s1 =	sadd.s32 s1, s30  }
0xd0: {  	s0 =	sor.u32 s4, s0;
	s1 =	sshll.u32 s1, $0x11  }
0xd1: {  	s0 =	sor.u32 s1, s0  }
0xd2: {  	s0 =	sadd.s32 $0x8F2B, s0  }
0xd3: {  	[sflag:s0] =	ssyncadd.remote.s32 $0x1  }
0xd4: {  	_ =	sfence.sel $0xFFFF  }
0xd5: {  	[dreg:$0x0] =	wrdreg $0xFFFFFFFF;
	(pc) =	sbr.abs _section_cstart, $3  }
0xd6: {  	[dreg:$0x1] =	wrdreg $0xFFFFFFFF  }
0xd7: {  	_ =	task.clear_ibuf [dreg:s22], $0x2FFFF;
	_ =	strace $0x9FFFFFFF  }
0xd8: {  	(tm) =	ssettm $0x7FFFFFFF  }
0xd9: {  	_ =	shalt  }
tec
execute0_lowered:
.L_overlay_start_1:
0x0: {  	(tag) =	ssettag $0x1  }
0x1: {  	s1 =	rddreg [dreg:$0x0]  }
0x2: {  	s5 =	rddreg [dreg:$0x1]  }
0x3: {  	s3 =	rddreg [dreg:$0x2]  }
0x4: {  	s0 =	rddreg [dreg:$0x3];
	s6 =	srdreg.scid  }
0x5: {  	s2 =	stileid.u32;
	s4 =	simm.s32 $0x0;
	s15 =	simm.s32 $0x3  }
0x6: {  	s16 =	simm.s32 $0x2F80;
	s17 =	simm.s32 $0x5F00;
	s18 =	simm.s32 $0x80  }
0x7: {  	s19 =	simm.s32 $0x1;
	s20 =	simm.s32 $0x2;
	s8 =	smul.u32 $0xA000, s2  }
0x8: {  	s21 =	simm.s32 $0x0;
	s6 =	sand.u32 $0x1, s6;
	s12 =	smul.u32 $0x28000, s2  }
0x9: {  	[smem:$0x7FF] =	sst s4;
	s7 =	sshll.u32 s6, $0x4;
	s9 =	smul.u32 $0xA0000, s6  }
0xa: {  	_ =	strace $0x8000004D;
	s10 =	ssub.s32 $0x2, s6;
	p0 =	seq.s32 s6, $0x0  }
0xb: {  	s7 =	sor.u32 s2, s7;
	s11 =	sshrl.u32 s10, $0x1;
	s31 =	sshrl.u32 s12, $0x2  }
0xc: {  	s7 =	smul.u32 $0x5F0, s7;
	s9 =	sadd.s32 s8, s9;
	s14 =	ssub.s32 s10, s11  }
0xd: {  	s12 =	sadd.s32 s31, s3;
	s8 =	sadd.s32 s8, s3;
	s9 =	sshrl.u32 s9, $0x3  }
0xe: {  	s10 =	sadd.s32 $0x4000, s12;
	s11 =	sadd.s32 $0x6000, s12;
	s14 =	smax.u32 s14, $0x1  }
0xf: {  	s7 =	sadd.s32 s7, s5;
	s13 =	sadd.s32 s9, s5;
	s5 =	simm.s32 $0x5F  }
0x10: {  	s9 =	sadd.s32 $0x2000, s12;
	s12 =	sadd.s32 $0x8000, s12;
	s5 =	simm.s32 @!p0 $0x3F  }
0x11: {  	v0 =	vimm.f32 $0.0e+00;
	s6 =	sadd.s32 $0xF200, s7;
	s7 =	sadd.s32 $0x3400, s7;
	s13 =	sadd.s32 $0xA4E00, s13  }
.LBB2_1:
0x12: {  	[tilespmem:s4], [sflag:$0x3] =	stream.linear.gather [hbm4b:s6+s4], $0x2F80, $0x38;
	[tilespmem:$0x11F00] =	vst v63  }
0x13: {  	_ =	swait.ge [sflag:s15], $0x2F80  }
0x14: {  	[sflag:s15] =	ssyncset.done $0x0  }
0x15: {  	[sflag:s15] =	ssyncadd.s32 $0xFFFFD080  }
0x16: {  	[tilespmem:s16], [sflag:$0x3] =	stream.linear.gather [hbm4b:s7+s4], $0x2F80, $0x38;
	[tilespmem:$0x11F00] =	vst v63  }
0x17: {  	s22 =	sand.u32 $0x7F00, s4;
	s23 =	sand.u32 $0x30, s4;
	_ =	swait.ge [sflag:s15], $0x2F80  }
0x18: {  	s24 =	sshrl.u32 s22, $0x2;
	s22 =	simm.s32 $0x40;
	[sflag:s15] =	ssyncset.done $0x0  }
0x19: {  	s24 =	sor.u32 s23, s24;
	s23 =	simm.s32 $0x0;
	[sflag:s15] =	ssyncadd.s32 $0xFFFFD080  }
.LBB2_2:
0x1a: {  	p0 =	sne.s32 s22, $0x7FC0  }
0x1b: {  	[tilespmem:s24+$0x5F00] =	vst v0;
	s23 =	sadd.s32 $0x10, s23;
	s24 =	smov.u32 s22;
	s22 =	sadd.s32 $0x40, s22  }
.Ltmp0:
0x1c: {  	(pc) =	sbr.rel @p0 .LBB2_2-.Ltmp0, $4  }
0x1d: {  	_ = 	snop  }
0x1e: {  	s24 =	sand.u32 $0x7F00, s24  }
0x1f: {  	s25 =	sand.u32 $0x30, s23;
	s24 =	sshrl.u32 s24, $0x2  }
0x20: {  	s24 =	sor.u32 s25, s24  }
0x21: {  	[tilespmem:s24+$0x5F00] =	vst v0  }
0x22: {  	[spmem:s8] =	stream.linear.scatter [tilespmem:s17], [sflag:$0x3], $0x2000, $0x38;
	[tilespmem:$0x11F00] =	vst v63  }
0x23: {  	_ =	swait.ge [sflag:s15], $0x2000  }
0x24: {  	[sflag:s15] =	ssyncset.done $0x0  }
0x25: {  	[sflag:s15] =	ssyncadd.s32 $0xFFFFE000  }
0x26: {  	[spmem:s9] =	stream.linear.scatter [tilespmem:s17], [sflag:$0x3], $0x2000, $0x38;
	[tilespmem:$0x11F00] =	vst v63  }
0x27: {  	_ =	swait.ge [sflag:s15], $0x2000  }
0x28: {  	[sflag:s15] =	ssyncset.done $0x0  }
0x29: {  	[sflag:s15] =	ssyncadd.s32 $0xFFFFE000  }
0x2a: {  	[spmem:s10] =	stream.linear.scatter [tilespmem:s17], [sflag:$0x3], $0x2000, $0x38;
	[tilespmem:$0x11F00] =	vst v63  }
0x2b: {  	_ =	swait.ge [sflag:s15], $0x2000  }
0x2c: {  	[sflag:s15] =	ssyncset.done $0x0  }
0x2d: {  	[sflag:s15] =	ssyncadd.s32 $0xFFFFE000  }
0x2e: {  	[spmem:s11] =	stream.linear.scatter [tilespmem:s17], [sflag:$0x3], $0x2000, $0x38;
	[tilespmem:$0x11F00] =	vst v63  }
0x2f: {  	_ =	swait.ge [sflag:s15], $0x2000  }
0x30: {  	[sflag:s15] =	ssyncset.done $0x0  }
0x31: {  	[sflag:s15] =	ssyncadd.s32 $0xFFFFE000  }
0x32: {  	[spmem:s12] =	stream.linear.scatter [tilespmem:s17], [sflag:$0x3], $0x2000, $0x38;
	[tilespmem:$0x11F00] =	vst v63  }
0x33: {  	_ =	swait.ge [sflag:s15], $0x2000  }
0x34: {  	[sflag:s15] =	ssyncset.done $0x0  }
0x35: {  	[sflag:s15] =	ssyncadd.s32 $0xFFFFE000  }
0x36: {  	s22 =	simm.s32 $0x0;
	[bflag:$0x0] =	sbarrier.arrive $0xFFFF  }
0x37: {  	[tilespmem:s17], [sflag:$0x1] =	stream.indirect.gather [hbm4b:s1+s18], $0x40, s22, s18, $0xb8;
	[tilespmem:$0x11F00] =	vst v63  }
0x38: {  	p0 =	sne.s32 s5, $0x1;
	_ =	swait.ge [sflag:s19], $0x2000  }
.Ltmp1:
0x39: {  	[sflag:s19] =	ssyncset.done $0x0;
	(pc) =	sbr.rel @!p0 .LBB2_5-.Ltmp1, $4  }
0x3a: {  	s23 =	simm.s32 $0x2F80;
	[sflag:s19] =	ssyncadd.s32 $0xFFFFE000  }
0x3b: {  	[spmem:s3] =	stream.indirect.scatter.add.f32 [tilespmem:s17], [sflag:$0x2], $0x40, s23, s18, $0xb8;
	[tilespmem:$0x11F00] =	vst v63  }
0x3c: {  	_ =	swait.ge [sflag:s20], $0x2000  }
0x3d: {  	s24 =	sadd.s32 $0xFFFFFFFF, s5;
	[sflag:s20] =	ssyncset.done $0x0  }
.LBB2_4:
0x3e: {  	[sflag:s20] =	ssyncadd.s32 $0xFFFFE000;
	s22 =	sadd.s32 $0x80, s22;
	s23 =	sadd.s32 $0x80, s23  }
0x3f: {  	[tilespmem:s17], [sflag:$0x1] =	stream.indirect.gather [hbm4b:s1+s18], $0x40, s22, s18, $0xb8;
	[tilespmem:$0x11F00] =	vst v63  }
0x40: {  	p0 =	sne.s32 s24, $0x1;
	s24 =	sadd.s32 $0xFFFFFFFF, s24;
	_ =	swait.ge [sflag:s19], $0x2000  }
.Ltmp2:
0x41: {  	[sflag:s19] =	ssyncset.done $0x0;
	(pc) =	sbr.rel @p0 .LBB2_4-.Ltmp2, $4  }
0x42: {  	[sflag:s19] =	ssyncadd.s32 $0xFFFFE000  }
0x43: {  	[spmem:s3] =	stream.indirect.scatter.add.f32 [tilespmem:s17], [sflag:$0x2], $0x40, s23, s18, $0xb8;
	[tilespmem:$0x11F00] =	vst v63  }
0x44: {  	_ =	swait.ge [sflag:s20], $0x2000  }
0x45: {  	[sflag:s20] =	ssyncset.done $0x0  }
.LBB2_5:
0x46: {  	[sflag:s20] =	ssyncadd.s32 $0xFFFFE000;
	s21 =	sadd.s32 $0x1, s21  }
0x47: {  	s22 =	sshll.u32 s2, $0x6;
	s23 =	sshrl.u32 s8, $0x3;
	p0 =	sne.s32 s21, s14  }
.Ltmp3:
0x48: {  	[bflag:$0x0] =	sbarrier.arrive $0xFFFF;
	s22 =	sor.u32 $0x1C03, s22;
	(pc) =	sbr.rel @p0 .LBB2_1-.Ltmp3, $4  }
0x49: {  	[hbm:s13], [sflag:s22] =	dma.local [spmem:s23], $0x1400  }
0x4a: {  	_ =	swait.ge [sflag:s15], $0x1400  }
0x4b: {  	[sflag:s15] =	ssyncset.done $0x0  }
0x4c: {  	[sflag:s15] =	ssyncadd.s32 $0xFFFFEC00  }
0x4d: {  	_ =	sfence.sel $0x180000  }
0x4e: {  	[bflag:$0x0] =	sbarrier.arrive $0xFFFF  }
0x4f: {  	p0 =	sne.s32 s2, $0x0;
	_ =	strace $0x9000004D  }
0x50: {  	s0 =	sadd.s32 @!p0 $0x100000, s0;
	[bflag:$0x2] =	sbarrier.arrive $0xFFFF  }
0x51: {  	[sflag:s0] =	ssyncadd.tile.s32 @!p0 $0x1;
	_ =	shalt  }
.Lfunc_end2:
_tile_overlayer_lowered:
.L_overlay_start_2:
0x52: {  	(tag) =	ssettag $0x2  }
0x53: {  	s0 =	rddreg [dreg:$0x0];
	s2 =	stileid.u32  }
0x54: {  	s1 =	rddreg [dreg:$0x1];
	p0 =	sne.s32 s2, $0x0  }
0x55: {  	s3 =	rddreg [dreg:$0x2];
	[bflag:$0x3] =	sbarrier.arrive $0xFFFF;
	s2 =	simm.s32 @!p0 $0x1C03  }
0x56: {  	[timem:s3], [sflag:s2] =	dma.local @!p0 [hbm:s0], s1  }
0x57: {  	s0 =	simm.s32 @!p0 $0x3  }
0x58: {  	_ =	swait.ge @!p0 [sflag:s0], s1  }
0x59: {  	s1 =	ssub.s32 @!p0 $0x0, s1;
	[sflag:s0] =	ssyncset.done @!p0 $0x0  }
0x5a: {  	[sflag:s0] =	ssyncadd.s32 @!p0 s1  }
0x5b: {  	[bflag:$0x3] =	sbarrier.arrive $0xFFFF  }
0x5c: {  	_ =	shalt  }

// kernel: kernel.15.cloned.1.call-start
scs
__scs_entry_jumppad:
0x0: {  	(pc) =	sbr.rel $0x88, $3  }
0x1: {  	(tag) =	ssettag $0x0;
	lr =	simm.s32 $0x1  }
0x2: {  	[smem:$0x3F95] =	sst lr;
	_ =	strace $0xD0000000  }
0x3: {  	_ = 	snop  }
0x4: {  	_ = 	snop  }
0x5: {  	_ = 	snop  }
0x6: {  	_ = 	snop  }
0x7: {  	_ = 	snop  }
__scs_overlays_trampoline_lowered:
0x8: {  	[smem:$0x3FA4] =	sst s0  }
0x9: {  	[smem:$0x3FA5] =	sst s1  }
0xa: {  	[smem:$0x3FA6] =	sst s2  }
0xb: {  	[smem:$0x3FA7] =	sst s3  }
0xc: {  	[smem:$0x3FA8] =	sst s4  }
0xd: {  	[smem:$0x3FA9] =	sst s5  }
0xe: {  	[smem:$0x3FAA] =	sst s6  }
0xf: {  	[smem:$0x3FAB] =	sst s7  }
0x10: {  	[smem:$0x3FAC] =	sst s8  }
0x11: {  	[smem:$0x3FAD] =	sst s9;
	s0 =	simm.s32 @!p0 $0x0  }
0x12: {  	s1 =	sld [smem:$0x3F93];
	s0 =	simm.s32 @p0 $0x1  }
0x13: {  	[smem:$0x3FAE] =	sst s0;
	s0 =	simm.s32 @!p1 $0x0  }
0x14: {  	s2 =	sld [smem:$0x3F92];
	s0 =	simm.s32 @p1 $0x1  }
0x15: {  	[smem:$0x3FAF] =	sst s0;
	s0 =	simm.s32 @!p2 $0x0  }
0x16: {  	s3 =	sld [smem:$0x3FDB];
	s0 =	simm.s32 @p2 $0x1  }
0x17: {  	s4 =	simm.s32 $0x1BF5;
	[smem:$0x3FB1] =	sst s0  }
0x18: {  	s0 =	sld [smem:$0x3F94];
	_ =	swait.ge [sflag:s4], $0x0  }
0x19: {  	s7 =	sld [smem:$0x3F95]  }
0x1a: {  	s8 =	sadd.s32 $0xFFFFE003, lr  }
0x1b: {  	s9 =	sadd.s32 $0xFFFFFEF7, lr;
	s5 =	simm.s32 $0xFFFFFFFF;
	p2 =	slt.u32 s8, $0xFFFFF086  }
0x1c: {  	p1 =	slt.u32 s9, $0xF7A;
	s5 =	simm.s32 @!p2 $0x0  }
0x1d: {  	s5 =	simm.s32 @p1 $0x1;
	p0 =	seq.s32 s7, s2  }
0x1e: {  	s7 =	smul.u32 @!p0 $0xF7A, s2;
	p2 =	seq.s32 @!p0 s5, $0x0  }
0x1f: {  	s9 =	smul.u32 $0xF7A, s1;
	s8 =	simm.s32 @!p0 $0x1BF5;
	p2 =	por !p2, p0  }
0x20: {  	[sflag:s8] =	ssyncset.s32 @!p0 $0xFFFFF086;
	s6 =	sadd.s32 @!p0 s3, s7;
	s7 =	simm.s32 @!p0 $0x108  }
0x21: {  	s3 =	sadd.s32 s3, s9;
	s6 =	sadd.s32 @!p0 $0x88, s6;
	s7 =	simm.s32 @p2 $0x1082  }
0x22: {  	[simem:s7], [sflag:s8] =	dma.local @!p0 [hbm:s6], $0xF7A  }
0x23: {  	s9 =	sor.u32 $0xD0000000, s2;
	s6 =	simm.s32 $0x108;
	_ =	swait.ge @!p0 [sflag:s8], $0x0  }
0x24: {  	s3 =	sadd.s32 $0x88, s3;
	s6 =	simm.s32 @!p1 $0x1082;
	[sflag:s4] =	ssyncset.s32 $0xFFFFF086  }
0x25: {  	[simem:s6], [sflag:s4] =	dma.local [hbm:s3], $0xF7A  }
0x26: {  	[smem:$0x3F95] =	sst s1;
	(tag) =	ssettag s2;
	_ =	strace s9  }
0x27: {  	s1 =	sld [smem:$0x3FA5]  }
0x28: {  	s2 =	sld [smem:$0x3FA6]  }
0x29: {  	s4 =	sld [smem:$0x3FA8]  }
0x2a: {  	p0 =	seq.s32 s5, $0x0;
	s5 =	sld [smem:$0x3FA9]  }
0x2b: {  	s6 =	sld [smem:$0x3FAA]  }
0x2c: {  	s7 =	sld [smem:$0x3FAB]  }
0x2d: {  	s3 =	simm.s32 $0x108;
	s8 =	sld [smem:$0x3FAC]  }
0x2e: {  	s3 =	simm.s32 @!p0 $0x1082;
	s9 =	sld [smem:$0x3FAD]  }
0x2f: {  	lr =	sadd.s32 s0, s3;
	s0 =	sld [smem:$0x3FA4]  }
0x30: {  	s3 =	sld [smem:$0x3FA7]  }
0x31: {  	[smem:$0x3FB0] =	sst s10  }
0x32: {  	s10 =	sld [smem:$0x3FAE];
	_ =	sdelay $0x3  }
0x33: {  	p0 =	seq.s32 s10, $0x1;
	s10 =	sld [smem:$0x3FB0];
	_ =	sdelay $0x3  }
0x34: {  	[smem:$0x3FB0] =	sst s10  }
0x35: {  	s10 =	sld [smem:$0x3FAF];
	_ =	sdelay $0x3  }
0x36: {  	p1 =	seq.s32 s10, $0x1;
	s10 =	sld [smem:$0x3FB0];
	_ =	sdelay $0x3  }
0x37: {  	[smem:$0x3FB0] =	sst s10  }
0x38: {  	s10 =	sld [smem:$0x3FB1]  }
0x39: {  	_ = 	snop;
	(pc) =	sbr.ind lr, $3  }
0x3a: {  	_ = 	snop  }
0x3b: {  	_ = 	snop  }
0x3c: {  	p2 =	seq.s32 s10, $0x1;
	s10 =	sld [smem:$0x3FB0]  }
0x3d: {  	_ =	shalt  }
0x3e: {  	_ =	shalt  }
0x3f: {  	_ =	shalt  }
0x40: {  	_ =	shalt  }
0x41: {  	_ =	shalt  }
0x42: {  	_ =	shalt  }
0x43: {  	_ =	shalt  }
0x44: {  	_ =	shalt  }
0x45: {  	_ =	shalt  }
0x46: {  	_ =	shalt  }
0x47: {  	_ =	shalt  }
0x48: {  	_ =	shalt  }
0x49: {  	_ =	shalt  }
0x4a: {  	_ =	shalt  }
0x4b: {  	_ =	shalt  }
0x4c: {  	_ =	shalt  }
0x4d: {  	_ =	shalt  }
0x4e: {  	_ =	shalt  }
0x4f: {  	_ =	shalt  }
0x50: {  	_ =	shalt  }
0x51: {  	_ =	shalt  }
0x52: {  	_ =	shalt  }
0x53: {  	_ =	shalt  }
0x54: {  	_ =	shalt  }
0x55: {  	_ =	shalt  }
0x56: {  	_ =	shalt  }
0x57: {  	_ =	shalt  }
0x58: {  	_ =	shalt  }
0x59: {  	_ =	shalt  }
0x5a: {  	_ =	shalt  }
0x5b: {  	_ =	shalt  }
0x5c: {  	_ =	shalt  }
0x5d: {  	_ =	shalt  }
0x5e: {  	_ =	shalt  }
0x5f: {  	_ =	shalt  }
0x60: {  	_ =	shalt  }
0x61: {  	_ =	shalt  }
0x62: {  	_ =	shalt  }
0x63: {  	_ =	shalt  }
0x64: {  	_ =	shalt  }
0x65: {  	_ =	shalt  }
0x66: {  	_ =	shalt  }
0x67: {  	_ =	shalt  }
0x68: {  	_ =	shalt  }
0x69: {  	_ =	shalt  }
0x6a: {  	_ =	shalt  }
0x6b: {  	_ =	shalt  }
0x6c: {  	_ =	shalt  }
0x6d: {  	_ =	shalt  }
0x6e: {  	_ =	shalt  }
0x6f: {  	_ =	shalt  }
0x70: {  	_ =	shalt  }
0x71: {  	_ =	shalt  }
0x72: {  	_ =	shalt  }
0x73: {  	_ =	shalt  }
0x74: {  	_ =	shalt  }
0x75: {  	_ =	shalt  }
0x76: {  	_ =	shalt  }
0x77: {  	_ =	shalt  }
0x78: {  	_ =	shalt  }
0x79: {  	_ =	shalt  }
0x7a: {  	_ =	shalt  }
0x7b: {  	_ =	shalt  }
0x7c: {  	_ =	shalt  }
0x7d: {  	_ =	shalt  }
0x7e: {  	_ =	shalt  }
0x7f: {  	_ =	shalt  }
0x80: {  	_ =	shalt  }
0x81: {  	_ =	shalt  }
0x82: {  	_ =	shalt  }
0x83: {  	_ =	shalt  }
0x84: {  	_ =	shalt  }
0x85: {  	_ =	shalt  }
0x86: {  	_ =	shalt  }
0x87: {  	_ =	shalt  }
.Lfunc_end0:
.L_simem_size_0:
called_computation.2_lowered:
.L_overlay_start_0:
0x88: {  	s2 =	sld [smem:$0x3FD9]  }
0x89: {  	s3 =	sld [smem:$0x3FFE];
	_ =	sdelay $0x1  }
0x8a: {  	s1 =	srdreg.scid  }
0x8b: {  	s0 =	sand.u32 $0x1, s1  }
0x8c: {  	s16 =	sshll.u32 s0, $0xA;
	s2 =	sadd.s32 s3, s2  }
0x8d: {  	s2 =	sadd.s32 s2, s16  }
0x8e: {  	[smem:$0x3FBC] =	sst s2  }
0x8f: {  	_ = 	snop  }
0x90: {  	(tm) =	ssettm $0x1  }
0x91: {  	s17 =	sld [smem:$0x3FFB];
	_ =	sdelay $0x3  }
0x92: {  	_ =	strace s17  }
0x93: {  	s2 =	sld [smem:$0x3FFC];
	_ =	sdelay $0x3  }
0x94: {  	_ =	strace s2  }
0x95: {  	s2 =	sld [smem:$0x3FFD];
	_ =	sdelay $0x3  }
0x96: {  	_ =	strace s2  }
0x97: {  	_ =	strace $0x8FFFFFFF  }
0x98: {  	s18 =	sld [smem:$0x3FDB];
	_ =	sdelay $0x1  }
0x99: {  	s19 =	simm.s32 $_scs_section_size  }
0x9a: {  	s4 =	simm.s32 $_size__tile_overlayer_lowered;
	s5 =	simm.s32 $_tile_overlayer_lowered  }
0x9b: {  	s22 =	simm.s32 $0x1BFF;
	s21 =	sshll.u32 s5, $0x1;
	s2 =	sadd.s32 s19, s18  }
0x9c: {  	s6 =	simm.s32 $0x0;
	s20 =	sshll.u32 s4, $0x1;
	s4 =	sadd.s32 s21, s2  }
0x9d: {  	[timem:s6], [sflag:s22] =	dma.local [hbm:s4], s20  }
0x9e: {  	_ =	swait.ge [sflag:s22], s20  }
0x9f: {  	s3 =	ssub.s32 $0x0, s20;
	[sflag:s22] =	ssyncset.done $0x0  }
0xa0: {  	[sflag:s22] =	ssyncadd.s32 s3;
	_ =	sdelay $0x1  }
0xa1: {  	s23 =	simm.s32 $0x1B8B  }
0xa2: {  	_ =	swait.ge [sflag:s23], $0x1  }
0xa3: {  	[sflag:s23] =	ssyncset.done $0x0  }
0xa4: {  	s25 =	simm.s32 $0x1B8E;
	s24 =	sld [smem:$0x3FFE];
	[sflag:s23] =	ssyncadd.s32 $0xFFFFFFFF  }
0xa5: {  	s26 =	simm.s32 $execute0_lowered;
	[smem:$0x3FD2] =	sst s25  }
0xa6: {  	s4 =	sshll.u32 s26, $0x1;
	_ =	strace $0x80000049;
	[dreg:$0x1] =	wrdreg $0xFFFFFFFF  }
0xa7: {  	s28 =	simm.s32 $_size_execute0_lowered;
	s2 =	sadd.s32 s2, s4;
	[dreg:$0x0] =	wrdreg $0x0  }
0xa8: {  	s4 =	sshll.u32 s28, $0x1;
	[dreg:$0x2] =	wrdreg s2  }
0xa9: {  	[dreg:$0x3] =	wrdreg s4  }
0xaa: {  	[dreg:$0x4] =	wrdreg $0xC0  }
0xab: {  	_ =	task [dreg:s6], $0x5FFFF  }
0xac: {  	[dreg:$0x1] =	wrdreg $0xFFFFFFFF  }
0xad: {  	[dreg:$0x0] =	wrdreg $0x60  }
0xae: {  	[dreg:$0x2] =	wrdreg s24  }
0xaf: {  	[dreg:$0x3] =	wrdreg $0x7F000  }
0xb0: {  	[dreg:$0x4] =	wrdreg $0xA  }
0xb1: {  	_ =	task.clear_ibuf [dreg:s6], $0x5FFFF;
	_ =	strace $0x90000049  }
0xb2: {  	s29 =	simm.s32 $0xA;
	_ =	strace $0x8000004B  }
0xb3: {  	_ =	swait.ge [sflag:s29], $0x1  }
0xb4: {  	[sflag:s29] =	ssyncadd.s32 $0xFFFFFFFF  }
0xb5: {  	_ =	strace $0x9000004B  }
0xb6: {  	_ =	sfence  }
0xb7: {  	s30 =	sld [smem:$0x0];
	_ =	sdelay $0x2  }
0xb8: {  	s31 =	sshll.u32 s1, $0xD;
	s1 =	sshrl.u32 s1, $0x2  }
0xb9: {  	s3 =	sand.u32 $0x4000, s31;
	s1 =	sadd.s32 s1, s30  }
0xba: {  	s0 =	sor.u32 s3, s0;
	s1 =	sshll.u32 s1, $0x11  }
0xbb: {  	s0 =	sor.u32 s1, s0  }
0xbc: {  	s0 =	sadd.s32 $0x8F2B, s0  }
0xbd: {  	[sflag:s0] =	ssyncadd.remote.s32 $0x1  }
0xbe: {  	_ =	sfence.sel $0xFFFF  }
0xbf: {  	[dreg:$0x0] =	wrdreg $0xFFFFFFFF;
	(pc) =	sbr.abs _section_cstart, $3  }
0xc0: {  	[dreg:$0x1] =	wrdreg $0xFFFFFFFF  }
0xc1: {  	_ =	task.clear_ibuf [dreg:s6], $0x2FFFF;
	_ =	strace $0x9FFFFFFF  }
0xc2: {  	(tm) =	ssettm $0x7FFFFFFF  }
0xc3: {  	_ =	shalt  }
tec
execute0_lowered:
.L_overlay_start_1:
0x0: {  	(tag) =	ssettag $0x1  }
0x1: {  	s5 =	rddreg [dreg:$0x0]  }
0x2: {  	s2 =	rddreg [dreg:$0x1]  }
0x3: {  	s0 =	rddreg [dreg:$0x2]  }
0x4: {  	s4 =	srdreg.scid;
	s1 =	stileid.u32  }
0x5: {  	s3 =	simm.s32 $0x0;
	s15 =	simm.s32 $0x3;
	s16 =	simm.s32 $0x2F80  }
0x6: {  	s17 =	simm.s32 $0x5F00;
	s18 =	simm.s32 $0x80;
	s19 =	simm.s32 $0x1  }
0x7: {  	s20 =	simm.s32 $0x2;
	s21 =	simm.s32 $0x0;
	s8 =	smul.u32 $0xA000, s1  }
0x8: {  	s6 =	sand.u32 $0x1, s4;
	[smem:$0x7FF] =	sst s3;
	s12 =	smul.u32 $0x28000, s1  }
0x9: {  	s4 =	sadd.s32 $0x69400, s5;
	s7 =	sshll.u32 s6, $0x4;
	s9 =	smul.u32 $0xA0000, s6  }
0xa: {  	_ =	strace $0x8000004A;
	s10 =	ssub.s32 $0x2, s6;
	p0 =	seq.s32 s6, $0x0  }
0xb: {  	s7 =	sor.u32 s1, s7;
	s11 =	sshrl.u32 s10, $0x1;
	s31 =	sshrl.u32 s12, $0x2  }
0xc: {  	s7 =	smul.u32 $0x5F0, s7;
	s9 =	sadd.s32 s8, s9;
	s14 =	ssub.s32 s10, s11  }
0xd: {  	s12 =	sadd.s32 s31, s2;
	s8 =	sadd.s32 s8, s2;
	s9 =	sshrl.u32 s9, $0x3  }
0xe: {  	s10 =	sadd.s32 $0x4000, s12;
	s11 =	sadd.s32 $0x6000, s12;
	s14 =	smax.u32 s14, $0x1  }
0xf: {  	s7 =	sadd.s32 s7, s5;
	s13 =	sadd.s32 s9, s5;
	s5 =	simm.s32 $0x5F  }
0x10: {  	s9 =	sadd.s32 $0x2000, s12;
	s12 =	sadd.s32 $0x8000, s12;
	s5 =	simm.s32 @!p0 $0x3F  }
0x11: {  	v0 =	vimm.f32 $0.0e+00;
	s6 =	sadd.s32 $0xF200, s7;
	s7 =	sadd.s32 $0x3400, s7;
	s13 =	sadd.s32 $0x7CE00, s13  }
.LBB2_1:
0x12: {  	[tilespmem:s3], [sflag:$0x3] =	stream.linear.gather [hbm4b:s6+s3], $0x2F80, $0x38;
	[tilespmem:$0x11F00] =	vst v63  }
0x13: {  	_ =	swait.ge [sflag:s15], $0x2F80  }
0x14: {  	[sflag:s15] =	ssyncset.done $0x0  }
0x15: {  	[sflag:s15] =	ssyncadd.s32 $0xFFFFD080  }
0x16: {  	[tilespmem:s16], [sflag:$0x3] =	stream.linear.gather [hbm4b:s7+s3], $0x2F80, $0x38;
	[tilespmem:$0x11F00] =	vst v63  }
0x17: {  	s22 =	sand.u32 $0x7F00, s3;
	s23 =	sand.u32 $0x30, s3;
	_ =	swait.ge [sflag:s15], $0x2F80  }
0x18: {  	s24 =	sshrl.u32 s22, $0x2;
	s22 =	simm.s32 $0x40;
	[sflag:s15] =	ssyncset.done $0x0  }
0x19: {  	s24 =	sor.u32 s23, s24;
	s23 =	simm.s32 $0x0;
	[sflag:s15] =	ssyncadd.s32 $0xFFFFD080  }
.LBB2_2:
0x1a: {  	p0 =	sne.s32 s22, $0x7FC0  }
0x1b: {  	[tilespmem:s24+$0x5F00] =	vst v0;
	s23 =	sadd.s32 $0x10, s23;
	s24 =	smov.u32 s22;
	s22 =	sadd.s32 $0x40, s22  }
.Ltmp0:
0x1c: {  	(pc) =	sbr.rel @p0 .LBB2_2-.Ltmp0, $4  }
0x1d: {  	_ = 	snop  }
0x1e: {  	s24 =	sand.u32 $0x7F00, s24  }
0x1f: {  	s25 =	sand.u32 $0x30, s23;
	s24 =	sshrl.u32 s24, $0x2  }
0x20: {  	s24 =	sor.u32 s25, s24  }
0x21: {  	[tilespmem:s24+$0x5F00] =	vst v0  }
0x22: {  	[spmem:s8] =	stream.linear.scatter [tilespmem:s17], [sflag:$0x3], $0x2000, $0x38;
	[tilespmem:$0x11F00] =	vst v63  }
0x23: {  	_ =	swait.ge [sflag:s15], $0x2000  }
0x24: {  	[sflag:s15] =	ssyncset.done $0x0  }
0x25: {  	[sflag:s15] =	ssyncadd.s32 $0xFFFFE000  }
0x26: {  	[spmem:s9] =	stream.linear.scatter [tilespmem:s17], [sflag:$0x3], $0x2000, $0x38;
	[tilespmem:$0x11F00] =	vst v63  }
0x27: {  	_ =	swait.ge [sflag:s15], $0x2000  }
0x28: {  	[sflag:s15] =	ssyncset.done $0x0  }
0x29: {  	[sflag:s15] =	ssyncadd.s32 $0xFFFFE000  }
0x2a: {  	[spmem:s10] =	stream.linear.scatter [tilespmem:s17], [sflag:$0x3], $0x2000, $0x38;
	[tilespmem:$0x11F00] =	vst v63  }
0x2b: {  	_ =	swait.ge [sflag:s15], $0x2000  }
0x2c: {  	[sflag:s15] =	ssyncset.done $0x0  }
0x2d: {  	[sflag:s15] =	ssyncadd.s32 $0xFFFFE000  }
0x2e: {  	[spmem:s11] =	stream.linear.scatter [tilespmem:s17], [sflag:$0x3], $0x2000, $0x38;
	[tilespmem:$0x11F00] =	vst v63  }
0x2f: {  	_ =	swait.ge [sflag:s15], $0x2000  }
0x30: {  	[sflag:s15] =	ssyncset.done $0x0  }
0x31: {  	[sflag:s15] =	ssyncadd.s32 $0xFFFFE000  }
0x32: {  	[spmem:s12] =	stream.linear.scatter [tilespmem:s17], [sflag:$0x3], $0x2000, $0x38;
	[tilespmem:$0x11F00] =	vst v63  }
0x33: {  	_ =	swait.ge [sflag:s15], $0x2000  }
0x34: {  	[sflag:s15] =	ssyncset.done $0x0  }
0x35: {  	[sflag:s15] =	ssyncadd.s32 $0xFFFFE000  }
0x36: {  	s22 =	simm.s32 $0x0;
	[bflag:$0x0] =	sbarrier.arrive $0xFFFF  }
0x37: {  	[tilespmem:s17], [sflag:$0x1] =	stream.indirect.gather [hbm4b:s4+s18], $0x40, s22, s18, $0xb8;
	[tilespmem:$0x11F00] =	vst v63  }
0x38: {  	p0 =	sne.s32 s5, $0x1;
	_ =	swait.ge [sflag:s19], $0x2000  }
.Ltmp1:
0x39: {  	[sflag:s19] =	ssyncset.done $0x0;
	(pc) =	sbr.rel @!p0 .LBB2_5-.Ltmp1, $4  }
0x3a: {  	s23 =	simm.s32 $0x2F80;
	[sflag:s19] =	ssyncadd.s32 $0xFFFFE000  }
0x3b: {  	[spmem:s2] =	stream.indirect.scatter.add.f32 [tilespmem:s17], [sflag:$0x2], $0x40, s23, s18, $0xb8;
	[tilespmem:$0x11F00] =	vst v63  }
0x3c: {  	_ =	swait.ge [sflag:s20], $0x2000  }
0x3d: {  	s24 =	sadd.s32 $0xFFFFFFFF, s5;
	[sflag:s20] =	ssyncset.done $0x0  }
.LBB2_4:
0x3e: {  	[sflag:s20] =	ssyncadd.s32 $0xFFFFE000;
	s22 =	sadd.s32 $0x80, s22;
	s23 =	sadd.s32 $0x80, s23  }
0x3f: {  	[tilespmem:s17], [sflag:$0x1] =	stream.indirect.gather [hbm4b:s4+s18], $0x40, s22, s18, $0xb8;
	[tilespmem:$0x11F00] =	vst v63  }
0x40: {  	p0 =	sne.s32 s24, $0x1;
	s24 =	sadd.s32 $0xFFFFFFFF, s24;
	_ =	swait.ge [sflag:s19], $0x2000  }
.Ltmp2:
0x41: {  	[sflag:s19] =	ssyncset.done $0x0;
	(pc) =	sbr.rel @p0 .LBB2_4-.Ltmp2, $4  }
0x42: {  	[sflag:s19] =	ssyncadd.s32 $0xFFFFE000  }
0x43: {  	[spmem:s2] =	stream.indirect.scatter.add.f32 [tilespmem:s17], [sflag:$0x2], $0x40, s23, s18, $0xb8;
	[tilespmem:$0x11F00] =	vst v63  }
0x44: {  	_ =	swait.ge [sflag:s20], $0x2000  }
0x45: {  	[sflag:s20] =	ssyncset.done $0x0  }
.LBB2_5:
0x46: {  	[sflag:s20] =	ssyncadd.s32 $0xFFFFE000;
	s21 =	sadd.s32 $0x1, s21  }
0x47: {  	s22 =	sshll.u32 s1, $0x6;
	s23 =	sshrl.u32 s8, $0x3;
	p0 =	sne.s32 s21, s14  }
.Ltmp3:
0x48: {  	[bflag:$0x0] =	sbarrier.arrive $0xFFFF;
	s22 =	sor.u32 $0x1C03, s22;
	(pc) =	sbr.rel @p0 .LBB2_1-.Ltmp3, $4  }
0x49: {  	[hbm:s13], [sflag:s22] =	dma.local [spmem:s23], $0x1400  }
0x4a: {  	_ =	swait.ge [sflag:s15], $0x1400  }
0x4b: {  	[sflag:s15] =	ssyncset.done $0x0  }
0x4c: {  	[sflag:s15] =	ssyncadd.s32 $0xFFFFEC00  }
0x4d: {  	_ =	sfence.sel $0x180000  }
0x4e: {  	[bflag:$0x0] =	sbarrier.arrive $0xFFFF  }
0x4f: {  	p0 =	sne.s32 s1, $0x0;
	_ =	strace $0x9000004A  }
0x50: {  	s0 =	sadd.s32 @!p0 $0x100000, s0;
	[bflag:$0x2] =	sbarrier.arrive $0xFFFF  }
0x51: {  	[sflag:s0] =	ssyncadd.tile.s32 @!p0 $0x1;
	_ =	shalt  }
.Lfunc_end2:
_tile_overlayer_lowered:
.L_overlay_start_2:
0x52: {  	(tag) =	ssettag $0x2  }
0x53: {  	s0 =	rddreg [dreg:$0x0];
	s2 =	stileid.u32  }
0x54: {  	s1 =	rddreg [dreg:$0x1];
	p0 =	sne.s32 s2, $0x0  }
0x55: {  	s3 =	rddreg [dreg:$0x2];
	[bflag:$0x3] =	sbarrier.arrive $0xFFFF;
	s2 =	simm.s32 @!p0 $0x1C03  }
0x56: {  	[timem:s3], [sflag:s2] =	dma.local @!p0 [hbm:s0], s1  }
0x57: {  	s0 =	simm.s32 @!p0 $0x3  }
0x58: {  	_ =	swait.ge @!p0 [sflag:s0], s1  }
0x59: {  	s1 =	ssub.s32 @!p0 $0x0, s1;
	[sflag:s0] =	ssyncset.done @!p0 $0x0  }
0x5a: {  	[sflag:s0] =	ssyncadd.s32 @!p0 s1  }
0x5b: {  	[bflag:$0x3] =	sbarrier.arrive $0xFFFF  }
0x5c: {  	_ =	shalt  }

// kernel: kernel.18.cloned.1.call-start
scs
__scs_entry_jumppad:
0x0: {  	(pc) =	sbr.rel $0x88, $3  }
0x1: {  	(tag) =	ssettag $0x0;
	lr =	simm.s32 $0x1  }
0x2: {  	[smem:$0x3F95] =	sst lr;
	_ =	strace $0xD0000000  }
0x3: {  	_ = 	snop  }
0x4: {  	_ = 	snop  }
0x5: {  	_ = 	snop  }
0x6: {  	_ = 	snop  }
0x7: {  	_ = 	snop  }
__scs_overlays_trampoline_lowered:
0x8: {  	[smem:$0x3FA4] =	sst s0  }
0x9: {  	[smem:$0x3FA5] =	sst s1  }
0xa: {  	[smem:$0x3FA6] =	sst s2  }
0xb: {  	[smem:$0x3FA7] =	sst s3  }
0xc: {  	[smem:$0x3FA8] =	sst s4  }
0xd: {  	[smem:$0x3FA9] =	sst s5  }
0xe: {  	[smem:$0x3FAA] =	sst s6  }
0xf: {  	[smem:$0x3FAB] =	sst s7  }
0x10: {  	[smem:$0x3FAC] =	sst s8  }
0x11: {  	[smem:$0x3FAD] =	sst s9;
	s0 =	simm.s32 @!p0 $0x0  }
0x12: {  	s1 =	sld [smem:$0x3F93];
	s0 =	simm.s32 @p0 $0x1  }
0x13: {  	[smem:$0x3FAE] =	sst s0;
	s0 =	simm.s32 @!p1 $0x0  }
0x14: {  	s2 =	sld [smem:$0x3F92];
	s0 =	simm.s32 @p1 $0x1  }
0x15: {  	[smem:$0x3FAF] =	sst s0;
	s0 =	simm.s32 @!p2 $0x0  }
0x16: {  	s3 =	sld [smem:$0x3FDB];
	s0 =	simm.s32 @p2 $0x1  }
0x17: {  	s4 =	simm.s32 $0x1BF5;
	[smem:$0x3FB1] =	sst s0  }
0x18: {  	s0 =	sld [smem:$0x3F94];
	_ =	swait.ge [sflag:s4], $0x0  }
0x19: {  	s7 =	sld [smem:$0x3F95]  }
0x1a: {  	s8 =	sadd.s32 $0xFFFFE003, lr  }
0x1b: {  	s9 =	sadd.s32 $0xFFFFFEF7, lr;
	s5 =	simm.s32 $0xFFFFFFFF;
	p2 =	slt.u32 s8, $0xFFFFF086  }
0x1c: {  	p1 =	slt.u32 s9, $0xF7A;
	s5 =	simm.s32 @!p2 $0x0  }
0x1d: {  	s5 =	simm.s32 @p1 $0x1;
	p0 =	seq.s32 s7, s2  }
0x1e: {  	s7 =	smul.u32 @!p0 $0xF7A, s2;
	p2 =	seq.s32 @!p0 s5, $0x0  }
0x1f: {  	s9 =	smul.u32 $0xF7A, s1;
	s8 =	simm.s32 @!p0 $0x1BF5;
	p2 =	por !p2, p0  }
0x20: {  	[sflag:s8] =	ssyncset.s32 @!p0 $0xFFFFF086;
	s6 =	sadd.s32 @!p0 s3, s7;
	s7 =	simm.s32 @!p0 $0x108  }
0x21: {  	s3 =	sadd.s32 s3, s9;
	s6 =	sadd.s32 @!p0 $0x88, s6;
	s7 =	simm.s32 @p2 $0x1082  }
0x22: {  	[simem:s7], [sflag:s8] =	dma.local @!p0 [hbm:s6], $0xF7A  }
0x23: {  	s9 =	sor.u32 $0xD0000000, s2;
	s6 =	simm.s32 $0x108;
	_ =	swait.ge @!p0 [sflag:s8], $0x0  }
0x24: {  	s3 =	sadd.s32 $0x88, s3;
	s6 =	simm.s32 @!p1 $0x1082;
	[sflag:s4] =	ssyncset.s32 $0xFFFFF086  }
0x25: {  	[simem:s6], [sflag:s4] =	dma.local [hbm:s3], $0xF7A  }
0x26: {  	[smem:$0x3F95] =	sst s1;
	(tag) =	ssettag s2;
	_ =	strace s9  }
0x27: {  	s1 =	sld [smem:$0x3FA5]  }
0x28: {  	s2 =	sld [smem:$0x3FA6]  }
0x29: {  	s4 =	sld [smem:$0x3FA8]  }
0x2a: {  	p0 =	seq.s32 s5, $0x0;
	s5 =	sld [smem:$0x3FA9]  }
0x2b: {  	s6 =	sld [smem:$0x3FAA]  }
0x2c: {  	s7 =	sld [smem:$0x3FAB]  }
0x2d: {  	s3 =	simm.s32 $0x108;
	s8 =	sld [smem:$0x3FAC]  }
0x2e: {  	s3 =	simm.s32 @!p0 $0x1082;
	s9 =	sld [smem:$0x3FAD]  }
0x2f: {  	lr =	sadd.s32 s0, s3;
	s0 =	sld [smem:$0x3FA4]  }
0x30: {  	s3 =	sld [smem:$0x3FA7]  }
0x31: {  	[smem:$0x3FB0] =	sst s10  }
0x32: {  	s10 =	sld [smem:$0x3FAE];
	_ =	sdelay $0x3  }
0x33: {  	p0 =	seq.s32 s10, $0x1;
	s10 =	sld [smem:$0x3FB0];
	_ =	sdelay $0x3  }
0x34: {  	[smem:$0x3FB0] =	sst s10  }
0x35: {  	s10 =	sld [smem:$0x3FAF];
	_ =	sdelay $0x3  }
0x36: {  	p1 =	seq.s32 s10, $0x1;
	s10 =	sld [smem:$0x3FB0];
	_ =	sdelay $0x3  }
0x37: {  	[smem:$0x3FB0] =	sst s10  }
0x38: {  	s10 =	sld [smem:$0x3FB1]  }
0x39: {  	_ = 	snop;
	(pc) =	sbr.ind lr, $3  }
0x3a: {  	_ = 	snop  }
0x3b: {  	_ = 	snop  }
0x3c: {  	p2 =	seq.s32 s10, $0x1;
	s10 =	sld [smem:$0x3FB0]  }
0x3d: {  	_ =	shalt  }
0x3e: {  	_ =	shalt  }
0x3f: {  	_ =	shalt  }
0x40: {  	_ =	shalt  }
0x41: {  	_ =	shalt  }
0x42: {  	_ =	shalt  }
0x43: {  	_ =	shalt  }
0x44: {  	_ =	shalt  }
0x45: {  	_ =	shalt  }
0x46: {  	_ =	shalt  }
0x47: {  	_ =	shalt  }
0x48: {  	_ =	shalt  }
0x49: {  	_ =	shalt  }
0x4a: {  	_ =	shalt  }
0x4b: {  	_ =	shalt  }
0x4c: {  	_ =	shalt  }
0x4d: {  	_ =	shalt  }
0x4e: {  	_ =	shalt  }
0x4f: {  	_ =	shalt  }
0x50: {  	_ =	shalt  }
0x51: {  	_ =	shalt  }
0x52: {  	_ =	shalt  }
0x53: {  	_ =	shalt  }
0x54: {  	_ =	shalt  }
0x55: {  	_ =	shalt  }
0x56: {  	_ =	shalt  }
0x57: {  	_ =	shalt  }
0x58: {  	_ =	shalt  }
0x59: {  	_ =	shalt  }
0x5a: {  	_ =	shalt  }
0x5b: {  	_ =	shalt  }
0x5c: {  	_ =	shalt  }
0x5d: {  	_ =	shalt  }
0x5e: {  	_ =	shalt  }
0x5f: {  	_ =	shalt  }
0x60: {  	_ =	shalt  }
0x61: {  	_ =	shalt  }
0x62: {  	_ =	shalt  }
0x63: {  	_ =	shalt  }
0x64: {  	_ =	shalt  }
0x65: {  	_ =	shalt  }
0x66: {  	_ =	shalt  }
0x67: {  	_ =	shalt  }
0x68: {  	_ =	shalt  }
0x69: {  	_ =	shalt  }
0x6a: {  	_ =	shalt  }
0x6b: {  	_ =	shalt  }
0x6c: {  	_ =	shalt  }
0x6d: {  	_ =	shalt  }
0x6e: {  	_ =	shalt  }
0x6f: {  	_ =	shalt  }
0x70: {  	_ =	shalt  }
0x71: {  	_ =	shalt  }
0x72: {  	_ =	shalt  }
0x73: {  	_ =	shalt  }
0x74: {  	_ =	shalt  }
0x75: {  	_ =	shalt  }
0x76: {  	_ =	shalt  }
0x77: {  	_ =	shalt  }
0x78: {  	_ =	shalt  }
0x79: {  	_ =	shalt  }
0x7a: {  	_ =	shalt  }
0x7b: {  	_ =	shalt  }
0x7c: {  	_ =	shalt  }
0x7d: {  	_ =	shalt  }
0x7e: {  	_ =	shalt  }
0x7f: {  	_ =	shalt  }
0x80: {  	_ =	shalt  }
0x81: {  	_ =	shalt  }
0x82: {  	_ =	shalt  }
0x83: {  	_ =	shalt  }
0x84: {  	_ =	shalt  }
0x85: {  	_ =	shalt  }
0x86: {  	_ =	shalt  }
0x87: {  	_ =	shalt  }
.Lfunc_end0:
.L_simem_size_0:
called_computation.3_lowered:
.L_overlay_start_0:
0x88: {  	s2 =	sld [smem:$0x3FD9]  }
0x89: {  	s3 =	sld [smem:$0x3FFE];
	_ =	sdelay $0x1  }
0x8a: {  	s1 =	srdreg.scid  }
0x8b: {  	s0 =	sand.u32 $0x1, s1  }
0x8c: {  	s14 =	sshll.u32 s0, $0xA;
	s2 =	sadd.s32 s3, s2  }
0x8d: {  	s2 =	sadd.s32 s2, s14  }
0x8e: {  	[smem:$0x3FBC] =	sst s2  }
0x8f: {  	_ = 	snop  }
0x90: {  	s2 =	sld [smem:$0x3FD0];
	_ =	sdelay $0x2  }
0x91: {  	s15 =	simm.s32 $0xB;
	s4 =	simm.s32 $0x10  }
0x92: {  	[smem:s4], [sflag:s15] =	dma.local [hbm:s2], $0x1  }
0x93: {  	_ =	swait.eq [sflag:s15], $0x1  }
0x94: {  	[sflag:s15] =	ssyncset.done $0x0  }
0x95: {  	[sflag:s15] =	ssyncadd.s32 $0xFFFFFFFF  }
0x96: {  	s16 =	sld [smem:$0x10];
	(tm) =	ssettm $0x1  }
0x97: {  	s17 =	sld [smem:$0x3FFB];
	_ =	sdelay $0x3  }
0x98: {  	_ =	strace s17  }
0x99: {  	s3 =	sld [smem:$0x3FFC];
	_ =	sdelay $0x3  }
0x9a: {  	_ =	strace s3  }
0x9b: {  	s3 =	sld [smem:$0x3FFD];
	_ =	sdelay $0x3  }
0x9c: {  	_ =	strace s3  }
0x9d: {  	_ =	strace $0x8FFFFFFF  }
0x9e: {  	s18 =	sld [smem:$0x3FDB];
	_ =	sdelay $0x1  }
0x9f: {  	s19 =	simm.s32 $_scs_section_size  }
0xa0: {  	s5 =	simm.s32 $_size__tile_overlayer_lowered;
	s6 =	simm.s32 $_tile_overlayer_lowered  }
0xa1: {  	s22 =	simm.s32 $0x1BFF;
	s21 =	sshll.u32 s6, $0x1;
	s3 =	sadd.s32 s19, s18  }
0xa2: {  	s7 =	simm.s32 $0x0;
	s20 =	sshll.u32 s5, $0x1;
	s5 =	sadd.s32 s21, s3  }
0xa3: {  	[timem:s7], [sflag:s22] =	dma.local [hbm:s5], s20  }
0xa4: {  	_ =	swait.ge [sflag:s22], s20  }
0xa5: {  	s4 =	ssub.s32 $0x0, s20;
	[sflag:s22] =	ssyncset.done $0x0  }
0xa6: {  	[sflag:s22] =	ssyncadd.s32 s4;
	_ =	sdelay $0x1  }
0xa7: {  	s23 =	simm.s32 $0x1B8B  }
0xa8: {  	_ =	swait.ge [sflag:s23], $0x1  }
0xa9: {  	[sflag:s23] =	ssyncset.done $0x0  }
0xaa: {  	s25 =	simm.s32 $0x1B8E;
	s24 =	sld [smem:$0x3FFE];
	[sflag:s23] =	ssyncadd.s32 $0xFFFFFFFF  }
0xab: {  	s26 =	simm.s32 $execute0_lowered;
	[smem:$0x3FD2] =	sst s25  }
0xac: {  	s5 =	sshll.u32 s26, $0x1;
	_ =	strace $0x8000004F;
	[dreg:$0x1] =	wrdreg $0xFFFFFFFF  }
0xad: {  	s28 =	simm.s32 $_size_execute0_lowered;
	s3 =	sadd.s32 s3, s5;
	[dreg:$0x0] =	wrdreg $0x0  }
0xae: {  	s5 =	sshll.u32 s28, $0x1;
	[dreg:$0x2] =	wrdreg s3  }
0xaf: {  	[dreg:$0x3] =	wrdreg s5  }
0xb0: {  	[dreg:$0x4] =	wrdreg $0xC0  }
0xb1: {  	_ =	task [dreg:s7], $0x5FFFF  }
0xb2: {  	[dreg:$0x1] =	wrdreg $0xFFFFFFFF  }
0xb3: {  	[dreg:$0x0] =	wrdreg $0x60  }
0xb4: {  	[dreg:$0x2] =	wrdreg s16  }
0xb5: {  	[dreg:$0x3] =	wrdreg s24  }
0xb6: {  	[dreg:$0x4] =	wrdreg $0x7F000  }
0xb7: {  	[dreg:$0x5] =	wrdreg $0x9  }
0xb8: {  	_ =	task.clear_ibuf [dreg:s7], $0x6FFFF;
	_ =	strace $0x9000004F  }
0xb9: {  	s29 =	simm.s32 $0x9;
	_ =	strace $0x80000051  }
0xba: {  	_ =	swait.ge [sflag:s29], $0x1  }
0xbb: {  	[sflag:s29] =	ssyncadd.s32 $0xFFFFFFFF  }
0xbc: {  	_ =	strace $0x90000051  }
0xbd: {  	_ =	sfence  }
0xbe: {  	s30 =	sld [smem:$0x0];
	_ =	sdelay $0x2  }
0xbf: {  	s31 =	sshll.u32 s1, $0xD;
	s1 =	sshrl.u32 s1, $0x2  }
0xc0: {  	s3 =	sand.u32 $0x4000, s31;
	s1 =	sadd.s32 s1, s30  }
0xc1: {  	s0 =	sor.u32 s3, s0;
	s1 =	sshll.u32 s1, $0x11  }
0xc2: {  	s0 =	sor.u32 s1, s0  }
0xc3: {  	s0 =	sadd.s32 $0x8F2B, s0  }
0xc4: {  	[sflag:s0] =	ssyncadd.remote.s32 $0x1  }
0xc5: {  	_ =	sfence.sel $0xFFFF  }
0xc6: {  	[dreg:$0x0] =	wrdreg $0xFFFFFFFF;
	(pc) =	sbr.abs _section_cstart, $3  }
0xc7: {  	[dreg:$0x1] =	wrdreg $0xFFFFFFFF  }
0xc8: {  	_ =	task.clear_ibuf [dreg:s7], $0x2FFFF;
	_ =	strace $0x9FFFFFFF  }
0xc9: {  	(tm) =	ssettm $0x7FFFFFFF  }
tec
execute0_lowered:
.L_overlay_start_1:
0x0: {  	(tag) =	ssettag $0x1  }
0x1: {  	s1 =	rddreg [dreg:$0x0]  }
0x2: {  	s5 =	rddreg [dreg:$0x1]  }
0x3: {  	s3 =	rddreg [dreg:$0x2]  }
0x4: {  	s0 =	rddreg [dreg:$0x3];
	s6 =	srdreg.scid  }
0x5: {  	s2 =	stileid.u32;
	s4 =	simm.s32 $0x0;
	s15 =	simm.s32 $0x3  }
0x6: {  	s16 =	simm.s32 $0x2F80;
	s17 =	simm.s32 $0x5F00;
	s18 =	simm.s32 $0x80  }
0x7: {  	s19 =	simm.s32 $0x1;
	s20 =	simm.s32 $0x2;
	s8 =	smul.u32 $0xA000, s2  }
0x8: {  	s21 =	simm.s32 $0x0;
	s6 =	sand.u32 $0x1, s6;
	s12 =	smul.u32 $0x28000, s2  }
0x9: {  	[smem:$0x7FF] =	sst s4;
	s7 =	sshll.u32 s6, $0x4;
	s9 =	smul.u32 $0xA0000, s6  }
0xa: {  	_ =	strace $0x80000050;
	s10 =	ssub.s32 $0x2, s6;
	p0 =	seq.s32 s6, $0x0  }
0xb: {  	s7 =	sor.u32 s2, s7;
	s11 =	sshrl.u32 s10, $0x1;
	s31 =	sshrl.u32 s12, $0x2  }
0xc: {  	s7 =	smul.u32 $0x5F0, s7;
	s9 =	sadd.s32 s8, s9;
	s14 =	ssub.s32 s10, s11  }
0xd: {  	s12 =	sadd.s32 s31, s3;
	s8 =	sadd.s32 s8, s3;
	s9 =	sshrl.u32 s9, $0x3  }
0xe: {  	s10 =	sadd.s32 $0x4000, s12;
	s11 =	sadd.s32 $0x6000, s12;
	s14 =	smax.u32 s14, $0x1  }
0xf: {  	s7 =	sadd.s32 s7, s5;
	s13 =	sadd.s32 s9, s5;
	s5 =	simm.s32 $0x5F  }
0x10: {  	s9 =	sadd.s32 $0x2000, s12;
	s12 =	sadd.s32 $0x8000, s12;
	s5 =	simm.s32 @!p0 $0x3F  }
0x11: {  	v0 =	vimm.f32 $0.0e+00;
	s6 =	sadd.s32 $0xF200, s7;
	s7 =	sadd.s32 $0x3400, s7;
	s13 =	sadd.s32 $0x1B000, s13  }
.LBB2_1:
0x12: {  	[tilespmem:s4], [sflag:$0x3] =	stream.linear.gather [hbm4b:s6+s4], $0x2F80, $0x38;
	[tilespmem:$0x11F00] =	vst v63  }
0x13: {  	_ =	swait.ge [sflag:s15], $0x2F80  }
0x14: {  	[sflag:s15] =	ssyncset.done $0x0  }
0x15: {  	[sflag:s15] =	ssyncadd.s32 $0xFFFFD080  }
0x16: {  	[tilespmem:s16], [sflag:$0x3] =	stream.linear.gather [hbm4b:s7+s4], $0x2F80, $0x38;
	[tilespmem:$0x11F00] =	vst v63  }
0x17: {  	s22 =	sand.u32 $0x7F00, s4;
	s23 =	sand.u32 $0x30, s4;
	_ =	swait.ge [sflag:s15], $0x2F80  }
0x18: {  	s24 =	sshrl.u32 s22, $0x2;
	s22 =	simm.s32 $0x40;
	[sflag:s15] =	ssyncset.done $0x0  }
0x19: {  	s24 =	sor.u32 s23, s24;
	s23 =	simm.s32 $0x0;
	[sflag:s15] =	ssyncadd.s32 $0xFFFFD080  }
.LBB2_2:
0x1a: {  	p0 =	sne.s32 s22, $0x7FC0  }
0x1b: {  	[tilespmem:s24+$0x5F00] =	vst v0;
	s23 =	sadd.s32 $0x10, s23;
	s24 =	smov.u32 s22;
	s22 =	sadd.s32 $0x40, s22  }
.Ltmp0:
0x1c: {  	(pc) =	sbr.rel @p0 .LBB2_2-.Ltmp0, $4  }
0x1d: {  	_ = 	snop  }
0x1e: {  	s24 =	sand.u32 $0x7F00, s24  }
0x1f: {  	s25 =	sand.u32 $0x30, s23;
	s24 =	sshrl.u32 s24, $0x2  }
0x20: {  	s24 =	sor.u32 s25, s24  }
0x21: {  	[tilespmem:s24+$0x5F00] =	vst v0  }
0x22: {  	[spmem:s8] =	stream.linear.scatter [tilespmem:s17], [sflag:$0x3], $0x2000, $0x38;
	[tilespmem:$0x11F00] =	vst v63  }
0x23: {  	_ =	swait.ge [sflag:s15], $0x2000  }
0x24: {  	[sflag:s15] =	ssyncset.done $0x0  }
0x25: {  	[sflag:s15] =	ssyncadd.s32 $0xFFFFE000  }
0x26: {  	[spmem:s9] =	stream.linear.scatter [tilespmem:s17], [sflag:$0x3], $0x2000, $0x38;
	[tilespmem:$0x11F00] =	vst v63  }
0x27: {  	_ =	swait.ge [sflag:s15], $0x2000  }
0x28: {  	[sflag:s15] =	ssyncset.done $0x0  }
0x29: {  	[sflag:s15] =	ssyncadd.s32 $0xFFFFE000  }
0x2a: {  	[spmem:s10] =	stream.linear.scatter [tilespmem:s17], [sflag:$0x3], $0x2000, $0x38;
	[tilespmem:$0x11F00] =	vst v63  }
0x2b: {  	_ =	swait.ge [sflag:s15], $0x2000  }
0x2c: {  	[sflag:s15] =	ssyncset.done $0x0  }
0x2d: {  	[sflag:s15] =	ssyncadd.s32 $0xFFFFE000  }
0x2e: {  	[spmem:s11] =	stream.linear.scatter [tilespmem:s17], [sflag:$0x3], $0x2000, $0x38;
	[tilespmem:$0x11F00] =	vst v63  }
0x2f: {  	_ =	swait.ge [sflag:s15], $0x2000  }
0x30: {  	[sflag:s15] =	ssyncset.done $0x0  }
0x31: {  	[sflag:s15] =	ssyncadd.s32 $0xFFFFE000  }
0x32: {  	[spmem:s12] =	stream.linear.scatter [tilespmem:s17], [sflag:$0x3], $0x2000, $0x38;
	[tilespmem:$0x11F00] =	vst v63  }
0x33: {  	_ =	swait.ge [sflag:s15], $0x2000  }
0x34: {  	[sflag:s15] =	ssyncset.done $0x0  }
0x35: {  	[sflag:s15] =	ssyncadd.s32 $0xFFFFE000  }
0x36: {  	s22 =	simm.s32 $0x0;
	[bflag:$0x0] =	sbarrier.arrive $0xFFFF  }
0x37: {  	[tilespmem:s17], [sflag:$0x1] =	stream.indirect.gather [hbm4b:s1+s18], $0x40, s22, s18, $0xb8;
	[tilespmem:$0x11F00] =	vst v63  }
0x38: {  	p0 =	sne.s32 s5, $0x1;
	_ =	swait.ge [sflag:s19], $0x2000  }
.Ltmp1:
0x39: {  	[sflag:s19] =	ssyncset.done $0x0;
	(pc) =	sbr.rel @!p0 .LBB2_5-.Ltmp1, $4  }
0x3a: {  	s23 =	simm.s32 $0x2F80;
	[sflag:s19] =	ssyncadd.s32 $0xFFFFE000  }
0x3b: {  	[spmem:s3] =	stream.indirect.scatter.add.f32 [tilespmem:s17], [sflag:$0x2], $0x40, s23, s18, $0xb8;
	[tilespmem:$0x11F00] =	vst v63  }
0x3c: {  	_ =	swait.ge [sflag:s20], $0x2000  }
0x3d: {  	s24 =	sadd.s32 $0xFFFFFFFF, s5;
	[sflag:s20] =	ssyncset.done $0x0  }
.LBB2_4:
0x3e: {  	[sflag:s20] =	ssyncadd.s32 $0xFFFFE000;
	s22 =	sadd.s32 $0x80, s22;
	s23 =	sadd.s32 $0x80, s23  }
0x3f: {  	[tilespmem:s17], [sflag:$0x1] =	stream.indirect.gather [hbm4b:s1+s18], $0x40, s22, s18, $0xb8;
	[tilespmem:$0x11F00] =	vst v63  }
0x40: {  	p0 =	sne.s32 s24, $0x1;
	s24 =	sadd.s32 $0xFFFFFFFF, s24;
	_ =	swait.ge [sflag:s19], $0x2000  }
.Ltmp2:
0x41: {  	[sflag:s19] =	ssyncset.done $0x0;
	(pc) =	sbr.rel @p0 .LBB2_4-.Ltmp2, $4  }
0x42: {  	[sflag:s19] =	ssyncadd.s32 $0xFFFFE000  }
0x43: {  	[spmem:s3] =	stream.indirect.scatter.add.f32 [tilespmem:s17], [sflag:$0x2], $0x40, s23, s18, $0xb8;
	[tilespmem:$0x11F00] =	vst v63  }
0x44: {  	_ =	swait.ge [sflag:s20], $0x2000  }
0x45: {  	[sflag:s20] =	ssyncset.done $0x0  }
.LBB2_5:
0x46: {  	[sflag:s20] =	ssyncadd.s32 $0xFFFFE000;
	s21 =	sadd.s32 $0x1, s21  }
0x47: {  	s22 =	sshll.u32 s2, $0x6;
	s23 =	sshrl.u32 s8, $0x3;
	p0 =	sne.s32 s21, s14  }
.Ltmp3:
0x48: {  	[bflag:$0x0] =	sbarrier.arrive $0xFFFF;
	s22 =	sor.u32 $0x1C03, s22;
	(pc) =	sbr.rel @p0 .LBB2_1-.Ltmp3, $4  }
0x49: {  	[hbm:s13], [sflag:s22] =	dma.local [spmem:s23], $0x1400  }
0x4a: {  	_ =	swait.ge [sflag:s15], $0x1400  }
0x4b: {  	[sflag:s15] =	ssyncset.done $0x0  }
0x4c: {  	[sflag:s15] =	ssyncadd.s32 $0xFFFFEC00  }
0x4d: {  	_ =	sfence.sel $0x180000  }
0x4e: {  	[bflag:$0x0] =	sbarrier.arrive $0xFFFF  }
0x4f: {  	p0 =	sne.s32 s2, $0x0;
	_ =	strace $0x90000050  }
0x50: {  	s0 =	sadd.s32 @!p0 $0x100000, s0;
	[bflag:$0x2] =	sbarrier.arrive $0xFFFF  }
0x51: {  	[sflag:s0] =	ssyncadd.tile.s32 @!p0 $0x1;
	_ =	shalt  }
.Lfunc_end2:
_tile_overlayer_lowered:
.L_overlay_start_2:
0x52: {  	(tag) =	ssettag $0x2  }
0x53: {  	s0 =	rddreg [dreg:$0x0];
	s2 =	stileid.u32  }
0x54: {  	s1 =	rddreg [dreg:$0x1];
	p0 =	sne.s32 s2, $0x0  }
0x55: {  	s3 =	rddreg [dreg:$0x2];
	[bflag:$0x3] =	sbarrier.arrive $0xFFFF;
	s2 =	simm.s32 @!p0 $0x1C03  }
0x56: {  	[timem:s3], [sflag:s2] =	dma.local @!p0 [hbm:s0], s1  }
0x57: {  	s0 =	simm.s32 @!p0 $0x3  }
0x58: {  	_ =	swait.ge @!p0 [sflag:s0], s1  }
0x59: {  	s1 =	ssub.s32 @!p0 $0x0, s1;
	[sflag:s0] =	ssyncset.done @!p0 $0x0  }
0x5a: {  	[sflag:s0] =	ssyncadd.s32 @!p0 s1  }
0x5b: {  	[bflag:$0x3] =	sbarrier.arrive $0xFFFF  }
0x5c: {  	_ =	shalt  }

// kernel: kernel.9.cloned.1.call-start
scs
__scs_entry_jumppad:
0x0: {  	(pc) =	sbr.rel $0x88, $3  }
0x1: {  	(tag) =	ssettag $0x0;
	lr =	simm.s32 $0x1  }
0x2: {  	[smem:$0x3F95] =	sst lr;
	_ =	strace $0xD0000000  }
0x3: {  	_ = 	snop  }
0x4: {  	_ = 	snop  }
0x5: {  	_ = 	snop  }
0x6: {  	_ = 	snop  }
0x7: {  	_ = 	snop  }
__scs_overlays_trampoline_lowered:
0x8: {  	[smem:$0x3FA4] =	sst s0  }
0x9: {  	[smem:$0x3FA5] =	sst s1  }
0xa: {  	[smem:$0x3FA6] =	sst s2  }
0xb: {  	[smem:$0x3FA7] =	sst s3  }
0xc: {  	[smem:$0x3FA8] =	sst s4  }
0xd: {  	[smem:$0x3FA9] =	sst s5  }
0xe: {  	[smem:$0x3FAA] =	sst s6  }
0xf: {  	[smem:$0x3FAB] =	sst s7  }
0x10: {  	[smem:$0x3FAC] =	sst s8  }
0x11: {  	[smem:$0x3FAD] =	sst s9;
	s0 =	simm.s32 @!p0 $0x0  }
0x12: {  	s1 =	sld [smem:$0x3F93];
	s0 =	simm.s32 @p0 $0x1  }
0x13: {  	[smem:$0x3FAE] =	sst s0;
	s0 =	simm.s32 @!p1 $0x0  }
0x14: {  	s2 =	sld [smem:$0x3F92];
	s0 =	simm.s32 @p1 $0x1  }
0x15: {  	[smem:$0x3FAF] =	sst s0;
	s0 =	simm.s32 @!p2 $0x0  }
0x16: {  	s3 =	sld [smem:$0x3FDB];
	s0 =	simm.s32 @p2 $0x1  }
0x17: {  	s4 =	simm.s32 $0x1BF5;
	[smem:$0x3FB1] =	sst s0  }
0x18: {  	s0 =	sld [smem:$0x3F94];
	_ =	swait.ge [sflag:s4], $0x0  }
0x19: {  	s7 =	sld [smem:$0x3F95]  }
0x1a: {  	s8 =	sadd.s32 $0xFFFFE003, lr  }
0x1b: {  	s9 =	sadd.s32 $0xFFFFFEF7, lr;
	s5 =	simm.s32 $0xFFFFFFFF;
	p2 =	slt.u32 s8, $0xFFFFF086  }
0x1c: {  	p1 =	slt.u32 s9, $0xF7A;
	s5 =	simm.s32 @!p2 $0x0  }
0x1d: {  	s5 =	simm.s32 @p1 $0x1;
	p0 =	seq.s32 s7, s2  }
0x1e: {  	s7 =	smul.u32 @!p0 $0xF7A, s2;
	p2 =	seq.s32 @!p0 s5, $0x0  }
0x1f: {  	s9 =	smul.u32 $0xF7A, s1;
	s8 =	simm.s32 @!p0 $0x1BF5;
	p2 =	por !p2, p0  }
0x20: {  	[sflag:s8] =	ssyncset.s32 @!p0 $0xFFFFF086;
	s6 =	sadd.s32 @!p0 s3, s7;
	s7 =	simm.s32 @!p0 $0x108  }
0x21: {  	s3 =	sadd.s32 s3, s9;
	s6 =	sadd.s32 @!p0 $0x88, s6;
	s7 =	simm.s32 @p2 $0x1082  }
0x22: {  	[simem:s7], [sflag:s8] =	dma.local @!p0 [hbm:s6], $0xF7A  }
0x23: {  	s9 =	sor.u32 $0xD0000000, s2;
	s6 =	simm.s32 $0x108;
	_ =	swait.ge @!p0 [sflag:s8], $0x0  }
0x24: {  	s3 =	sadd.s32 $0x88, s3;
	s6 =	simm.s32 @!p1 $0x1082;
	[sflag:s4] =	ssyncset.s32 $0xFFFFF086  }
0x25: {  	[simem:s6], [sflag:s4] =	dma.local [hbm:s3], $0xF7A  }
0x26: {  	[smem:$0x3F95] =	sst s1;
	(tag) =	ssettag s2;
	_ =	strace s9  }
0x27: {  	s1 =	sld [smem:$0x3FA5]  }
0x28: {  	s2 =	sld [smem:$0x3FA6]  }
0x29: {  	s4 =	sld [smem:$0x3FA8]  }
0x2a: {  	p0 =	seq.s32 s5, $0x0;
	s5 =	sld [smem:$0x3FA9]  }
0x2b: {  	s6 =	sld [smem:$0x3FAA]  }
0x2c: {  	s7 =	sld [smem:$0x3FAB]  }
0x2d: {  	s3 =	simm.s32 $0x108;
	s8 =	sld [smem:$0x3FAC]  }
0x2e: {  	s3 =	simm.s32 @!p0 $0x1082;
	s9 =	sld [smem:$0x3FAD]  }
0x2f: {  	lr =	sadd.s32 s0, s3;
	s0 =	sld [smem:$0x3FA4]  }
0x30: {  	s3 =	sld [smem:$0x3FA7]  }
0x31: {  	[smem:$0x3FB0] =	sst s10  }
0x32: {  	s10 =	sld [smem:$0x3FAE];
	_ =	sdelay $0x3  }
0x33: {  	p0 =	seq.s32 s10, $0x1;
	s10 =	sld [smem:$0x3FB0];
	_ =	sdelay $0x3  }
0x34: {  	[smem:$0x3FB0] =	sst s10  }
0x35: {  	s10 =	sld [smem:$0x3FAF];
	_ =	sdelay $0x3  }
0x36: {  	p1 =	seq.s32 s10, $0x1;
	s10 =	sld [smem:$0x3FB0];
	_ =	sdelay $0x3  }
0x37: {  	[smem:$0x3FB0] =	sst s10  }
0x38: {  	s10 =	sld [smem:$0x3FB1]  }
0x39: {  	_ = 	snop;
	(pc) =	sbr.ind lr, $3  }
0x3a: {  	_ = 	snop  }
0x3b: {  	_ = 	snop  }
0x3c: {  	p2 =	seq.s32 s10, $0x1;
	s10 =	sld [smem:$0x3FB0]  }
0x3d: {  	_ =	shalt  }
0x3e: {  	_ =	shalt  }
0x3f: {  	_ =	shalt  }
0x40: {  	_ =	shalt  }
0x41: {  	_ =	shalt  }
0x42: {  	_ =	shalt  }
0x43: {  	_ =	shalt  }
0x44: {  	_ =	shalt  }
0x45: {  	_ =	shalt  }
0x46: {  	_ =	shalt  }
0x47: {  	_ =	shalt  }
0x48: {  	_ =	shalt  }
0x49: {  	_ =	shalt  }
0x4a: {  	_ =	shalt  }
0x4b: {  	_ =	shalt  }
0x4c: {  	_ =	shalt  }
0x4d: {  	_ =	shalt  }
0x4e: {  	_ =	shalt  }
0x4f: {  	_ =	shalt  }
0x50: {  	_ =	shalt  }
0x51: {  	_ =	shalt  }
0x52: {  	_ =	shalt  }
0x53: {  	_ =	shalt  }
0x54: {  	_ =	shalt  }
0x55: {  	_ =	shalt  }
0x56: {  	_ =	shalt  }
0x57: {  	_ =	shalt  }
0x58: {  	_ =	shalt  }
0x59: {  	_ =	shalt  }
0x5a: {  	_ =	shalt  }
0x5b: {  	_ =	shalt  }
0x5c: {  	_ =	shalt  }
0x5d: {  	_ =	shalt  }
0x5e: {  	_ =	shalt  }
0x5f: {  	_ =	shalt  }
0x60: {  	_ =	shalt  }
0x61: {  	_ =	shalt  }
0x62: {  	_ =	shalt  }
0x63: {  	_ =	shalt  }
0x64: {  	_ =	shalt  }
0x65: {  	_ =	shalt  }
0x66: {  	_ =	shalt  }
0x67: {  	_ =	shalt  }
0x68: {  	_ =	shalt  }
0x69: {  	_ =	shalt  }
0x6a: {  	_ =	shalt  }
0x6b: {  	_ =	shalt  }
0x6c: {  	_ =	shalt  }
0x6d: {  	_ =	shalt  }
0x6e: {  	_ =	shalt  }
0x6f: {  	_ =	shalt  }
0x70: {  	_ =	shalt  }
0x71: {  	_ =	shalt  }
0x72: {  	_ =	shalt  }
0x73: {  	_ =	shalt  }
0x74: {  	_ =	shalt  }
0x75: {  	_ =	shalt  }
0x76: {  	_ =	shalt  }
0x77: {  	_ =	shalt  }
0x78: {  	_ =	shalt  }
0x79: {  	_ =	shalt  }
0x7a: {  	_ =	shalt  }
0x7b: {  	_ =	shalt  }
0x7c: {  	_ =	shalt  }
0x7d: {  	_ =	shalt  }
0x7e: {  	_ =	shalt  }
0x7f: {  	_ =	shalt  }
0x80: {  	_ =	shalt  }
0x81: {  	_ =	shalt  }
0x82: {  	_ =	shalt  }
0x83: {  	_ =	shalt  }
0x84: {  	_ =	shalt  }
0x85: {  	_ =	shalt  }
0x86: {  	_ =	shalt  }
0x87: {  	_ =	shalt  }
.Lfunc_end0:
.L_simem_size_0:
called_computation_lowered:
.L_overlay_start_0:
0x88: {  	s2 =	sld [smem:$0x3FD9]  }
0x89: {  	s3 =	sld [smem:$0x3FFE];
	_ =	sdelay $0x1  }
0x8a: {  	s1 =	srdreg.scid  }
0x8b: {  	s0 =	sand.u32 $0x1, s1  }
0x8c: {  	s15 =	sshll.u32 s0, $0xA;
	s2 =	sadd.s32 s3, s2  }
0x8d: {  	s2 =	sadd.s32 s2, s15  }
0x8e: {  	[smem:$0x3FBC] =	sst s2  }
0x8f: {  	_ = 	snop  }
0x90: {  	s2 =	sld [smem:$0x3FD0];
	_ =	sdelay $0x2  }
0x91: {  	s16 =	simm.s32 $0xB;
	s4 =	simm.s32 $0x10  }
0x92: {  	[smem:s4], [sflag:s16] =	dma.local [hbm:s2], $0x1  }
0x93: {  	_ =	swait.eq [sflag:s16], $0x1  }
0x94: {  	[sflag:s16] =	ssyncset.done $0x0  }
0x95: {  	s17 =	sld [smem:$0x10];
	[sflag:s16] =	ssyncadd.s32 $0xFFFFFFFF  }
0x96: {  	s18 =	sld [smem:$0x11];
	(tm) =	ssettm $0x1  }
0x97: {  	s19 =	sld [smem:$0x3FFB];
	_ =	sdelay $0x3  }
0x98: {  	_ =	strace s19  }
0x99: {  	s4 =	sld [smem:$0x3FFC];
	_ =	sdelay $0x3  }
0x9a: {  	_ =	strace s4  }
0x9b: {  	s4 =	sld [smem:$0x3FFD];
	_ =	sdelay $0x3  }
0x9c: {  	_ =	strace s4  }
0x9d: {  	_ =	strace $0x8FFFFFFF  }
0x9e: {  	s20 =	sld [smem:$0x3FDB];
	_ =	sdelay $0x1  }
0x9f: {  	s5 =	simm.s32 $_scs_section_size  }
0xa0: {  	s6 =	simm.s32 $_size__tile_overlayer_lowered;
	s7 =	simm.s32 $_tile_overlayer_lowered  }
0xa1: {  	s23 =	simm.s32 $0x1BFF;
	s22 =	sshll.u32 s7, $0x1;
	s4 =	sadd.s32 s5, s20  }
0xa2: {  	s8 =	simm.s32 $0x0;
	s21 =	sshll.u32 s6, $0x1;
	s6 =	sadd.s32 s22, s4  }
0xa3: {  	[timem:s8], [sflag:s23] =	dma.local [hbm:s6], s21  }
0xa4: {  	_ =	swait.ge [sflag:s23], s21  }
0xa5: {  	s5 =	ssub.s32 $0x0, s21;
	[sflag:s23] =	ssyncset.done $0x0  }
0xa6: {  	[sflag:s23] =	ssyncadd.s32 s5;
	_ =	sdelay $0x1  }
0xa7: {  	s24 =	simm.s32 $0x1B8B  }
0xa8: {  	_ =	swait.ge [sflag:s24], $0x1  }
0xa9: {  	[sflag:s24] =	ssyncset.done $0x0  }
0xaa: {  	s25 =	simm.s32 $0x1B8E;
	[sflag:s24] =	ssyncadd.s32 $0xFFFFFFFF  }
0xab: {  	s26 =	simm.s32 $execute0_lowered;
	[smem:$0x3FD2] =	sst s25  }
0xac: {  	s5 =	sshll.u32 s26, $0x1;
	_ =	strace $0x80000046;
	[dreg:$0x1] =	wrdreg $0xFFFFFFFF  }
0xad: {  	s28 =	simm.s32 $_size_execute0_lowered;
	s4 =	sadd.s32 s4, s5;
	[dreg:$0x0] =	wrdreg $0x0  }
0xae: {  	s5 =	sshll.u32 s28, $0x1;
	[dreg:$0x2] =	wrdreg s4  }
0xaf: {  	[dreg:$0x3] =	wrdreg s5  }
0xb0: {  	[dreg:$0x4] =	wrdreg $0xC0  }
0xb1: {  	_ =	task [dreg:s8], $0x5FFFF  }
0xb2: {  	[dreg:$0x1] =	wrdreg $0xFFFFFFFF  }
0xb3: {  	[dreg:$0x0] =	wrdreg $0x60  }
0xb4: {  	[dreg:$0x2] =	wrdreg s17  }
0xb5: {  	[dreg:$0x3] =	wrdreg s18  }
0xb6: {  	[dreg:$0x4] =	wrdreg $0x7A000  }
0xb7: {  	[dreg:$0x5] =	wrdreg $0x9  }
0xb8: {  	_ =	task.clear_ibuf [dreg:s8], $0x6FFFF;
	_ =	strace $0x90000046  }
0xb9: {  	s29 =	simm.s32 $0x9;
	_ =	strace $0x80000048  }
0xba: {  	_ =	swait.ge [sflag:s29], $0x1  }
0xbb: {  	[sflag:s29] =	ssyncadd.s32 $0xFFFFFFFF  }
0xbc: {  	_ =	strace $0x90000048  }
0xbd: {  	_ =	sfence  }
0xbe: {  	s30 =	sld [smem:$0x0];
	_ =	sdelay $0x2  }
0xbf: {  	s31 =	sshll.u32 s1, $0xD;
	s1 =	sshrl.u32 s1, $0x2  }
0xc0: {  	s3 =	sand.u32 $0x4000, s31;
	s1 =	sadd.s32 s1, s30  }
0xc1: {  	s0 =	sor.u32 s3, s0;
	s1 =	sshll.u32 s1, $0x11  }
0xc2: {  	s0 =	sor.u32 s1, s0  }
0xc3: {  	s0 =	sadd.s32 $0x8F2B, s0  }
0xc4: {  	[sflag:s0] =	ssyncadd.remote.s32 $0x1  }
0xc5: {  	_ =	sfence.sel $0xFFFF  }
0xc6: {  	[dreg:$0x0] =	wrdreg $0xFFFFFFFF;
	(pc) =	sbr.abs _section_cstart, $3  }
0xc7: {  	[dreg:$0x1] =	wrdreg $0xFFFFFFFF  }
0xc8: {  	_ =	task.clear_ibuf [dreg:s8], $0x2FFFF;
	_ =	strace $0x9FFFFFFF  }
0xc9: {  	(tm) =	ssettm $0x7FFFFFFF  }
tec
execute0_lowered:
.L_overlay_start_1:
0x0: {  	(tag) =	ssettag $0x1  }
0x1: {  	s0 =	rddreg [dreg:$0x0]  }
0x2: {  	s1 =	rddreg [dreg:$0x1]  }
0x3: {  	s2 =	rddreg [dreg:$0x2]  }
0x4: {  	s3 =	srdreg.scid;
	s4 =	simm.s32 $0x0;
	s6 =	stileid.u32  }
0x5: {  	s23 =	simm.s32 $0x1;
	s24 =	simm.s32 $0x2780;
	s30 =	simm.s32 $0x7000  }
0x6: {  	s31 =	simm.s32 $0x7280;
	s12 =	sand.u32 $0x1, s3;
	s25 =	smul.u32 $0xA000, s6  }
0x7: {  	[smem:$0x7FF] =	sst s4;
	s17 =	smul.u32 $0x280, s6;
	s3 =	sshll.u32 s12, $0x4  }
0x8: {  	s5 =	ssub.s32 $0x2, s12;
	_ =	strace $0x80000047;
	s29 =	smul.u32 $0x2800, s12  }
0x9: {  	s3 =	sor.u32 s6, s3;
	s26 =	sshrl.u32 s5, $0x1;
	s28 =	sshrl.u32 s25, $0x2  }
0xa: {  	s7 =	smul.u32 $0x4F0, s3;
	s22 =	ssub.s32 s5, s26;
	s3 =	sadd.s32 s17, s2  }
0xb: {  	s5 =	sadd.s32 s28, s2;
	s2 =	simm.s32 $0x0;
	s6 =	sadd.s32 $0x2800, s3  }
0xc: {  	s8 =	sadd.s32 $0x7800, s3;
	s9 =	sadd.s32 $0xA000, s3;
	s10 =	sadd.s32 $0xC800, s3  }
0xd: {  	s11 =	sadd.s32 $0xF000, s3;
	s12 =	sadd.s32 $0x11800, s3;
	s13 =	sadd.s32 $0x14000, s3  }
0xe: {  	s14 =	sadd.s32 $0x16800, s3;
	s15 =	sadd.s32 $0x19000, s3;
	s16 =	sadd.s32 $0x1B800, s3  }
0xf: {  	s18 =	sadd.s32 $0x20800, s3;
	s19 =	sadd.s32 $0x23000, s3;
	s20 =	sadd.s32 $0x25800, s3  }
0x10: {  	s22 =	smax.u32 s22, $0x1;
	s4 =	sadd.s32 s0, s7;
	s0 =	sadd.s32 s17, s29  }
0x11: {  	s7 =	sadd.s32 $0x5000, s3;
	s17 =	sadd.s32 $0x1E000, s3;
	s0 =	sshrl.u32 s0, $0x3  }
0x12: {  	v0 =	vimm.f32 $0.0e+00;
	v1 =	vimm.f32 $1.000000000e+00;
	s21 =	sadd.s32 s1, s0;
	s0 =	simm.s32 $0x7500;
	s1 =	simm.s32 $0x7780  }
.LBB2_1:
0x13: {  	s25 =	simm.s32 $0x40;
	s26 =	simm.s32 $0x0  }
.LBB2_2:
0x14: {  	p0 =	sne.s32 s25, $0x9FC0;
	[tilespmem:s26+$0x2780] =	vst v0;
	s26 =	smov.u32 s25;
	s25 =	sadd.s32 $0x40, s25  }
.Ltmp0:
0x15: {  	(pc) =	sbr.rel @p0 .LBB2_2-.Ltmp0, $2  }
0x16: {  	_ =	sdelay $0x2  }
0x17: {  	s26 =	sshra.s32 s26, $0x2  }
0x18: {  	[tilespmem:s26+$0x2780] =	vst v0;
	s25 =	simm.s32 $0x0  }
0x19: {  	[tilespmem:s25], [sflag:$0x1] =	stream.linear.gather [hbm4b:s4+s25], $0x2780, $0x38;
	[tilespmem:$0xA200] =	vst v63  }
0x1a: {  	_ =	swait.ge [sflag:s23], $0x2780  }
0x1b: {  	[sflag:s23] =	ssyncset.done $0x0  }
0x1c: {  	s26 =	simm.s32 $0x0;
	s25 =	simm.s32 $0x40;
	[sflag:s23] =	ssyncadd.s32 $0xFFFFD880  }
.LBB2_4:
0x1d: {  	p0 =	sne.s32 s25, $0x9DC0;
	v2 =	vld [tilespmem:s26+$0x0];
	_ =	sdelay $0x3  }
.Ltmp1:
0x1e: {  	(pc) =	sbr.rel @p0 .LBB2_4-.Ltmp1, $2  }
0x1f: {  	_ =	sdelay $0x2  }
0x20: {  	s26 =	sshra.s32 s25, $0x2;
	s25 =	sadd.s32 $0x40, s25;
	[tilespmem:v2+s24+$0x0] =	vst.idx.add.f32.msk $0xffff, v1  }
0x21: {  	v2 =	vld [tilespmem:s26+$0x0];
	_ =	sdelay $0x7  }
0x22: {  	[tilespmem:v2+s24+$0x0] =	vst.idx.add.f32.msk $0xffff, v1  }
0x23: {  	[spmem:s5] =	stream.linear.scatter [tilespmem:s24], [sflag:$0x1], $0x2800, $0x38;
	[tilespmem:$0xA200] =	vst v63  }
0x24: {  	_ =	swait.ge [sflag:s23], $0x2800  }
0x25: {  	[sflag:s23] =	ssyncset.done $0x0  }
0x26: {  	[sflag:s23] =	ssyncadd.s32 $0xFFFFD800  }
0x27: {  	s25 =	simm.s32 $0x4F80;
	[bflag:$0x0] =	sbarrier.arrive $0xFFFF  }
0x28: {  	[tilespmem:s25], [sflag:$0x1] =	stream.linear.gather [spmem:s3], $0x280, $0x38;
	[tilespmem:$0xA200] =	vst v63  }
0x29: {  	_ =	swait.ge [sflag:s23], $0x280  }
0x2a: {  	[sflag:s23] =	ssyncset.done $0x0  }
0x2b: {  	s26 =	simm.s32 $0x5200;
	[sflag:s23] =	ssyncadd.s32 $0xFFFFFD80  }
0x2c: {  	[tilespmem:s26], [sflag:$0x1] =	stream.linear.gather [spmem:s6], $0x280, $0x38;
	[tilespmem:$0xA200] =	vst v63  }
0x2d: {  	_ =	swait.ge [sflag:s23], $0x280  }
0x2e: {  	[sflag:s23] =	ssyncset.done $0x0  }
0x2f: {  	s29 =	simm.s32 $0x5480;
	[sflag:s23] =	ssyncadd.s32 $0xFFFFFD80  }
0x30: {  	[tilespmem:s29], [sflag:$0x1] =	stream.linear.gather [spmem:s7], $0x280, $0x38;
	[tilespmem:$0xA200] =	vst v63  }
0x31: {  	_ =	swait.ge [sflag:s23], $0x280  }
0x32: {  	[sflag:s23] =	ssyncset.done $0x0  }
0x33: {  	s26 =	simm.s32 $0x5700;
	[sflag:s23] =	ssyncadd.s32 $0xFFFFFD80  }
0x34: {  	[tilespmem:s26], [sflag:$0x1] =	stream.linear.gather [spmem:s8], $0x280, $0x38;
	[tilespmem:$0xA200] =	vst v63  }
0x35: {  	_ =	swait.ge [sflag:s23], $0x280  }
0x36: {  	[sflag:s23] =	ssyncset.done $0x0  }
0x37: {  	s29 =	simm.s32 $0x5980;
	[sflag:s23] =	ssyncadd.s32 $0xFFFFFD80  }
0x38: {  	[tilespmem:s29], [sflag:$0x1] =	stream.linear.gather [spmem:s9], $0x280, $0x38;
	[tilespmem:$0xA200] =	vst v63  }
0x39: {  	_ =	swait.ge [sflag:s23], $0x280  }
0x3a: {  	[sflag:s23] =	ssyncset.done $0x0  }
0x3b: {  	s26 =	simm.s32 $0x5C00;
	[sflag:s23] =	ssyncadd.s32 $0xFFFFFD80  }
0x3c: {  	[tilespmem:s26], [sflag:$0x1] =	stream.linear.gather [spmem:s10], $0x280, $0x38;
	[tilespmem:$0xA200] =	vst v63  }
0x3d: {  	_ =	swait.ge [sflag:s23], $0x280  }
0x3e: {  	[sflag:s23] =	ssyncset.done $0x0  }
0x3f: {  	s29 =	simm.s32 $0x5E80;
	[sflag:s23] =	ssyncadd.s32 $0xFFFFFD80  }
0x40: {  	[tilespmem:s29], [sflag:$0x1] =	stream.linear.gather [spmem:s11], $0x280, $0x38;
	[tilespmem:$0xA200] =	vst v63  }
0x41: {  	_ =	swait.ge [sflag:s23], $0x280  }
0x42: {  	[sflag:s23] =	ssyncset.done $0x0  }
0x43: {  	s26 =	simm.s32 $0x6100;
	[sflag:s23] =	ssyncadd.s32 $0xFFFFFD80  }
0x44: {  	[tilespmem:s26], [sflag:$0x1] =	stream.linear.gather [spmem:s12], $0x280, $0x38;
	[tilespmem:$0xA200] =	vst v63  }
0x45: {  	_ =	swait.ge [sflag:s23], $0x280  }
0x46: {  	[sflag:s23] =	ssyncset.done $0x0  }
0x47: {  	s29 =	simm.s32 $0x6380;
	[sflag:s23] =	ssyncadd.s32 $0xFFFFFD80  }
0x48: {  	[tilespmem:s29], [sflag:$0x1] =	stream.linear.gather [spmem:s13], $0x280, $0x38;
	[tilespmem:$0xA200] =	vst v63  }
0x49: {  	_ =	swait.ge [sflag:s23], $0x280  }
0x4a: {  	[sflag:s23] =	ssyncset.done $0x0  }
0x4b: {  	s26 =	simm.s32 $0x6600;
	[sflag:s23] =	ssyncadd.s32 $0xFFFFFD80  }
0x4c: {  	[tilespmem:s26], [sflag:$0x1] =	stream.linear.gather [spmem:s14], $0x280, $0x38;
	[tilespmem:$0xA200] =	vst v63  }
0x4d: {  	_ =	swait.ge [sflag:s23], $0x280  }
0x4e: {  	[sflag:s23] =	ssyncset.done $0x0  }
0x4f: {  	s29 =	simm.s32 $0x6880;
	[sflag:s23] =	ssyncadd.s32 $0xFFFFFD80  }
0x50: {  	[tilespmem:s29], [sflag:$0x1] =	stream.linear.gather [spmem:s15], $0x280, $0x38;
	[tilespmem:$0xA200] =	vst v63  }
0x51: {  	_ =	swait.ge [sflag:s23], $0x280  }
0x52: {  	[sflag:s23] =	ssyncset.done $0x0  }
0x53: {  	s26 =	simm.s32 $0x6B00;
	[sflag:s23] =	ssyncadd.s32 $0xFFFFFD80  }
0x54: {  	[tilespmem:s26], [sflag:$0x1] =	stream.linear.gather [spmem:s16], $0x280, $0x38;
	[tilespmem:$0xA200] =	vst v63  }
0x55: {  	_ =	swait.ge [sflag:s23], $0x280  }
0x56: {  	[sflag:s23] =	ssyncset.done $0x0  }
0x57: {  	s29 =	simm.s32 $0x6D80;
	[sflag:s23] =	ssyncadd.s32 $0xFFFFFD80  }
0x58: {  	[tilespmem:s29], [sflag:$0x1] =	stream.linear.gather [spmem:s17], $0x280, $0x38;
	[tilespmem:$0xA200] =	vst v63  }
0x59: {  	_ =	swait.ge [sflag:s23], $0x280  }
0x5a: {  	[sflag:s23] =	ssyncset.done $0x0  }
0x5b: {  	[sflag:s23] =	ssyncadd.s32 $0xFFFFFD80  }
0x5c: {  	[tilespmem:s30], [sflag:$0x1] =	stream.linear.gather [spmem:s18], $0x280, $0x38;
	[tilespmem:$0xA200] =	vst v63  }
0x5d: {  	_ =	swait.ge [sflag:s23], $0x280  }
0x5e: {  	[sflag:s23] =	ssyncset.done $0x0  }
0x5f: {  	[sflag:s23] =	ssyncadd.s32 $0xFFFFFD80  }
0x60: {  	[tilespmem:s31], [sflag:$0x1] =	stream.linear.gather [spmem:s19], $0x280, $0x38;
	[tilespmem:$0xA200] =	vst v63  }
0x61: {  	_ =	swait.ge [sflag:s23], $0x280  }
0x62: {  	[sflag:s23] =	ssyncset.done $0x0  }
0x63: {  	[sflag:s23] =	ssyncadd.s32 $0xFFFFFD80  }
0x64: {  	[tilespmem:s0], [sflag:$0x1] =	stream.linear.gather [spmem:s20], $0x280, $0x38;
	[tilespmem:$0xA200] =	vst v63  }
0x65: {  	_ =	swait.ge [sflag:s23], $0x280  }
0x66: {  	[sflag:s23] =	ssyncset.done $0x0  }
0x67: {  	[sflag:s23] =	ssyncadd.s32 $0xFFFFFD80  }
0x68: {  	[tilespmem:$0x7780] =	vst v0  }
0x69: {  	[tilespmem:$0x7790] =	vst v0  }
0x6a: {  	[tilespmem:$0x77A0] =	vst v0  }
0x6b: {  	[tilespmem:$0x77B0] =	vst v0  }
0x6c: {  	[tilespmem:$0x77C0] =	vst v0  }
0x6d: {  	[tilespmem:$0x77D0] =	vst v0  }
0x6e: {  	[tilespmem:$0x77E0] =	vst v0  }
0x6f: {  	[tilespmem:$0x77F0] =	vst v0  }
0x70: {  	[tilespmem:$0x7800] =	vst v0  }
0x71: {  	[tilespmem:$0x7810] =	vst v0  }
0x72: {  	[tilespmem:$0x7820] =	vst v0  }
0x73: {  	[tilespmem:$0x7830] =	vst v0  }
0x74: {  	[tilespmem:$0x7840] =	vst v0  }
0x75: {  	[tilespmem:$0x7850] =	vst v0  }
0x76: {  	[tilespmem:$0x7860] =	vst v0  }
0x77: {  	[tilespmem:$0x7870] =	vst v0  }
0x78: {  	[tilespmem:$0x7880] =	vst v0  }
0x79: {  	[tilespmem:$0x7890] =	vst v0  }
0x7a: {  	[tilespmem:$0x78A0] =	vst v0  }
0x7b: {  	[tilespmem:$0x78B0] =	vst v0  }
0x7c: {  	[tilespmem:$0x78C0] =	vst v0  }
0x7d: {  	[tilespmem:$0x78D0] =	vst v0  }
0x7e: {  	[tilespmem:$0x78E0] =	vst v0  }
0x7f: {  	[tilespmem:$0x78F0] =	vst v0  }
0x80: {  	[tilespmem:$0x7900] =	vst v0  }
0x81: {  	[tilespmem:$0x7910] =	vst v0  }
0x82: {  	[tilespmem:$0x7920] =	vst v0  }
0x83: {  	[tilespmem:$0x7930] =	vst v0  }
0x84: {  	[tilespmem:$0x7940] =	vst v0  }
0x85: {  	[tilespmem:$0x7950] =	vst v0  }
0x86: {  	[tilespmem:$0x7960] =	vst v0  }
0x87: {  	[tilespmem:$0x7970] =	vst v0  }
0x88: {  	[tilespmem:$0x7980] =	vst v0  }
0x89: {  	[tilespmem:$0x7990] =	vst v0  }
0x8a: {  	[tilespmem:$0x79A0] =	vst v0  }
0x8b: {  	[tilespmem:$0x79B0] =	vst v0  }
0x8c: {  	[tilespmem:$0x79C0] =	vst v0  }
0x8d: {  	[tilespmem:$0x79D0] =	vst v0  }
0x8e: {  	[tilespmem:$0x79E0] =	vst v0  }
0x8f: {  	s25 =	simm.s32 $0x0;
	[tilespmem:$0x79F0] =	vst v0  }
0x90: {  	s28 =	simm.s32 $0x40;
	s26 =	simm.s32 $0x0;
	v2 =	vld [tilespmem:s25+$0x4F80]  }
.LBB2_6:
0x91: {  	p0 =	sne.s32 s28, $0x9C0;
	v3 =	vld [tilespmem:s26+$0x7780];
	_ =	sdelay $0x2  }
.Ltmp2:
0x92: {  	(pc) =	sbr.rel @p0 .LBB2_6-.Ltmp2, $4  }
0x93: {  	_ = 	snop  }
0x94: {  	v3 =	vadd.f32 v2, v3  }
0x95: {  	s29 =	sshra.s32 s28, $0x2  }
0x96: {  	s28 =	sadd.s32 $0x40, s28;
	v2 =	vld [tilespmem:s29+$0x4F80];
	[tilespmem:s26+$0x7780] =	vst v3;
	s26 =	smov.u32 s29  }
0x97: {  	v3 =	vld [tilespmem:s26+$0x7780];
	_ =	sdelay $0x4  }
0x98: {  	v2 =	vadd.f32 v2, v3;
	_ =	sdelay $0x1  }
0x99: {  	[tilespmem:s26+$0x7780] =	vst v2  }
0x9a: {  	s26 =	simm.s32 $0x40;
	v2 =	vld [tilespmem:s25+$0x5200]  }
.LBB2_8:
0x9b: {  	p0 =	sne.s32 s26, $0x9C0;
	v3 =	vld [tilespmem:s25+$0x7780];
	_ =	sdelay $0x2  }
.Ltmp3:
0x9c: {  	(pc) =	sbr.rel @p0 .LBB2_8-.Ltmp3, $4  }
0x9d: {  	_ = 	snop  }
0x9e: {  	v3 =	vadd.f32 v2, v3  }
0x9f: {  	s28 =	sshra.s32 s26, $0x2  }
0xa0: {  	s26 =	sadd.s32 $0x40, s26;
	v2 =	vld [tilespmem:s28+$0x5200];
	[tilespmem:s25+$0x7780] =	vst v3;
	s25 =	smov.u32 s28  }
0xa1: {  	v3 =	vld [tilespmem:s25+$0x7780];
	_ =	sdelay $0x4  }
0xa2: {  	v2 =	vadd.f32 v2, v3;
	_ =	sdelay $0x1  }
0xa3: {  	[tilespmem:s25+$0x7780] =	vst v2;
	s25 =	simm.s32 $0x0  }
0xa4: {  	s28 =	simm.s32 $0x40;
	s26 =	simm.s32 $0x0;
	v2 =	vld [tilespmem:s25+$0x5480]  }
.LBB2_10:
0xa5: {  	p0 =	sne.s32 s28, $0x9C0;
	v3 =	vld [tilespmem:s26+$0x7780];
	_ =	sdelay $0x2  }
.Ltmp4:
0xa6: {  	(pc) =	sbr.rel @p0 .LBB2_10-.Ltmp4, $4  }
0xa7: {  	_ = 	snop  }
0xa8: {  	v3 =	vadd.f32 v2, v3  }
0xa9: {  	s29 =	sshra.s32 s28, $0x2  }
0xaa: {  	s28 =	sadd.s32 $0x40, s28;
	v2 =	vld [tilespmem:s29+$0x5480];
	[tilespmem:s26+$0x7780] =	vst v3;
	s26 =	smov.u32 s29  }
0xab: {  	v3 =	vld [tilespmem:s26+$0x7780];
	_ =	sdelay $0x4  }
0xac: {  	v2 =	vadd.f32 v2, v3;
	_ =	sdelay $0x1  }
0xad: {  	[tilespmem:s26+$0x7780] =	vst v2  }
0xae: {  	s26 =	simm.s32 $0x40;
	v2 =	vld [tilespmem:s25+$0x5700]  }
.LBB2_12:
0xaf: {  	p0 =	sne.s32 s26, $0x9C0;
	v3 =	vld [tilespmem:s25+$0x7780];
	_ =	sdelay $0x2  }
.Ltmp5:
0xb0: {  	(pc) =	sbr.rel @p0 .LBB2_12-.Ltmp5, $4  }
0xb1: {  	_ = 	snop  }
0xb2: {  	v3 =	vadd.f32 v2, v3  }
0xb3: {  	s28 =	sshra.s32 s26, $0x2  }
0xb4: {  	s26 =	sadd.s32 $0x40, s26;
	v2 =	vld [tilespmem:s28+$0x5700];
	[tilespmem:s25+$0x7780] =	vst v3;
	s25 =	smov.u32 s28  }
0xb5: {  	v3 =	vld [tilespmem:s25+$0x7780];
	_ =	sdelay $0x4  }
0xb6: {  	v2 =	vadd.f32 v2, v3;
	_ =	sdelay $0x1  }
0xb7: {  	[tilespmem:s25+$0x7780] =	vst v2;
	s25 =	simm.s32 $0x0  }
0xb8: {  	s28 =	simm.s32 $0x40;
	s26 =	simm.s32 $0x0;
	v2 =	vld [tilespmem:s25+$0x5980]  }
.LBB2_14:
0xb9: {  	p0 =	sne.s32 s28, $0x9C0;
	v3 =	vld [tilespmem:s26+$0x7780];
	_ =	sdelay $0x2  }
.Ltmp6:
0xba: {  	(pc) =	sbr.rel @p0 .LBB2_14-.Ltmp6, $4  }
0xbb: {  	_ = 	snop  }
0xbc: {  	v3 =	vadd.f32 v2, v3  }
0xbd: {  	s29 =	sshra.s32 s28, $0x2  }
0xbe: {  	s28 =	sadd.s32 $0x40, s28;
	v2 =	vld [tilespmem:s29+$0x5980];
	[tilespmem:s26+$0x7780] =	vst v3;
	s26 =	smov.u32 s29  }
0xbf: {  	v3 =	vld [tilespmem:s26+$0x7780];
	_ =	sdelay $0x4  }
0xc0: {  	v2 =	vadd.f32 v2, v3;
	_ =	sdelay $0x1  }
0xc1: {  	[tilespmem:s26+$0x7780] =	vst v2  }
0xc2: {  	s26 =	simm.s32 $0x40;
	v2 =	vld [tilespmem:s25+$0x5C00]  }
.LBB2_16:
0xc3: {  	p0 =	sne.s32 s26, $0x9C0;
	v3 =	vld [tilespmem:s25+$0x7780];
	_ =	sdelay $0x2  }
.Ltmp7:
0xc4: {  	(pc) =	sbr.rel @p0 .LBB2_16-.Ltmp7, $4  }
0xc5: {  	_ = 	snop  }
0xc6: {  	v3 =	vadd.f32 v2, v3  }
0xc7: {  	s28 =	sshra.s32 s26, $0x2  }
0xc8: {  	s26 =	sadd.s32 $0x40, s26;
	v2 =	vld [tilespmem:s28+$0x5C00];
	[tilespmem:s25+$0x7780] =	vst v3;
	s25 =	smov.u32 s28  }
0xc9: {  	v3 =	vld [tilespmem:s25+$0x7780];
	_ =	sdelay $0x4  }
0xca: {  	v2 =	vadd.f32 v2, v3;
	_ =	sdelay $0x1  }
0xcb: {  	[tilespmem:s25+$0x7780] =	vst v2;
	s25 =	simm.s32 $0x0  }
0xcc: {  	s28 =	simm.s32 $0x40;
	s26 =	simm.s32 $0x0;
	v2 =	vld [tilespmem:s25+$0x5E80]  }
.LBB2_18:
0xcd: {  	p0 =	sne.s32 s28, $0x9C0;
	v3 =	vld [tilespmem:s26+$0x7780];
	_ =	sdelay $0x2  }
.Ltmp8:
0xce: {  	(pc) =	sbr.rel @p0 .LBB2_18-.Ltmp8, $4  }
0xcf: {  	_ = 	snop  }
0xd0: {  	v3 =	vadd.f32 v2, v3  }
0xd1: {  	s29 =	sshra.s32 s28, $0x2  }
0xd2: {  	s28 =	sadd.s32 $0x40, s28;
	v2 =	vld [tilespmem:s29+$0x5E80];
	[tilespmem:s26+$0x7780] =	vst v3;
	s26 =	smov.u32 s29  }
0xd3: {  	v3 =	vld [tilespmem:s26+$0x7780];
	_ =	sdelay $0x4  }
0xd4: {  	v2 =	vadd.f32 v2, v3;
	_ =	sdelay $0x1  }
0xd5: {  	[tilespmem:s26+$0x7780] =	vst v2  }
0xd6: {  	s26 =	simm.s32 $0x40;
	v2 =	vld [tilespmem:s25+$0x6100]  }
.LBB2_20:
0xd7: {  	p0 =	sne.s32 s26, $0x9C0;
	v3 =	vld [tilespmem:s25+$0x7780];
	_ =	sdelay $0x2  }
.Ltmp9:
0xd8: {  	(pc) =	sbr.rel @p0 .LBB2_20-.Ltmp9, $4  }
0xd9: {  	_ = 	snop  }
0xda: {  	v3 =	vadd.f32 v2, v3  }
0xdb: {  	s28 =	sshra.s32 s26, $0x2  }
0xdc: {  	s26 =	sadd.s32 $0x40, s26;
	v2 =	vld [tilespmem:s28+$0x6100];
	[tilespmem:s25+$0x7780] =	vst v3;
	s25 =	smov.u32 s28  }
0xdd: {  	v3 =	vld [tilespmem:s25+$0x7780];
	_ =	sdelay $0x4  }
0xde: {  	v2 =	vadd.f32 v2, v3;
	_ =	sdelay $0x1  }
0xdf: {  	[tilespmem:s25+$0x7780] =	vst v2;
	s25 =	simm.s32 $0x0  }
0xe0: {  	s28 =	simm.s32 $0x40;
	s26 =	simm.s32 $0x0;
	v2 =	vld [tilespmem:s25+$0x6380]  }
.LBB2_22:
0xe1: {  	p0 =	sne.s32 s28, $0x9C0;
	v3 =	vld [tilespmem:s26+$0x7780];
	_ =	sdelay $0x2  }
.Ltmp10:
0xe2: {  	(pc) =	sbr.rel @p0 .LBB2_22-.Ltmp10, $4  }
0xe3: {  	_ = 	snop  }
0xe4: {  	v3 =	vadd.f32 v2, v3  }
0xe5: {  	s29 =	sshra.s32 s28, $0x2  }
0xe6: {  	s28 =	sadd.s32 $0x40, s28;
	v2 =	vld [tilespmem:s29+$0x6380];
	[tilespmem:s26+$0x7780] =	vst v3;
	s26 =	smov.u32 s29  }
0xe7: {  	v3 =	vld [tilespmem:s26+$0x7780];
	_ =	sdelay $0x4  }
0xe8: {  	v2 =	vadd.f32 v2, v3;
	_ =	sdelay $0x1  }
0xe9: {  	[tilespmem:s26+$0x7780] =	vst v2  }
0xea: {  	s26 =	simm.s32 $0x40;
	v2 =	vld [tilespmem:s25+$0x6600]  }
.LBB2_24:
0xeb: {  	p0 =	sne.s32 s26, $0x9C0;
	v3 =	vld [tilespmem:s25+$0x7780];
	_ =	sdelay $0x2  }
.Ltmp11:
0xec: {  	(pc) =	sbr.rel @p0 .LBB2_24-.Ltmp11, $4  }
0xed: {  	_ = 	snop  }
0xee: {  	v3 =	vadd.f32 v2, v3  }
0xef: {  	s28 =	sshra.s32 s26, $0x2  }
0xf0: {  	s26 =	sadd.s32 $0x40, s26;
	v2 =	vld [tilespmem:s28+$0x6600];
	[tilespmem:s25+$0x7780] =	vst v3;
	s25 =	smov.u32 s28  }
0xf1: {  	v3 =	vld [tilespmem:s25+$0x7780];
	_ =	sdelay $0x4  }
0xf2: {  	v2 =	vadd.f32 v2, v3;
	_ =	sdelay $0x1  }
0xf3: {  	[tilespmem:s25+$0x7780] =	vst v2;
	s25 =	simm.s32 $0x0  }
0xf4: {  	s28 =	simm.s32 $0x40;
	s26 =	simm.s32 $0x0;
	v2 =	vld [tilespmem:s25+$0x6880]  }
.LBB2_26:
0xf5: {  	p0 =	sne.s32 s28, $0x9C0;
	v3 =	vld [tilespmem:s26+$0x7780];
	_ =	sdelay $0x2  }
.Ltmp12:
0xf6: {  	(pc) =	sbr.rel @p0 .LBB2_26-.Ltmp12, $4  }
0xf7: {  	_ = 	snop  }
0xf8: {  	v3 =	vadd.f32 v2, v3  }
0xf9: {  	s29 =	sshra.s32 s28, $0x2  }
0xfa: {  	s28 =	sadd.s32 $0x40, s28;
	v2 =	vld [tilespmem:s29+$0x6880];
	[tilespmem:s26+$0x7780] =	vst v3;
	s26 =	smov.u32 s29  }
0xfb: {  	v3 =	vld [tilespmem:s26+$0x7780];
	_ =	sdelay $0x4  }
0xfc: {  	v2 =	vadd.f32 v2, v3;
	_ =	sdelay $0x1  }
0xfd: {  	[tilespmem:s26+$0x7780] =	vst v2  }
0xfe: {  	s26 =	simm.s32 $0x40;
	v2 =	vld [tilespmem:s25+$0x6B00]  }
.LBB2_28:
0xff: {  	p0 =	sne.s32 s26, $0x9C0;
	v3 =	vld [tilespmem:s25+$0x7780];
	_ =	sdelay $0x2  }
.Ltmp13:
0x100: {  	(pc) =	sbr.rel @p0 .LBB2_28-.Ltmp13, $4  }
0x101: {  	_ = 	snop  }
0x102: {  	v3 =	vadd.f32 v2, v3  }
0x103: {  	s28 =	sshra.s32 s26, $0x2  }
0x104: {  	s26 =	sadd.s32 $0x40, s26;
	v2 =	vld [tilespmem:s28+$0x6B00];
	[tilespmem:s25+$0x7780] =	vst v3;
	s25 =	smov.u32 s28  }
0x105: {  	v3 =	vld [tilespmem:s25+$0x7780];
	_ =	sdelay $0x4  }
0x106: {  	v2 =	vadd.f32 v2, v3;
	_ =	sdelay $0x1  }
0x107: {  	[tilespmem:s25+$0x7780] =	vst v2;
	s25 =	simm.s32 $0x0  }
0x108: {  	s28 =	simm.s32 $0x40;
	s26 =	simm.s32 $0x0;
	v2 =	vld [tilespmem:s25+$0x6D80]  }
.LBB2_30:
0x109: {  	p0 =	sne.s32 s28, $0x9C0;
	v3 =	vld [tilespmem:s26+$0x7780];
	_ =	sdelay $0x2  }
.Ltmp14:
0x10a: {  	(pc) =	sbr.rel @p0 .LBB2_30-.Ltmp14, $4  }
0x10b: {  	_ = 	snop  }
0x10c: {  	v3 =	vadd.f32 v2, v3  }
0x10d: {  	s29 =	sshra.s32 s28, $0x2  }
0x10e: {  	s28 =	sadd.s32 $0x40, s28;
	v2 =	vld [tilespmem:s29+$0x6D80];
	[tilespmem:s26+$0x7780] =	vst v3;
	s26 =	smov.u32 s29  }
0x10f: {  	v3 =	vld [tilespmem:s26+$0x7780];
	_ =	sdelay $0x4  }
0x110: {  	v2 =	vadd.f32 v2, v3;
	_ =	sdelay $0x1  }
0x111: {  	[tilespmem:s26+$0x7780] =	vst v2  }
0x112: {  	s26 =	simm.s32 $0x40;
	v2 =	vld [tilespmem:s25+$0x7000]  }
.LBB2_32:
0x113: {  	p0 =	sne.s32 s26, $0x9C0;
	v3 =	vld [tilespmem:s25+$0x7780];
	_ =	sdelay $0x2  }
.Ltmp15:
0x114: {  	(pc) =	sbr.rel @p0 .LBB2_32-.Ltmp15, $4  }
0x115: {  	_ = 	snop  }
0x116: {  	v3 =	vadd.f32 v2, v3  }
0x117: {  	s28 =	sshra.s32 s26, $0x2  }
0x118: {  	s26 =	sadd.s32 $0x40, s26;
	v2 =	vld [tilespmem:s28+$0x7000];
	[tilespmem:s25+$0x7780] =	vst v3;
	s25 =	smov.u32 s28  }
0x119: {  	v3 =	vld [tilespmem:s25+$0x7780];
	_ =	sdelay $0x4  }
0x11a: {  	v2 =	vadd.f32 v2, v3;
	_ =	sdelay $0x1  }
0x11b: {  	[tilespmem:s25+$0x7780] =	vst v2;
	s25 =	simm.s32 $0x0  }
0x11c: {  	s28 =	simm.s32 $0x40;
	s26 =	simm.s32 $0x0;
	v2 =	vld [tilespmem:s25+$0x7280]  }
.LBB2_34:
0x11d: {  	p0 =	sne.s32 s28, $0x9C0;
	v3 =	vld [tilespmem:s26+$0x7780];
	_ =	sdelay $0x2  }
.Ltmp16:
0x11e: {  	(pc) =	sbr.rel @p0 .LBB2_34-.Ltmp16, $4  }
0x11f: {  	_ = 	snop  }
0x120: {  	v3 =	vadd.f32 v2, v3  }
0x121: {  	s29 =	sshra.s32 s28, $0x2  }
0x122: {  	s28 =	sadd.s32 $0x40, s28;
	v2 =	vld [tilespmem:s29+$0x7280];
	[tilespmem:s26+$0x7780] =	vst v3;
	s26 =	smov.u32 s29  }
0x123: {  	v3 =	vld [tilespmem:s26+$0x7780];
	_ =	sdelay $0x4  }
0x124: {  	v2 =	vadd.f32 v2, v3;
	_ =	sdelay $0x1  }
0x125: {  	[tilespmem:s26+$0x7780] =	vst v2  }
0x126: {  	s26 =	simm.s32 $0x40;
	v2 =	vld [tilespmem:s25+$0x7500]  }
.LBB2_36:
0x127: {  	p0 =	sne.s32 s26, $0x9C0;
	v3 =	vld [tilespmem:s25+$0x7780];
	_ =	sdelay $0x2  }
.Ltmp17:
0x128: {  	(pc) =	sbr.rel @p0 .LBB2_36-.Ltmp17, $4  }
0x129: {  	_ = 	snop  }
0x12a: {  	v3 =	vadd.f32 v2, v3  }
0x12b: {  	s28 =	sshra.s32 s26, $0x2  }
0x12c: {  	s26 =	sadd.s32 $0x40, s26;
	v2 =	vld [tilespmem:s28+$0x7500];
	[tilespmem:s25+$0x7780] =	vst v3;
	s25 =	smov.u32 s28  }
0x12d: {  	v3 =	vld [tilespmem:s25+$0x7780];
	_ =	sdelay $0x4  }
0x12e: {  	s2 =	sadd.s32 $0x1, s2;
	v2 =	vadd.f32 v2, v3  }
0x12f: {  	p0 =	sne.s32 s2, s22  }
.Ltmp18:
0x130: {  	s29 =	simm.s32 $0x0;
	[tilespmem:s25+$0x7780] =	vst v2;
	(pc) =	sbr.rel @p0 .LBB2_1-.Ltmp18, $4  }
0x131: {  	[hbm4b:s21+s29] =	stream.linear.scatter [tilespmem:s1], [sflag:$0x1], $0x280, $0x38;
	[tilespmem:$0xA200] =	vst v63  }
0x132: {  	_ =	swait.ge [sflag:s23], $0x280  }
0x133: {  	[sflag:s23] =	ssyncset.done $0x0  }
0x134: {  	[sflag:s23] =	ssyncadd.s32 $0xFFFFFD80  }
0x135: {  	_ =	sfence.sel $0x180000  }
0x136: {  	[bflag:$0x0] =	sbarrier.arrive $0xFFFF  }
0x137: {  	_ =	strace $0x90000047  }
0x138: {  	s0 =	stileid.u32;
	[bflag:$0x2] =	sbarrier.arrive $0xFFFF  }
0x139: {  	p0 =	sne.s32 s0, $0x0;
	s0 =	rddreg [dreg:$0x3]  }
0x13a: {  	s0 =	sadd.s32 @!p0 $0x100000, s0  }
0x13b: {  	[sflag:s0] =	ssyncadd.tile.s32 @!p0 $0x1;
	_ =	shalt  }
.Lfunc_end2:
_tile_overlayer_lowered:
.L_overlay_start_2:
0x13c: {  	(tag) =	ssettag $0x2  }
0x13d: {  	s0 =	rddreg [dreg:$0x0];
	s2 =	stileid.u32  }
0x13e: {  	s1 =	rddreg [dreg:$0x1];
	p0 =	sne.s32 s2, $0x0  }
0x13f: {  	s3 =	rddreg [dreg:$0x2];
	[bflag:$0x3] =	sbarrier.arrive $0xFFFF;
	s2 =	simm.s32 @!p0 $0x1C01  }
0x140: {  	[timem:s3], [sflag:s2] =	dma.local @!p0 [hbm:s0], s1  }
0x141: {  	s0 =	simm.s32 @!p0 $0x1  }
0x142: {  	_ =	swait.ge @!p0 [sflag:s0], s1  }
0x143: {  	s1 =	ssub.s32 @!p0 $0x0, s1;
	[sflag:s0] =	ssyncset.done @!p0 $0x0  }
0x144: {  	[sflag:s0] =	ssyncadd.s32 @!p0 s1  }
0x145: {  	[bflag:$0x3] =	sbarrier.arrive $0xFFFF  }
0x146: {  	_ =	shalt  }

</sc_bundles>
